<compile_context>
chip_gen: v7x
topology: tpu7x:2x2x1
jax: 0.10.2.dev20260603
libtpu: 0.0.44.dev20260713+nightly
codegen_flags: <defaults>
</compile_context>

<pallas_src>
import functools

import jax
import jax.numpy as jnp
from jax import lax
from jax.experimental import pallas as pl
from jax.experimental.pallas import tpu as pltpu
from jax.experimental.pallas import tpu_sc as plsc

_B = 16384
_AUDIO = 128
_D = 256
_AD = 32
_NC = 2
_NS = 16
_NW = _NC * _NS
_BPW = _B // _NW
_CH = 128
_NCHUNK = _BPW // _CH


def _sc_gather_item(item_idx, item_tab, nb):
    bpw = nb // _NW
    nchunk = bpw // _CH
    mesh = plsc.VectorSubcoreMesh(core_axis_name="c", subcore_axis_name="s")

    @functools.partial(
        pl.kernel,
        mesh=mesh,
        out_type=jax.ShapeDtypeStruct((nb, _D), jnp.float32),
        scratch_types=[
            pltpu.VMEM((nchunk, _CH), jnp.int32),
            pltpu.VMEM((_CH, _D), jnp.float32),
            pltpu.VMEM((_CH, _D), jnp.float32),
            pltpu.SemaphoreType.DMA,
            pltpu.SemaphoreType.DMA,
            pltpu.SemaphoreType.DMA,
            pltpu.SemaphoreType.DMA,
        ],
    )
    def k(item_idx_h, item_tab_h, out_item, iidx, ibuf0, ibuf1, g0, g1, o0,
          o1):
        wid = lax.axis_index("s") * _NC + lax.axis_index("c")
        base = wid * bpw
        pltpu.sync_copy(item_idx_h.at[wid], iidx)

        ibufs = (ibuf0, ibuf1)
        gsems = (g0, g1)
        osems = (o0, o1)
        gcp = [None] * nchunk
        ocp = [None] * nchunk
        gcp[0] = pltpu.async_copy(item_tab_h.at[iidx.at[0]], ibufs[0], gsems[0])
        for c in range(nchunk):
            s = c % 2
            if c + 1 < nchunk:
                if c - 1 >= 0:
                    ocp[c - 1].wait()
                gcp[c + 1] = pltpu.async_copy(
                    item_tab_h.at[iidx.at[c + 1]], ibufs[(c + 1) % 2],
                    gsems[(c + 1) % 2])
            gcp[c].wait()
            ocp[c] = pltpu.async_copy(
                ibufs[s], out_item.at[pl.ds(base + c * _CH, _CH)], osems[s])

        for cp in ocp[-2:]:
            cp.wait()

    return k(item_idx, item_tab)


def _ln(x, g, b):
    m = jnp.mean(x, axis=-1, keepdims=True)
    v = jnp.mean((x - m) ** 2, axis=-1, keepdims=True)
    return (x - m) / jnp.sqrt(v + 1e-5) * g + b


_BM = 2048


def _ln_cols(x, g, b):
    m = jnp.mean(x, axis=0, keepdims=True)
    v = jnp.mean((x - m) ** 2, axis=0, keepdims=True)
    return (x - m) / jnp.sqrt(v + 1e-5) * g + b


def _tc_body(prev, ie, idr, art, alt, wa, w1d, w1i, w1ab, w2, p256, p32t,
             out):
    f32 = jnp.float32
    bf16 = jnp.bfloat16
    dense = jnp.dot(ie[...], wa[...], preferred_element_type=f32) + p256[0:1, :]
    dense = jnp.maximum(_ln(dense, p256[1:2, :], p256[2:3, :]), 0.0)
    idv = _ln(idr[...], p256[3:4, :], p256[4:5, :])
    arv = _ln_cols(art[...], p32t[:, 0:1], p32t[:, 1:2])
    alv = _ln_cols(alt[...], p32t[:, 2:3], p32t[:, 3:4])
    ab_t = jnp.concatenate([arv, alv], axis=0)
    h = (jnp.dot(dense.astype(bf16), w1d[...].astype(bf16),
                 preferred_element_type=f32)
         + jnp.dot(idv.astype(bf16), w1i[...].astype(bf16),
                   preferred_element_type=f32)
         + lax.dot_general(ab_t.astype(bf16), w1ab[...].astype(bf16),
                           (((0,), (0,)), ((), ())),
                           preferred_element_type=f32)
         + p256[5:6, :])
    h = jnp.maximum(_ln(h, p256[6:7, :], p256[7:8, :]), 0.0)
    h = jnp.dot(h.astype(bf16), w2[...].astype(bf16),
                preferred_element_type=f32) + p256[8:9, :]
    h = jnp.maximum(_ln(h, p256[9:10, :], p256[10:11, :]), 0.0)
    n = jnp.sqrt(jnp.sum(h * h, axis=-1, keepdims=True))
    out[...] = h / jnp.maximum(n, 1e-12)


def _tc_forward(prev, off, nb, item_embed, id_rows, art_t, alb_t, Wa, W1d,
                W1i, W1ab, W2, P256, P32T):
    grid = (nb // _BM,)
    ob = off // _BM
    specs = [
        pl.BlockSpec((_BM, _AUDIO), lambda i: (ob + i, 0)),
        pl.BlockSpec((_BM, _D), lambda i: (ob + i, 0)),
        pl.BlockSpec((_AD, _BM), lambda i: (0, i)),
        pl.BlockSpec((_AD, _BM), lambda i: (0, i)),
        pl.BlockSpec((_AUDIO, _D), lambda i: (0, 0)),
        pl.BlockSpec((_D, _D), lambda i: (0, 0)),
        pl.BlockSpec((_D, _D), lambda i: (0, 0)),
        pl.BlockSpec((2 * _AD, _D), lambda i: (0, 0)),
        pl.BlockSpec((_D, _D), lambda i: (0, 0)),
        pl.BlockSpec((16, _D), lambda i: (0, 0)),
        pl.BlockSpec((_AD, 8), lambda i: (0, 0)),
    ]
    args = [item_embed, id_rows, art_t, alb_t, Wa, W1d, W1i, W1ab, W2, P256,
            P32T]
    body = _tc_body
    aliases = {}
    if prev is not None:
        specs = [pl.BlockSpec(memory_space=pl.ANY)] + specs
        args = [prev] + args
        aliases = {0: 0}
    else:
        def body(*refs):
            return _tc_body(None, *refs)
    return pl.pallas_call(
        body,
        grid=grid,
        in_specs=specs,
        out_specs=pl.BlockSpec((_BM, _D), lambda i: (ob + i, 0)),
        out_shape=jax.ShapeDtypeStruct((_B, _D), jnp.float32),
        input_output_aliases=aliases,
    )(*args)


def kernel(item_embed, target_item_id, item_artist_id, item_album_id,
           item_table, artist_table, album_table, Wa, ba, g_audio, b_audio,
           g_id, b_id, g_art, b_art, g_alb, b_alb, W1, b1, g1, be1, W2, b2,
           g2, be2):
    W1d = W1[:_D]
    W1i = W1[_D:2 * _D]
    W1ab = W1[2 * _D:]
    P256 = jnp.concatenate([
        jnp.stack([ba, g_audio, b_audio, g_id, b_id, b1, g1, be1, b2, g2,
                   be2]),
        jnp.zeros((5, _D), jnp.float32),
    ])
    P32T = jnp.concatenate([
        jnp.stack([g_art, b_art, g_alb, b_alb], axis=1),
        jnp.zeros((_AD, 4), jnp.float32),
    ], axis=1)

    def zdep(x):
        return (x.reshape(-1)[0] * 0.0).astype(jnp.int32)

    nsplit = 2
    nb = _B // nsplit
    tid = target_item_id.astype(jnp.int32)
    aid = item_artist_id.astype(jnp.int32)
    lid = item_album_id.astype(jnp.int32)
    out = None
    iidx = tid.reshape(_NW, _B // _NW // _CH, _CH)
    id_rows = _sc_gather_item(iidx, item_table, _B)
    gdep = zdep(id_rows)
    for s in range(nsplit):
        sl = slice(s * nb, (s + 1) * nb)
        art_t = artist_table.at[aid[sl] + gdep].get(
            mode="promise_in_bounds").T
        alb_t = album_table.at[lid[sl] + gdep].get(
            mode="promise_in_bounds").T
        gdep = zdep(art_t) + zdep(alb_t)
        out = _tc_forward(out, s * nb, nb, item_embed, id_rows, art_t, alb_t,
                          Wa, W1d, W1i, W1ab, W2, P256, P32T)
    return out

# --- scband reference (transcript-rebuilt; emitter-appended) ---
"""Pipeline reference for scband-item-tower-61718680043729 (READ-ONLY COPY).

The authoritative reference and input builder live on the scoring server;
editing this copy changes nothing except your own understanding.
"""

import jax, jax.numpy as jnp
import numpy as np

NUM_ITEMS = 1000001
NUM_ARTISTS = 1000000
NUM_ALBUMS = 1000000
B = 16384
AUDIO = 128
D = 256
AD = 32


def _xavier(k, shape):
    a = float(np.sqrt(6.0 / (shape[0] + shape[1])))
    return jax.random.uniform(k, shape, jnp.float32, -a, a)


def setup_inputs(seed: int = 0) -> dict:
    key = jax.random.key(seed)
    ks = jax.random.split(key, 16)
    item_embed = jax.random.normal(ks[0], (B, AUDIO), jnp.float32)
    target_item_id = jax.random.randint(ks[1], (B,), 0, NUM_ITEMS)
    item_artist_id = jax.random.randint(ks[2], (B,), 0, NUM_ARTISTS)
    item_album_id = jax.random.randint(ks[3], (B,), 0, NUM_ALBUMS)
    item_table = (jax.random.normal(ks[4], (NUM_ITEMS, D), jnp.float32) * 0.02).at[0].set(0.0)
    artist_table = jax.random.normal(ks[5], (NUM_ARTISTS, AD), jnp.float32) * 0.02
    album_table = jax.random.normal(ks[6], (NUM_ALBUMS, AD), jnp.float32) * 0.02
    Wa = _xavier(ks[7], (AUDIO, D)); ba = jnp.zeros((D,), jnp.float32)
    g_audio = jnp.ones((D,), jnp.float32); b_audio = jnp.zeros((D,), jnp.float32)
    g_id = jnp.ones((D,), jnp.float32); b_id = jnp.zeros((D,), jnp.float32)
    g_art = jnp.ones((AD,), jnp.float32); b_art = jnp.zeros((AD,), jnp.float32)
    g_alb = jnp.ones((AD,), jnp.float32); b_alb = jnp.zeros((AD,), jnp.float32)
    W1 = _xavier(ks[8], (D + D + AD + AD, 256)); b1 = jnp.zeros((256,), jnp.float32)
    g1 = jnp.ones((256,), jnp.float32); be1 = jnp.zeros((256,), jnp.float32)
    W2 = _xavier(ks[9], (256, 256)); b2 = jnp.zeros((256,), jnp.float32)
    g2 = jnp.ones((256,), jnp.float32); be2 = jnp.zeros((256,), jnp.float32)
    return {"item_embed": item_embed, "target_item_id": target_item_id, "item_artist_id": item_artist_id, "item_album_id": item_album_id, "item_table": item_table, "artist_table": artist_table, "album_table": album_table, "Wa": Wa, "ba": ba, "g_audio": g_audio, "b_audio": b_audio, "g_id": g_id, "b_id": b_id, "g_art": g_art, "b_art": b_art, "g_alb": g_alb, "b_alb": b_alb, "W1": W1, "b1": b1, "g1": g1, "be1": be1, "W2": W2, "b2": b2, "g2": g2, "be2": be2}


def _ln(x, g, b, eps=1e-5):
    m = jnp.mean(x, axis=-1, keepdims=True)
    v = jnp.mean((x - m) ** 2, axis=-1, keepdims=True)
    return (x - m) / jnp.sqrt(v + eps) * g + b


def reference(item_embed, target_item_id, item_artist_id, item_album_id, item_table, artist_table, album_table, Wa, ba, g_audio, b_audio, g_id, b_id, g_art, b_art, g_alb, b_alb, W1, b1, g1, be1, W2, b2, g2, be2):
    dense_vec = jax.nn.relu(_ln(item_embed @ Wa + ba, g_audio, b_audio))
    id_emb = _ln(jnp.take(item_table, target_item_id, axis=0), g_id, b_id)
    artist_emb = _ln(jnp.take(artist_table, item_artist_id, axis=0), g_art, b_art)
    album_emb = _ln(jnp.take(album_table, item_album_id, axis=0), g_alb, b_alb)
    features = jnp.concatenate([dense_vec, id_emb, artist_emb, album_emb], axis=-1)
    h = jax.nn.relu(_ln(features @ W1 + b1, g1, be1))
    h = jax.nn.relu(_ln(h @ W2 + b2, g2, be2))
    n = jnp.maximum(jnp.linalg.norm(h, axis=-1, keepdims=True), 1e-12)
    return h / n

if __name__ == "__main__":
    import jax
    _d = setup_inputs()
    print(jax.jit(kernel)(*tuple(_d.values())))

</pallas_src>

<mosaic_0001>
#map = affine_map<(d0, d1) -> (0, 0, 0)>
#map1 = affine_map<(d0, d1) -> (0, 0)>
module attributes {stable_mosaic.version = 14 : i64} {
  func.func @k(%arg0: i32, %arg1: i32, %arg2: memref<32x4x128xi32, #tpu.memory_space<hbm>>, %arg3: memref<1000001x256xf32, #tpu.memory_space<hbm>>, %arg4: memref<16384x256xf32, #tpu.memory_space<hbm>>, %arg5: memref<4x128xi32, #tpu.memory_space<vmem>>, %arg6: memref<128x256xf32, #tpu.memory_space<vmem>>, %arg7: memref<128x256xf32, #tpu.memory_space<vmem>>, %arg8: memref<!tpu.dma_semaphore, #tpu.memory_space<semaphore_mem>>, %arg9: memref<!tpu.dma_semaphore, #tpu.memory_space<semaphore_mem>>, %arg10: memref<!tpu.dma_semaphore, #tpu.memory_space<semaphore_mem>>, %arg11: memref<!tpu.dma_semaphore, #tpu.memory_space<semaphore_mem>>) attributes {dimension_semantics = [#tpu.dimension_semantics<core_parallel>, #tpu.dimension_semantics<subcore_parallel>], iteration_bounds = array<i64: 2, 16>, scalar_prefetch = 0 : i64, scratch_operands = 7 : i64, tpu.core_type = #tpu.core_type<sc_vector_subcore>, window_params = [{transform_indices = #map}, {transform_indices = #map1}, {transform_indices = #map1}]} {
    %mul3A = arith.constant 2 : i32
    %mul3A_0 = arith.muli %arg1, %mul3A : i32
    %add3A = arith.addi %mul3A_0, %arg0 : i32
    %mul3A_1 = arith.constant 512 : i32
    %mul3A_2 = arith.muli %add3A, %mul3A_1 : i32
    "tpu.region"() ({
      %run_scoped3A = tpu.sem_alloc : memref<!tpu.dma_semaphore, #tpu.memory_space<semaphore_mem>>
      %dma_start3A_97 = arith.constant 0 : i32
      %dma_start3A_98 = arith.constant 0 : i32
      %dma_start3A_99 = tpu.memref_slice %arg2[%add3A, %dma_start3A_97, %dma_start3A_98] : memref<32x4x128xi32, #tpu.memory_space<hbm>> -> memref<1x4x128xi32, #tpu.memory_space<hbm>>
      %dma_start3A_100 = tpu.memref_squeeze %dma_start3A_99 : memref<1x4x128xi32, #tpu.memory_space<hbm>> -> memref<4x128xi32, #tpu.memory_space<hbm>>
      %dma_start3A_101 = arith.constant 0 : i32
      %dma_start3A_102 = arith.constant 0 : i32
      %dma_start3A_103 = tpu.memref_slice %arg2[%add3A, %dma_start3A_101, %dma_start3A_102] : memref<32x4x128xi32, #tpu.memory_space<hbm>> -> memref<1x4x128xi32, #tpu.memory_space<hbm>>
      %dma_start3A_104 = tpu.memref_squeeze %dma_start3A_103 : memref<1x4x128xi32, #tpu.memory_space<hbm>> -> memref<4x128xi32, #tpu.memory_space<hbm>>
      tpu.enqueue_dma source(%dma_start3A_104 : memref<4x128xi32, #tpu.memory_space<hbm>>) target(%arg5 : memref<4x128xi32, #tpu.memory_space<vmem>>) target_semaphore(%run_scoped3A : memref<!tpu.dma_semaphore, #tpu.memory_space<semaphore_mem>>)
      %dma_wait3A_105 = arith.constant 0 : i32
      %dma_wait3A_106 = arith.constant 0 : i32
      %dma_wait3A_107 = tpu.memref_slice %arg2[%add3A, %dma_wait3A_105, %dma_wait3A_106] : memref<32x4x128xi32, #tpu.memory_space<hbm>> -> memref<1x4x128xi32, #tpu.memory_space<hbm>>
      %dma_wait3A_108 = tpu.memref_squeeze %dma_wait3A_107 : memref<1x4x128xi32, #tpu.memory_space<hbm>> -> memref<4x128xi32, #tpu.memory_space<hbm>>
      %dma_wait3A_109 = arith.constant 0 : i32
      %dma_wait3A_110 = arith.constant 0 : i32
      %dma_wait3A_111 = tpu.memref_slice %arg2[%add3A, %dma_wait3A_109, %dma_wait3A_110] : memref<32x4x128xi32, #tpu.memory_space<hbm>> -> memref<1x4x128xi32, #tpu.memory_space<hbm>>
      %dma_wait3A_112 = tpu.memref_squeeze %dma_wait3A_111 : memref<1x4x128xi32, #tpu.memory_space<hbm>> -> memref<4x128xi32, #tpu.memory_space<hbm>>
      tpu.wait_dma2 semaphore(%run_scoped3A : memref<!tpu.dma_semaphore, #tpu.memory_space<semaphore_mem>>) src(%dma_wait3A_112 : memref<4x128xi32, #tpu.memory_space<hbm>>) dst(%arg5 : memref<4x128xi32, #tpu.memory_space<vmem>>)
      tpu.yield
    }) : () -> ()
    %dma_start3A = arith.constant 0 : i32
    %dma_start3A_3 = arith.constant 0 : i32
    %dma_start3A_4 = tpu.memref_slice %arg5[%dma_start3A, %dma_start3A_3] : memref<4x128xi32, #tpu.memory_space<vmem>> -> memref<1x128xi32, #tpu.memory_space<vmem>>
    %dma_start3A_5 = tpu.memref_squeeze %dma_start3A_4 : memref<1x128xi32, #tpu.memory_space<vmem>> -> memref<128xi32, #tpu.memory_space<vmem>>
    %dma_start3A_6 = arith.constant 0 : i32
    %dma_start3A_7 = arith.constant 0 : i32
    %dma_start3A_8 = tpu.memref_slice %arg3[%dma_start3A_6, %dma_start3A_7] : memref<1000001x256xf32, #tpu.memory_space<hbm>> -> memref<1000001x256xf32, #tpu.memory_space<hbm>>
    tpu.enqueue_indirect_dma source(%dma_start3A_8 : memref<1000001x256xf32, #tpu.memory_space<hbm>>) target(%arg6 : memref<128x256xf32, #tpu.memory_space<vmem>>) offsets(%dma_start3A_5 : memref<128xi32, #tpu.memory_space<vmem>>) semaphore(%arg8 : memref<!tpu.dma_semaphore, #tpu.memory_space<semaphore_mem>>)
    %dma_start3A_9 = arith.constant 1 : i32
    %dma_start3A_10 = arith.constant 0 : i32
    %dma_start3A_11 = tpu.memref_slice %arg5[%dma_start3A_9, %dma_start3A_10] : memref<4x128xi32, #tpu.memory_space<vmem>> -> memref<1x128xi32, #tpu.memory_space<vmem>>
    %dma_start3A_12 = tpu.memref_squeeze %dma_start3A_11 : memref<1x128xi32, #tpu.memory_space<vmem>> -> memref<128xi32, #tpu.memory_space<vmem>>
    %dma_start3A_13 = arith.constant 0 : i32
    %dma_start3A_14 = arith.constant 0 : i32
    %dma_start3A_15 = tpu.memref_slice %arg3[%dma_start3A_13, %dma_start3A_14] : memref<1000001x256xf32, #tpu.memory_space<hbm>> -> memref<1000001x256xf32, #tpu.memory_space<hbm>>
    tpu.enqueue_indirect_dma source(%dma_start3A_15 : memref<1000001x256xf32, #tpu.memory_space<hbm>>) target(%arg7 : memref<128x256xf32, #tpu.memory_space<vmem>>) offsets(%dma_start3A_12 : memref<128xi32, #tpu.memory_space<vmem>>) semaphore(%arg9 : memref<!tpu.dma_semaphore, #tpu.memory_space<semaphore_mem>>)
    %dma_wait3A = arith.constant 0 : i32
    %dma_wait3A_16 = arith.constant 0 : i32
    %dma_wait3A_17 = tpu.memref_slice %arg5[%dma_wait3A, %dma_wait3A_16] : memref<4x128xi32, #tpu.memory_space<vmem>> -> memref<1x128xi32, #tpu.memory_space<vmem>>
    %dma_wait3A_18 = tpu.memref_squeeze %dma_wait3A_17 : memref<1x128xi32, #tpu.memory_space<vmem>> -> memref<128xi32, #tpu.memory_space<vmem>>
    %dma_wait3A_19 = arith.constant 0 : i32
    %dma_wait3A_20 = arith.constant 0 : i32
    %dma_wait3A_21 = tpu.memref_slice %arg3[%dma_wait3A_19, %dma_wait3A_20] : memref<1000001x256xf32, #tpu.memory_space<hbm>> -> memref<1000001x256xf32, #tpu.memory_space<hbm>>
    tpu.wait_indirect_dma semaphore(%arg8 : memref<!tpu.dma_semaphore, #tpu.memory_space<semaphore_mem>>) src(%dma_wait3A_21 : memref<1000001x256xf32, #tpu.memory_space<hbm>>) dst(%arg6 : memref<128x256xf32, #tpu.memory_space<vmem>>)
    %add3A_22 = arith.constant 0 : i32
    %add3A_23 = arith.addi %mul3A_2, %add3A_22 : i32
    %dma_start3A_24 = arith.constant 0 : i32
    %dma_start3A_25 = tpu.memref_slice %arg4[%add3A_23, %dma_start3A_24] : memref<16384x256xf32, #tpu.memory_space<hbm>> -> memref<128x256xf32, #tpu.memory_space<hbm>>
    %dma_start3A_26 = arith.constant 0 : i32
    %dma_start3A_27 = tpu.memref_slice %arg4[%add3A_23, %dma_start3A_26] : memref<16384x256xf32, #tpu.memory_space<hbm>> -> memref<128x256xf32, #tpu.memory_space<hbm>>
    tpu.enqueue_dma source(%arg6 : memref<128x256xf32, #tpu.memory_space<vmem>>) target(%dma_start3A_27 : memref<128x256xf32, #tpu.memory_space<hbm>>) target_semaphore(%arg10 : memref<!tpu.dma_semaphore, #tpu.memory_space<semaphore_mem>>)
    %dma_wait3A_28 = arith.constant 0 : i32
    %dma_wait3A_29 = tpu.memref_slice %arg4[%add3A_23, %dma_wait3A_28] : memref<16384x256xf32, #tpu.memory_space<hbm>> -> memref<128x256xf32, #tpu.memory_space<hbm>>
    %dma_wait3A_30 = arith.constant 0 : i32
    %dma_wait3A_31 = tpu.memref_slice %arg4[%add3A_23, %dma_wait3A_30] : memref<16384x256xf32, #tpu.memory_space<hbm>> -> memref<128x256xf32, #tpu.memory_space<hbm>>
    tpu.wait_dma2 semaphore(%arg10 : memref<!tpu.dma_semaphore, #tpu.memory_space<semaphore_mem>>) src(%arg6 : memref<128x256xf32, #tpu.memory_space<vmem>>) dst(%dma_wait3A_31 : memref<128x256xf32, #tpu.memory_space<hbm>>)
    %dma_start3A_32 = arith.constant 2 : i32
    %dma_start3A_33 = arith.constant 0 : i32
    %dma_start3A_34 = tpu.memref_slice %arg5[%dma_start3A_32, %dma_start3A_33] : memref<4x128xi32, #tpu.memory_space<vmem>> -> memref<1x128xi32, #tpu.memory_space<vmem>>
    %dma_start3A_35 = tpu.memref_squeeze %dma_start3A_34 : memref<1x128xi32, #tpu.memory_space<vmem>> -> memref<128xi32, #tpu.memory_space<vmem>>
    %dma_start3A_36 = arith.constant 0 : i32
    %dma_start3A_37 = arith.constant 0 : i32
    %dma_start3A_38 = tpu.memref_slice %arg3[%dma_start3A_36, %dma_start3A_37] : memref<1000001x256xf32, #tpu.memory_space<hbm>> -> memref<1000001x256xf32, #tpu.memory_space<hbm>>
    tpu.enqueue_indirect_dma source(%dma_start3A_38 : memref<1000001x256xf32, #tpu.memory_space<hbm>>) target(%arg6 : memref<128x256xf32, #tpu.memory_space<vmem>>) offsets(%dma_start3A_35 : memref<128xi32, #tpu.memory_space<vmem>>) semaphore(%arg8 : memref<!tpu.dma_semaphore, #tpu.memory_space<semaphore_mem>>)
    %dma_wait3A_39 = arith.constant 1 : i32
    %dma_wait3A_40 = arith.constant 0 : i32
    %dma_wait3A_41 = tpu.memref_slice %arg5[%dma_wait3A_39, %dma_wait3A_40] : memref<4x128xi32, #tpu.memory_space<vmem>> -> memref<1x128xi32, #tpu.memory_space<vmem>>
    %dma_wait3A_42 = tpu.memref_squeeze %dma_wait3A_41 : memref<1x128xi32, #tpu.memory_space<vmem>> -> memref<128xi32, #tpu.memory_space<vmem>>
    %dma_wait3A_43 = arith.constant 0 : i32
    %dma_wait3A_44 = arith.constant 0 : i32
    %dma_wait3A_45 = tpu.memref_slice %arg3[%dma_wait3A_43, %dma_wait3A_44] : memref<1000001x256xf32, #tpu.memory_space<hbm>> -> memref<1000001x256xf32, #tpu.memory_space<hbm>>
    tpu.wait_indirect_dma semaphore(%arg9 : memref<!tpu.dma_semaphore, #tpu.memory_space<semaphore_mem>>) src(%dma_wait3A_45 : memref<1000001x256xf32, #tpu.memory_space<hbm>>) dst(%arg7 : memref<128x256xf32, #tpu.memory_space<vmem>>)
    %add3A_46 = arith.constant 128 : i32
    %add3A_47 = arith.addi %mul3A_2, %add3A_46 : i32
    %dma_start3A_48 = arith.constant 0 : i32
    %dma_start3A_49 = tpu.memref_slice %arg4[%add3A_47, %dma_start3A_48] : memref<16384x256xf32, #tpu.memory_space<hbm>> -> memref<128x256xf32, #tpu.memory_space<hbm>>
    %dma_start3A_50 = arith.constant 0 : i32
    %dma_start3A_51 = tpu.memref_slice %arg4[%add3A_47, %dma_start3A_50] : memref<16384x256xf32, #tpu.memory_space<hbm>> -> memref<128x256xf32, #tpu.memory_space<hbm>>
    tpu.enqueue_dma source(%arg7 : memref<128x256xf32, #tpu.memory_space<vmem>>) target(%dma_start3A_51 : memref<128x256xf32, #tpu.memory_space<hbm>>) target_semaphore(%arg11 : memref<!tpu.dma_semaphore, #tpu.memory_space<semaphore_mem>>)
    %dma_wait3A_52 = arith.constant 0 : i32
    %dma_wait3A_53 = tpu.memref_slice %arg4[%add3A_47, %dma_wait3A_52] : memref<16384x256xf32, #tpu.memory_space<hbm>> -> memref<128x256xf32, #tpu.memory_space<hbm>>
    %dma_wait3A_54 = arith.constant 0 : i32
    %dma_wait3A_55 = tpu.memref_slice %arg4[%add3A_47, %dma_wait3A_54] : memref<16384x256xf32, #tpu.memory_space<hbm>> -> memref<128x256xf32, #tpu.memory_space<hbm>>
    tpu.wait_dma2 semaphore(%arg11 : memref<!tpu.dma_semaphore, #tpu.memory_space<semaphore_mem>>) src(%arg7 : memref<128x256xf32, #tpu.memory_space<vmem>>) dst(%dma_wait3A_55 : memref<128x256xf32, #tpu.memory_space<hbm>>)
    %dma_start3A_56 = arith.constant 3 : i32
    %dma_start3A_57 = arith.constant 0 : i32
    %dma_start3A_58 = tpu.memref_slice %arg5[%dma_start3A_56, %dma_start3A_57] : memref<4x128xi32, #tpu.memory_space<vmem>> -> memref<1x128xi32, #tpu.memory_space<vmem>>
    %dma_start3A_59 = tpu.memref_squeeze %dma_start3A_58 : memref<1x128xi32, #tpu.memory_space<vmem>> -> memref<128xi32, #tpu.memory_space<vmem>>
    %dma_start3A_60 = arith.constant 0 : i32
    %dma_start3A_61 = arith.constant 0 : i32
    %dma_start3A_62 = tpu.memref_slice %arg3[%dma_start3A_60, %dma_start3A_61] : memref<1000001x256xf32, #tpu.memory_space<hbm>> -> memref<1000001x256xf32, #tpu.memory_space<hbm>>
    tpu.enqueue_indirect_dma source(%dma_start3A_62 : memref<1000001x256xf32, #tpu.memory_space<hbm>>) target(%arg7 : memref<128x256xf32, #tpu.memory_space<vmem>>) offsets(%dma_start3A_59 : memref<128xi32, #tpu.memory_space<vmem>>) semaphore(%arg9 : memref<!tpu.dma_semaphore, #tpu.memory_space<semaphore_mem>>)
    %dma_wait3A_63 = arith.constant 2 : i32
    %dma_wait3A_64 = arith.constant 0 : i32
    %dma_wait3A_65 = tpu.memref_slice %arg5[%dma_wait3A_63, %dma_wait3A_64] : memref<4x128xi32, #tpu.memory_space<vmem>> -> memref<1x128xi32, #tpu.memory_space<vmem>>
    %dma_wait3A_66 = tpu.memref_squeeze %dma_wait3A_65 : memref<1x128xi32, #tpu.memory_space<vmem>> -> memref<128xi32, #tpu.memory_space<vmem>>
    %dma_wait3A_67 = arith.constant 0 : i32
    %dma_wait3A_68 = arith.constant 0 : i32
    %dma_wait3A_69 = tpu.memref_slice %arg3[%dma_wait3A_67, %dma_wait3A_68] : memref<1000001x256xf32, #tpu.memory_space<hbm>> -> memref<1000001x256xf32, #tpu.memory_space<hbm>>
    tpu.wait_indirect_dma semaphore(%arg8 : memref<!tpu.dma_semaphore, #tpu.memory_space<semaphore_mem>>) src(%dma_wait3A_69 : memref<1000001x256xf32, #tpu.memory_space<hbm>>) dst(%arg6 : memref<128x256xf32, #tpu.memory_space<vmem>>)
    %add3A_70 = arith.constant 256 : i32
    %add3A_71 = arith.addi %mul3A_2, %add3A_70 : i32
    %dma_start3A_72 = arith.constant 0 : i32
    %dma_start3A_73 = tpu.memref_slice %arg4[%add3A_71, %dma_start3A_72] : memref<16384x256xf32, #tpu.memory_space<hbm>> -> memref<128x256xf32, #tpu.memory_space<hbm>>
    %dma_start3A_74 = arith.constant 0 : i32
    %dma_start3A_75 = tpu.memref_slice %arg4[%add3A_71, %dma_start3A_74] : memref<16384x256xf32, #tpu.memory_space<hbm>> -> memref<128x256xf32, #tpu.memory_space<hbm>>
    tpu.enqueue_dma source(%arg6 : memref<128x256xf32, #tpu.memory_space<vmem>>) target(%dma_start3A_75 : memref<128x256xf32, #tpu.memory_space<hbm>>) target_semaphore(%arg10 : memref<!tpu.dma_semaphore, #tpu.memory_space<semaphore_mem>>)
    %dma_wait3A_76 = arith.constant 3 : i32
    %dma_wait3A_77 = arith.constant 0 : i32
    %dma_wait3A_78 = tpu.memref_slice %arg5[%dma_wait3A_76, %dma_wait3A_77] : memref<4x128xi32, #tpu.memory_space<vmem>> -> memref<1x128xi32, #tpu.memory_space<vmem>>
    %dma_wait3A_79 = tpu.memref_squeeze %dma_wait3A_78 : memref<1x128xi32, #tpu.memory_space<vmem>> -> memref<128xi32, #tpu.memory_space<vmem>>
    %dma_wait3A_80 = arith.constant 0 : i32
    %dma_wait3A_81 = arith.constant 0 : i32
    %dma_wait3A_82 = tpu.memref_slice %arg3[%dma_wait3A_80, %dma_wait3A_81] : memref<1000001x256xf32, #tpu.memory_space<hbm>> -> memref<1000001x256xf32, #tpu.memory_space<hbm>>
    tpu.wait_indirect_dma semaphore(%arg9 : memref<!tpu.dma_semaphore, #tpu.memory_space<semaphore_mem>>) src(%dma_wait3A_82 : memref<1000001x256xf32, #tpu.memory_space<hbm>>) dst(%arg7 : memref<128x256xf32, #tpu.memory_space<vmem>>)
    %add3A_83 = arith.constant 384 : i32
    %add3A_84 = arith.addi %mul3A_2, %add3A_83 : i32
    %dma_start3A_85 = arith.constant 0 : i32
    %dma_start3A_86 = tpu.memref_slice %arg4[%add3A_84, %dma_start3A_85] : memref<16384x256xf32, #tpu.memory_space<hbm>> -> memref<128x256xf32, #tpu.memory_space<hbm>>
    %dma_start3A_87 = arith.constant 0 : i32
    %dma_start3A_88 = tpu.memref_slice %arg4[%add3A_84, %dma_start3A_87] : memref<16384x256xf32, #tpu.memory_space<hbm>> -> memref<128x256xf32, #tpu.memory_space<hbm>>
    tpu.enqueue_dma source(%arg7 : memref<128x256xf32, #tpu.memory_space<vmem>>) target(%dma_start3A_88 : memref<128x256xf32, #tpu.memory_space<hbm>>) target_semaphore(%arg11 : memref<!tpu.dma_semaphore, #tpu.memory_space<semaphore_mem>>)
    %dma_wait3A_89 = arith.constant 0 : i32
    %dma_wait3A_90 = tpu.memref_slice %arg4[%add3A_71, %dma_wait3A_89] : memref<16384x256xf32, #tpu.memory_space<hbm>> -> memref<128x256xf32, #tpu.memory_space<hbm>>
    %dma_wait3A_91 = arith.constant 0 : i32
    %dma_wait3A_92 = tpu.memref_slice %arg4[%add3A_71, %dma_wait3A_91] : memref<16384x256xf32, #tpu.memory_space<hbm>> -> memref<128x256xf32, #tpu.memory_space<hbm>>
    tpu.wait_dma2 semaphore(%arg10 : memref<!tpu.dma_semaphore, #tpu.memory_space<semaphore_mem>>) src(%arg6 : memref<128x256xf32, #tpu.memory_space<vmem>>) dst(%dma_wait3A_92 : memref<128x256xf32, #tpu.memory_space<hbm>>)
    %dma_wait3A_93 = arith.constant 0 : i32
    %dma_wait3A_94 = tpu.memref_slice %arg4[%add3A_84, %dma_wait3A_93] : memref<16384x256xf32, #tpu.memory_space<hbm>> -> memref<128x256xf32, #tpu.memory_space<hbm>>
    %dma_wait3A_95 = arith.constant 0 : i32
    %dma_wait3A_96 = tpu.memref_slice %arg4[%add3A_84, %dma_wait3A_95] : memref<16384x256xf32, #tpu.memory_space<hbm>> -> memref<128x256xf32, #tpu.memory_space<hbm>>
    tpu.wait_dma2 semaphore(%arg11 : memref<!tpu.dma_semaphore, #tpu.memory_space<semaphore_mem>>) src(%arg7 : memref<128x256xf32, #tpu.memory_space<vmem>>) dst(%dma_wait3A_96 : memref<128x256xf32, #tpu.memory_space<hbm>>)
    return
  }
}

module attributes {stable_mosaic.version = 14 : i64} {
  func.func @body(%arg0: i32, %arg1: memref<2048x128xf32, #tpu.memory_space<vmem>>, %arg2: memref<2048x256xf32, #tpu.memory_space<vmem>>, %arg3: memref<32x2048xf32, #tpu.memory_space<vmem>>, %arg4: memref<32x2048xf32, #tpu.memory_space<vmem>>, %arg5: memref<128x256xf32, #tpu.memory_space<vmem>>, %arg6: memref<256x256xf32, #tpu.memory_space<vmem>>, %arg7: memref<256x256xf32, #tpu.memory_space<vmem>>, %arg8: memref<64x256xf32, #tpu.memory_space<vmem>>, %arg9: memref<256x256xf32, #tpu.memory_space<vmem>>, %arg10: memref<16x256xf32, #tpu.memory_space<vmem>>, %arg11: memref<32x8xf32, #tpu.memory_space<vmem>>, %arg12: memref<2048x256xf32, #tpu.memory_space<vmem>>) attributes {dimension_semantics = [#tpu.dimension_semantics<arbitrary>], iteration_bounds = array<i64: 4>, scalar_prefetch = 0 : i64, scratch_operands = 0 : i64, tpu.core_type = #tpu.core_type<tc>, window_params = [{transform_indices = @transform_0, window_bounds = array<i64: 2048, 128>}, {transform_indices = @transform_1, window_bounds = array<i64: 2048, 256>}, {transform_indices = @transform_2, window_bounds = array<i64: 32, 2048>}, {transform_indices = @transform_3, window_bounds = array<i64: 32, 2048>}, {pipeline_mode = #tpu.pipeline_mode<synchronous>, transform_indices = @transform_4, window_bounds = array<i64: 128, 256>}, {pipeline_mode = #tpu.pipeline_mode<synchronous>, transform_indices = @transform_5, window_bounds = array<i64: 256, 256>}, {pipeline_mode = #tpu.pipeline_mode<synchronous>, transform_indices = @transform_6, window_bounds = array<i64: 256, 256>}, {pipeline_mode = #tpu.pipeline_mode<synchronous>, transform_indices = @transform_7, window_bounds = array<i64: 64, 256>}, {pipeline_mode = #tpu.pipeline_mode<synchronous>, transform_indices = @transform_8, window_bounds = array<i64: 256, 256>}, {pipeline_mode = #tpu.pipeline_mode<synchronous>, transform_indices = @transform_9, window_bounds = array<i64: 16, 256>}, {pipeline_mode = #tpu.pipeline_mode<synchronous>, transform_indices = @transform_10, window_bounds = array<i64: 32, 8>}, {transform_indices = @transform_11, window_bounds = array<i64: 2048, 256>}]} {
    %get3A = arith.constant 0 : index
    %get3A_0 = arith.constant 0 : index
    %get3A_1 = vector.load %arg1[%get3A, %get3A_0] : memref<2048x128xf32, #tpu.memory_space<vmem>>, vector<2048x128xf32>
    %get3A_2 = arith.constant 0 : index
    %get3A_3 = arith.constant 0 : index
    %get3A_4 = vector.load %arg5[%get3A_2, %get3A_3] : memref<128x256xf32, #tpu.memory_space<vmem>>, vector<128x256xf32>
    %dot_general3A = arith.constant dense<0.000000e+00> : vector<2048x256xf32>
    %dot_general3A_5 = tpu.matmul %get3A_1, %get3A_4, %dot_general3A {dimension_numbers = #tpu.dot_dimension_numbers<[1], [0], [0], [1], [0, 0, 1, 1], [], []>, transpose_lhs_hint = false} : vector<2048x128xf32>, vector<128x256xf32>, vector<2048x256xf32> -> vector<2048x256xf32>
    %get3A_6 = arith.constant 0 : index
    %get3A_7 = arith.constant 0 : index
    %get3A_8 = vector.load %arg10[%get3A_6, %get3A_7] : memref<16x256xf32, #tpu.memory_space<vmem>>, vector<1x256xf32>
    %add3A = vector.broadcast %get3A_8 : vector<1x256xf32> to vector<2048x256xf32>
    %add3A_9 = arith.addf %dot_general3A_5, %add3A : vector<2048x256xf32>
    %get3A_10 = arith.constant 1 : index
    %get3A_11 = arith.constant 0 : index
    %get3A_12 = vector.load %arg10[%get3A_10, %get3A_11] : memref<16x256xf32, #tpu.memory_space<vmem>>, vector<1x256xf32>
    %get3A_13 = arith.constant 2 : index
    %get3A_14 = arith.constant 0 : index
    %get3A_15 = vector.load %arg10[%get3A_13, %get3A_14] : memref<16x256xf32, #tpu.memory_space<vmem>>, vector<1x256xf32>
    %reduce_sum3A = arith.constant dense<0.000000e+00> : vector<2048xf32>
    %reduce_sum3A_16 = vector.multi_reduction <add>, %add3A_9, %reduce_sum3A [1] : vector<2048x256xf32> to vector<2048xf32>
    %broadcast_in_dim3A = vector.shape_cast %reduce_sum3A_16 : vector<2048xf32> to vector<2048x1xf32>
    %div3A = arith.constant 2.560000e+02 : f32
    %div3A_17 = vector.broadcast %div3A : f32 to vector<2048x1xf32>
    %div3A_18 = arith.divf %broadcast_in_dim3A, %div3A_17 : vector<2048x1xf32>
    %sub3A = vector.broadcast %div3A_18 : vector<2048x1xf32> to vector<2048x256xf32>
    %sub3A_19 = arith.subf %add3A_9, %sub3A : vector<2048x256xf32>
    %integer_pow3A = arith.mulf %sub3A_19, %sub3A_19 : vector<2048x256xf32>
    %reduce_sum3A_20 = arith.constant dense<0.000000e+00> : vector<2048xf32>
    %reduce_sum3A_21 = vector.multi_reduction <add>, %integer_pow3A, %reduce_sum3A_20 [1] : vector<2048x256xf32> to vector<2048xf32>
    %broadcast_in_dim3A_22 = vector.shape_cast %reduce_sum3A_21 : vector<2048xf32> to vector<2048x1xf32>
    %div3A_23 = arith.constant 2.560000e+02 : f32
    %div3A_24 = vector.broadcast %div3A_23 : f32 to vector<2048x1xf32>
    %div3A_25 = arith.divf %broadcast_in_dim3A_22, %div3A_24 : vector<2048x1xf32>
    %sub3A_26 = vector.broadcast %div3A_18 : vector<2048x1xf32> to vector<2048x256xf32>
    %sub3A_27 = arith.subf %add3A_9, %sub3A_26 : vector<2048x256xf32>
    %add3A_28 = arith.constant 9.99999974E-6 : f32
    %add3A_29 = vector.broadcast %add3A_28 : f32 to vector<2048x1xf32>
    %add3A_30 = arith.addf %div3A_25, %add3A_29 : vector<2048x1xf32>
    %sqrt3A = math.sqrt %add3A_30 : vector<2048x1xf32>
    %div3A_31 = vector.broadcast %sqrt3A : vector<2048x1xf32> to vector<2048x256xf32>
    %div3A_32 = arith.divf %sub3A_27, %div3A_31 : vector<2048x256xf32>
    %mul3A = vector.broadcast %get3A_12 : vector<1x256xf32> to vector<2048x256xf32>
    %mul3A_33 = arith.mulf %div3A_32, %mul3A : vector<2048x256xf32>
    %add3A_34 = vector.broadcast %get3A_15 : vector<1x256xf32> to vector<2048x256xf32>
    %add3A_35 = arith.addf %mul3A_33, %add3A_34 : vector<2048x256xf32>
    %max3A = arith.constant 0.000000e+00 : f32
    %max3A_36 = vector.broadcast %max3A : f32 to vector<2048x256xf32>
    %max3A_37 = arith.maximumf %add3A_35, %max3A_36 : vector<2048x256xf32>
    %get3A_38 = arith.constant 0 : index
    %get3A_39 = arith.constant 0 : index
    %get3A_40 = vector.load %arg2[%get3A_38, %get3A_39] : memref<2048x256xf32, #tpu.memory_space<vmem>>, vector<2048x256xf32>
    %get3A_41 = arith.constant 3 : index
    %get3A_42 = arith.constant 0 : index
    %get3A_43 = vector.load %arg10[%get3A_41, %get3A_42] : memref<16x256xf32, #tpu.memory_space<vmem>>, vector<1x256xf32>
    %get3A_44 = arith.constant 4 : index
    %get3A_45 = arith.constant 0 : index
    %get3A_46 = vector.load %arg10[%get3A_44, %get3A_45] : memref<16x256xf32, #tpu.memory_space<vmem>>, vector<1x256xf32>
    %reduce_sum3A_47 = arith.constant dense<0.000000e+00> : vector<2048xf32>
    %reduce_sum3A_48 = vector.multi_reduction <add>, %get3A_40, %reduce_sum3A_47 [1] : vector<2048x256xf32> to vector<2048xf32>
    %broadcast_in_dim3A_49 = vector.shape_cast %reduce_sum3A_48 : vector<2048xf32> to vector<2048x1xf32>
    %div3A_50 = arith.constant 2.560000e+02 : f32
    %div3A_51 = vector.broadcast %div3A_50 : f32 to vector<2048x1xf32>
    %div3A_52 = arith.divf %broadcast_in_dim3A_49, %div3A_51 : vector<2048x1xf32>
    %sub3A_53 = vector.broadcast %div3A_52 : vector<2048x1xf32> to vector<2048x256xf32>
    %sub3A_54 = arith.subf %get3A_40, %sub3A_53 : vector<2048x256xf32>
    %integer_pow3A_55 = arith.mulf %sub3A_54, %sub3A_54 : vector<2048x256xf32>
    %reduce_sum3A_56 = arith.constant dense<0.000000e+00> : vector<2048xf32>
    %reduce_sum3A_57 = vector.multi_reduction <add>, %integer_pow3A_55, %reduce_sum3A_56 [1] : vector<2048x256xf32> to vector<2048xf32>
    %broadcast_in_dim3A_58 = vector.shape_cast %reduce_sum3A_57 : vector<2048xf32> to vector<2048x1xf32>
    %div3A_59 = arith.constant 2.560000e+02 : f32
    %div3A_60 = vector.broadcast %div3A_59 : f32 to vector<2048x1xf32>
    %div3A_61 = arith.divf %broadcast_in_dim3A_58, %div3A_60 : vector<2048x1xf32>
    %sub3A_62 = vector.broadcast %div3A_52 : vector<2048x1xf32> to vector<2048x256xf32>
    %sub3A_63 = arith.subf %get3A_40, %sub3A_62 : vector<2048x256xf32>
    %add3A_64 = arith.constant 9.99999974E-6 : f32
    %add3A_65 = vector.broadcast %add3A_64 : f32 to vector<2048x1xf32>
    %add3A_66 = arith.addf %div3A_61, %add3A_65 : vector<2048x1xf32>
    %sqrt3A_67 = math.sqrt %add3A_66 : vector<2048x1xf32>
    %div3A_68 = vector.broadcast %sqrt3A_67 : vector<2048x1xf32> to vector<2048x256xf32>
    %div3A_69 = arith.divf %sub3A_63, %div3A_68 : vector<2048x256xf32>
    %mul3A_70 = vector.broadcast %get3A_43 : vector<1x256xf32> to vector<2048x256xf32>
    %mul3A_71 = arith.mulf %div3A_69, %mul3A_70 : vector<2048x256xf32>
    %add3A_72 = vector.broadcast %get3A_46 : vector<1x256xf32> to vector<2048x256xf32>
    %add3A_73 = arith.addf %mul3A_71, %add3A_72 : vector<2048x256xf32>
    %get3A_74 = arith.constant 0 : index
    %get3A_75 = arith.constant 0 : index
    %get3A_76 = vector.load %arg3[%get3A_74, %get3A_75] : memref<32x2048xf32, #tpu.memory_space<vmem>>, vector<32x2048xf32>
    %get3A_77 = arith.constant 0 : index
    %get3A_78 = arith.constant 0 : index
    %get3A_79 = vector.load %arg11[%get3A_77, %get3A_78] : memref<32x8xf32, #tpu.memory_space<vmem>>, vector<32x1xf32>
    %get3A_80 = arith.constant 0 : index
    %get3A_81 = arith.constant 1 : index
    %get3A_82 = vector.load %arg11[%get3A_80, %get3A_81] : memref<32x8xf32, #tpu.memory_space<vmem>>, vector<32x1xf32>
    %reduce_sum3A_83 = arith.constant dense<0.000000e+00> : vector<2048xf32>
    %reduce_sum3A_84 = vector.multi_reduction <add>, %get3A_76, %reduce_sum3A_83 [0] : vector<32x2048xf32> to vector<2048xf32>
    %broadcast_in_dim3A_85 = vector.shape_cast %reduce_sum3A_84 : vector<2048xf32> to vector<1x2048xf32>
    %div3A_86 = arith.constant 3.200000e+01 : f32
    %div3A_87 = vector.broadcast %div3A_86 : f32 to vector<1x2048xf32>
    %div3A_88 = arith.divf %broadcast_in_dim3A_85, %div3A_87 : vector<1x2048xf32>
    %sub3A_89 = vector.broadcast %div3A_88 : vector<1x2048xf32> to vector<32x2048xf32>
    %sub3A_90 = arith.subf %get3A_76, %sub3A_89 : vector<32x2048xf32>
    %integer_pow3A_91 = arith.mulf %sub3A_90, %sub3A_90 : vector<32x2048xf32>
    %reduce_sum3A_92 = arith.constant dense<0.000000e+00> : vector<2048xf32>
    %reduce_sum3A_93 = vector.multi_reduction <add>, %integer_pow3A_91, %reduce_sum3A_92 [0] : vector<32x2048xf32> to vector<2048xf32>
    %broadcast_in_dim3A_94 = vector.shape_cast %reduce_sum3A_93 : vector<2048xf32> to vector<1x2048xf32>
    %div3A_95 = arith.constant 3.200000e+01 : f32
    %div3A_96 = vector.broadcast %div3A_95 : f32 to vector<1x2048xf32>
    %div3A_97 = arith.divf %broadcast_in_dim3A_94, %div3A_96 : vector<1x2048xf32>
    %sub3A_98 = vector.broadcast %div3A_88 : vector<1x2048xf32> to vector<32x2048xf32>
    %sub3A_99 = arith.subf %get3A_76, %sub3A_98 : vector<32x2048xf32>
    %add3A_100 = arith.constant 9.99999974E-6 : f32
    %add3A_101 = vector.broadcast %add3A_100 : f32 to vector<1x2048xf32>
    %add3A_102 = arith.addf %div3A_97, %add3A_101 : vector<1x2048xf32>
    %sqrt3A_103 = math.sqrt %add3A_102 : vector<1x2048xf32>
    %div3A_104 = vector.broadcast %sqrt3A_103 : vector<1x2048xf32> to vector<32x2048xf32>
    %div3A_105 = arith.divf %sub3A_99, %div3A_104 : vector<32x2048xf32>
    %mul3A_106 = vector.broadcast %get3A_79 : vector<32x1xf32> to vector<32x2048xf32>
    %mul3A_107 = arith.mulf %div3A_105, %mul3A_106 : vector<32x2048xf32>
    %add3A_108 = vector.broadcast %get3A_82 : vector<32x1xf32> to vector<32x2048xf32>
    %add3A_109 = arith.addf %mul3A_107, %add3A_108 : vector<32x2048xf32>
    %get3A_110 = arith.constant 0 : index
    %get3A_111 = arith.constant 0 : index
    %get3A_112 = vector.load %arg4[%get3A_110, %get3A_111] : memref<32x2048xf32, #tpu.memory_space<vmem>>, vector<32x2048xf32>
    %get3A_113 = arith.constant 0 : index
    %get3A_114 = arith.constant 2 : index
    %get3A_115 = vector.load %arg11[%get3A_113, %get3A_114] : memref<32x8xf32, #tpu.memory_space<vmem>>, vector<32x1xf32>
    %get3A_116 = arith.constant 0 : index
    %get3A_117 = arith.constant 3 : index
    %get3A_118 = vector.load %arg11[%get3A_116, %get3A_117] : memref<32x8xf32, #tpu.memory_space<vmem>>, vector<32x1xf32>
    %reduce_sum3A_119 = arith.constant dense<0.000000e+00> : vector<2048xf32>
    %reduce_sum3A_120 = vector.multi_reduction <add>, %get3A_112, %reduce_sum3A_119 [0] : vector<32x2048xf32> to vector<2048xf32>
    %broadcast_in_dim3A_121 = vector.shape_cast %reduce_sum3A_120 : vector<2048xf32> to vector<1x2048xf32>
    %div3A_122 = arith.constant 3.200000e+01 : f32
    %div3A_123 = vector.broadcast %div3A_122 : f32 to vector<1x2048xf32>
    %div3A_124 = arith.divf %broadcast_in_dim3A_121, %div3A_123 : vector<1x2048xf32>
    %sub3A_125 = vector.broadcast %div3A_124 : vector<1x2048xf32> to vector<32x2048xf32>
    %sub3A_126 = arith.subf %get3A_112, %sub3A_125 : vector<32x2048xf32>
    %integer_pow3A_127 = arith.mulf %sub3A_126, %sub3A_126 : vector<32x2048xf32>
    %reduce_sum3A_128 = arith.constant dense<0.000000e+00> : vector<2048xf32>
    %reduce_sum3A_129 = vector.multi_reduction <add>, %integer_pow3A_127, %reduce_sum3A_128 [0] : vector<32x2048xf32> to vector<2048xf32>
    %broadcast_in_dim3A_130 = vector.shape_cast %reduce_sum3A_129 : vector<2048xf32> to vector<1x2048xf32>
    %div3A_131 = arith.constant 3.200000e+01 : f32
    %div3A_132 = vector.broadcast %div3A_131 : f32 to vector<1x2048xf32>
    %div3A_133 = arith.divf %broadcast_in_dim3A_130, %div3A_132 : vector<1x2048xf32>
    %sub3A_134 = vector.broadcast %div3A_124 : vector<1x2048xf32> to vector<32x2048xf32>
    %sub3A_135 = arith.subf %get3A_112, %sub3A_134 : vector<32x2048xf32>
    %add3A_136 = arith.constant 9.99999974E-6 : f32
    %add3A_137 = vector.broadcast %add3A_136 : f32 to vector<1x2048xf32>
    %add3A_138 = arith.addf %div3A_133, %add3A_137 : vector<1x2048xf32>
    %sqrt3A_139 = math.sqrt %add3A_138 : vector<1x2048xf32>
    %div3A_140 = vector.broadcast %sqrt3A_139 : vector<1x2048xf32> to vector<32x2048xf32>
    %div3A_141 = arith.divf %sub3A_135, %div3A_140 : vector<32x2048xf32>
    %mul3A_142 = vector.broadcast %get3A_115 : vector<32x1xf32> to vector<32x2048xf32>
    %mul3A_143 = arith.mulf %div3A_141, %mul3A_142 : vector<32x2048xf32>
    %add3A_144 = vector.broadcast %get3A_118 : vector<32x1xf32> to vector<32x2048xf32>
    %add3A_145 = arith.addf %mul3A_143, %add3A_144 : vector<32x2048xf32>
    %concatenate3A = tpu.concatenate %add3A_109, %add3A_145 in 0 : vector<32x2048xf32>, vector<32x2048xf32> -> vector<64x2048xf32>
    %convert_element_type3A = arith.truncf %max3A_37 : vector<2048x256xf32> to vector<2048x256xbf16>
    %get3A_146 = arith.constant 0 : index
    %get3A_147 = arith.constant 0 : index
    %get3A_148 = vector.load %arg6[%get3A_146, %get3A_147] : memref<256x256xf32, #tpu.memory_space<vmem>>, vector<256x256xf32>
    %convert_element_type3A_149 = arith.truncf %get3A_148 : vector<256x256xf32> to vector<256x256xbf16>
    %dot_general3A_150 = arith.constant dense<0.000000e+00> : vector<2048x256xf32>
    %dot_general3A_151 = tpu.matmul %convert_element_type3A, %convert_element_type3A_149, %dot_general3A_150 {dimension_numbers = #tpu.dot_dimension_numbers<[1], [0], [0], [1], [0, 0, 1, 1], [], []>, transpose_lhs_hint = false} : vector<2048x256xbf16>, vector<256x256xbf16>, vector<2048x256xf32> -> vector<2048x256xf32>
    %convert_element_type3A_152 = arith.truncf %add3A_73 : vector<2048x256xf32> to vector<2048x256xbf16>
    %get3A_153 = arith.constant 0 : index
    %get3A_154 = arith.constant 0 : index
    %get3A_155 = vector.load %arg7[%get3A_153, %get3A_154] : memref<256x256xf32, #tpu.memory_space<vmem>>, vector<256x256xf32>
    %convert_element_type3A_156 = arith.truncf %get3A_155 : vector<256x256xf32> to vector<256x256xbf16>
    %dot_general3A_157 = arith.constant dense<0.000000e+00> : vector<2048x256xf32>
    %dot_general3A_158 = tpu.matmul %convert_element_type3A_152, %convert_element_type3A_156, %dot_general3A_157 {dimension_numbers = #tpu.dot_dimension_numbers<[1], [0], [0], [1], [0, 0, 1, 1], [], []>, transpose_lhs_hint = false} : vector<2048x256xbf16>, vector<256x256xbf16>, vector<2048x256xf32> -> vector<2048x256xf32>
    %add3A_159 = arith.addf %dot_general3A_151, %dot_general3A_158 : vector<2048x256xf32>
    %convert_element_type3A_160 = arith.truncf %concatenate3A : vector<64x2048xf32> to vector<64x2048xbf16>
    %get3A_161 = arith.constant 0 : index
    %get3A_162 = arith.constant 0 : index
    %get3A_163 = vector.load %arg8[%get3A_161, %get3A_162] : memref<64x256xf32, #tpu.memory_space<vmem>>, vector<64x256xf32>
    %convert_element_type3A_164 = arith.truncf %get3A_163 : vector<64x256xf32> to vector<64x256xbf16>
    %dot_general3A_165 = arith.constant dense<0.000000e+00> : vector<2048x256xf32>
    %dot_general3A_166 = tpu.matmul %convert_element_type3A_160, %convert_element_type3A_164, %dot_general3A_165 {dimension_numbers = #tpu.dot_dimension_numbers<[0], [0], [1], [1], [0, 1, 1, 1], [], []>, transpose_lhs_hint = false} : vector<64x2048xbf16>, vector<64x256xbf16>, vector<2048x256xf32> -> vector<2048x256xf32>
    %add3A_167 = arith.addf %add3A_159, %dot_general3A_166 : vector<2048x256xf32>
    %get3A_168 = arith.constant 5 : index
    %get3A_169 = arith.constant 0 : index
    %get3A_170 = vector.load %arg10[%get3A_168, %get3A_169] : memref<16x256xf32, #tpu.memory_space<vmem>>, vector<1x256xf32>
    %add3A_171 = vector.broadcast %get3A_170 : vector<1x256xf32> to vector<2048x256xf32>
    %add3A_172 = arith.addf %add3A_167, %add3A_171 : vector<2048x256xf32>
    %get3A_173 = arith.constant 6 : index
    %get3A_174 = arith.constant 0 : index
    %get3A_175 = vector.load %arg10[%get3A_173, %get3A_174] : memref<16x256xf32, #tpu.memory_space<vmem>>, vector<1x256xf32>
    %get3A_176 = arith.constant 7 : index
    %get3A_177 = arith.constant 0 : index
    %get3A_178 = vector.load %arg10[%get3A_176, %get3A_177] : memref<16x256xf32, #tpu.memory_space<vmem>>, vector<1x256xf32>
    %reduce_sum3A_179 = arith.constant dense<0.000000e+00> : vector<2048xf32>
    %reduce_sum3A_180 = vector.multi_reduction <add>, %add3A_172, %reduce_sum3A_179 [1] : vector<2048x256xf32> to vector<2048xf32>
    %broadcast_in_dim3A_181 = vector.shape_cast %reduce_sum3A_180 : vector<2048xf32> to vector<2048x1xf32>
    %div3A_182 = arith.constant 2.560000e+02 : f32
    %div3A_183 = vector.broadcast %div3A_182 : f32 to vector<2048x1xf32>
    %div3A_184 = arith.divf %broadcast_in_dim3A_181, %div3A_183 : vector<2048x1xf32>
    %sub3A_185 = vector.broadcast %div3A_184 : vector<2048x1xf32> to vector<2048x256xf32>
    %sub3A_186 = arith.subf %add3A_172, %sub3A_185 : vector<2048x256xf32>
    %integer_pow3A_187 = arith.mulf %sub3A_186, %sub3A_186 : vector<2048x256xf32>
    %reduce_sum3A_188 = arith.constant dense<0.000000e+00> : vector<2048xf32>
    %reduce_sum3A_189 = vector.multi_reduction <add>, %integer_pow3A_187, %reduce_sum3A_188 [1] : vector<2048x256xf32> to vector<2048xf32>
    %broadcast_in_dim3A_190 = vector.shape_cast %reduce_sum3A_189 : vector<2048xf32> to vector<2048x1xf32>
    %div3A_191 = arith.constant 2.560000e+02 : f32
    %div3A_192 = vector.broadcast %div3A_191 : f32 to vector<2048x1xf32>
    %div3A_193 = arith.divf %broadcast_in_dim3A_190, %div3A_192 : vector<2048x1xf32>
    %sub3A_194 = vector.broadcast %div3A_184 : vector<2048x1xf32> to vector<2048x256xf32>
    %sub3A_195 = arith.subf %add3A_172, %sub3A_194 : vector<2048x256xf32>
    %add3A_196 = arith.constant 9.99999974E-6 : f32
    %add3A_197 = vector.broadcast %add3A_196 : f32 to vector<2048x1xf32>
    %add3A_198 = arith.addf %div3A_193, %add3A_197 : vector<2048x1xf32>
    %sqrt3A_199 = math.sqrt %add3A_198 : vector<2048x1xf32>
    %div3A_200 = vector.broadcast %sqrt3A_199 : vector<2048x1xf32> to vector<2048x256xf32>
    %div3A_201 = arith.divf %sub3A_195, %div3A_200 : vector<2048x256xf32>
    %mul3A_202 = vector.broadcast %get3A_175 : vector<1x256xf32> to vector<2048x256xf32>
    %mul3A_203 = arith.mulf %div3A_201, %mul3A_202 : vector<2048x256xf32>
    %add3A_204 = vector.broadcast %get3A_178 : vector<1x256xf32> to vector<2048x256xf32>
    %add3A_205 = arith.addf %mul3A_203, %add3A_204 : vector<2048x256xf32>
    %max3A_206 = arith.constant 0.000000e+00 : f32
    %max3A_207 = vector.broadcast %max3A_206 : f32 to vector<2048x256xf32>
    %max3A_208 = arith.maximumf %add3A_205, %max3A_207 : vector<2048x256xf32>
    %convert_element_type3A_209 = arith.truncf %max3A_208 : vector<2048x256xf32> to vector<2048x256xbf16>
    %get3A_210 = arith.constant 0 : index
    %get3A_211 = arith.constant 0 : index
    %get3A_212 = vector.load %arg9[%get3A_210, %get3A_211] : memref<256x256xf32, #tpu.memory_space<vmem>>, vector<256x256xf32>
    %convert_element_type3A_213 = arith.truncf %get3A_212 : vector<256x256xf32> to vector<256x256xbf16>
    %dot_general3A_214 = arith.constant dense<0.000000e+00> : vector<2048x256xf32>
    %dot_general3A_215 = tpu.matmul %convert_element_type3A_209, %convert_element_type3A_213, %dot_general3A_214 {dimension_numbers = #tpu.dot_dimension_numbers<[1], [0], [0], [1], [0, 0, 1, 1], [], []>, transpose_lhs_hint = false} : vector<2048x256xbf16>, vector<256x256xbf16>, vector<2048x256xf32> -> vector<2048x256xf32>
    %get3A_216 = arith.constant 8 : index
    %get3A_217 = arith.constant 0 : index
    %get3A_218 = vector.load %arg10[%get3A_216, %get3A_217] : memref<16x256xf32, #tpu.memory_space<vmem>>, vector<1x256xf32>
    %add3A_219 = vector.broadcast %get3A_218 : vector<1x256xf32> to vector<2048x256xf32>
    %add3A_220 = arith.addf %dot_general3A_215, %add3A_219 : vector<2048x256xf32>
    %get3A_221 = arith.constant 9 : index
    %get3A_222 = arith.constant 0 : index
    %get3A_223 = vector.load %arg10[%get3A_221, %get3A_222] : memref<16x256xf32, #tpu.memory_space<vmem>>, vector<1x256xf32>
    %get3A_224 = arith.constant 10 : index
    %get3A_225 = arith.constant 0 : index
    %get3A_226 = vector.load %arg10[%get3A_224, %get3A_225] : memref<16x256xf32, #tpu.memory_space<vmem>>, vector<1x256xf32>
    %reduce_sum3A_227 = arith.constant dense<0.000000e+00> : vector<2048xf32>
    %reduce_sum3A_228 = vector.multi_reduction <add>, %add3A_220, %reduce_sum3A_227 [1] : vector<2048x256xf32> to vector<2048xf32>
    %broadcast_in_dim3A_229 = vector.shape_cast %reduce_sum3A_228 : vector<2048xf32> to vector<2048x1xf32>
    %div3A_230 = arith.constant 2.560000e+02 : f32
    %div3A_231 = vector.broadcast %div3A_230 : f32 to vector<2048x1xf32>
    %div3A_232 = arith.divf %broadcast_in_dim3A_229, %div3A_231 : vector<2048x1xf32>
    %sub3A_233 = vector.broadcast %div3A_232 : vector<2048x1xf32> to vector<2048x256xf32>
    %sub3A_234 = arith.subf %add3A_220, %sub3A_233 : vector<2048x256xf32>
    %integer_pow3A_235 = arith.mulf %sub3A_234, %sub3A_234 : vector<2048x256xf32>
    %reduce_sum3A_236 = arith.constant dense<0.000000e+00> : vector<2048xf32>
    %reduce_sum3A_237 = vector.multi_reduction <add>, %integer_pow3A_235, %reduce_sum3A_236 [1] : vector<2048x256xf32> to vector<2048xf32>
    %broadcast_in_dim3A_238 = vector.shape_cast %reduce_sum3A_237 : vector<2048xf32> to vector<2048x1xf32>
    %div3A_239 = arith.constant 2.560000e+02 : f32
    %div3A_240 = vector.broadcast %div3A_239 : f32 to vector<2048x1xf32>
    %div3A_241 = arith.divf %broadcast_in_dim3A_238, %div3A_240 : vector<2048x1xf32>
    %sub3A_242 = vector.broadcast %div3A_232 : vector<2048x1xf32> to vector<2048x256xf32>
    %sub3A_243 = arith.subf %add3A_220, %sub3A_242 : vector<2048x256xf32>
    %add3A_244 = arith.constant 9.99999974E-6 : f32
    %add3A_245 = vector.broadcast %add3A_244 : f32 to vector<2048x1xf32>
    %add3A_246 = arith.addf %div3A_241, %add3A_245 : vector<2048x1xf32>
    %sqrt3A_247 = math.sqrt %add3A_246 : vector<2048x1xf32>
    %div3A_248 = vector.broadcast %sqrt3A_247 : vector<2048x1xf32> to vector<2048x256xf32>
    %div3A_249 = arith.divf %sub3A_243, %div3A_248 : vector<2048x256xf32>
    %mul3A_250 = vector.broadcast %get3A_223 : vector<1x256xf32> to vector<2048x256xf32>
    %mul3A_251 = arith.mulf %div3A_249, %mul3A_250 : vector<2048x256xf32>
    %add3A_252 = vector.broadcast %get3A_226 : vector<1x256xf32> to vector<2048x256xf32>
    %add3A_253 = arith.addf %mul3A_251, %add3A_252 : vector<2048x256xf32>
    %max3A_254 = arith.constant 0.000000e+00 : f32
    %max3A_255 = vector.broadcast %max3A_254 : f32 to vector<2048x256xf32>
    %max3A_256 = arith.maximumf %add3A_253, %max3A_255 : vector<2048x256xf32>
    %mul3A_257 = arith.mulf %max3A_256, %max3A_256 : vector<2048x256xf32>
    %reduce_sum3A_258 = arith.constant dense<0.000000e+00> : vector<2048xf32>
    %reduce_sum3A_259 = vector.multi_reduction <add>, %mul3A_257, %reduce_sum3A_258 [1] : vector<2048x256xf32> to vector<2048xf32>
    %broadcast_in_dim3A_260 = vector.shape_cast %reduce_sum3A_259 : vector<2048xf32> to vector<2048x1xf32>
    %sqrt3A_261 = math.sqrt %broadcast_in_dim3A_260 : vector<2048x1xf32>
    %max3A_262 = arith.constant 9.99999996E-13 : f32
    %max3A_263 = vector.broadcast %max3A_262 : f32 to vector<2048x1xf32>
    %max3A_264 = arith.maximumf %sqrt3A_261, %max3A_263 : vector<2048x1xf32>
    %div3A_265 = vector.broadcast %max3A_264 : vector<2048x1xf32> to vector<2048x256xf32>
    %div3A_266 = arith.divf %max3A_256, %div3A_265 : vector<2048x256xf32>
    %swap3A = arith.constant 0 : index
    %swap3A_267 = arith.constant 0 : index
    %swap3A_268 = vector.load %arg12[%swap3A, %swap3A_267] : memref<2048x256xf32, #tpu.memory_space<vmem>>, vector<2048x256xf32>
    tpu.vector_store %arg12[%swap3A, %swap3A_267], %div3A_266 {strides = array<i32>} : memref<2048x256xf32, #tpu.memory_space<vmem>>, vector<2048x256xf32>,
    return
  }
  func.func @transform_0(%arg0: i32) -> (i32, i32) {
    %add3A = arith.constant 0 : i32
    %add3A_0 = arith.addi %add3A, %arg0 : i32
    %c0_i32 = arith.constant 0 : i32
    %c0_i32_1 = arith.constant 0 : i32
    return %add3A_0, %c0_i32 : i32, i32
  }
  func.func @transform_1(%arg0: i32) -> (i32, i32) {
    %add3A = arith.constant 0 : i32
    %add3A_0 = arith.addi %add3A, %arg0 : i32
    %c0_i32 = arith.constant 0 : i32
    %c0_i32_1 = arith.constant 0 : i32
    return %add3A_0, %c0_i32 : i32, i32
  }
  func.func @transform_2(%arg0: i32) -> (i32, i32) {
    %c0_i32 = arith.constant 0 : i32
    %c0_i32_0 = arith.constant 0 : i32
    return %c0_i32, %arg0 : i32, i32
  }
  func.func @transform_3(%arg0: i32) -> (i32, i32) {
    %c0_i32 = arith.constant 0 : i32
    %c0_i32_0 = arith.constant 0 : i32
    return %c0_i32, %arg0 : i32, i32
  }
  func.func @transform_4(%arg0: i32) -> (i32, i32) {
    %c0_i32 = arith.constant 0 : i32
    %c0_i32_0 = arith.constant 0 : i32
    %c0_i32_1 = arith.constant 0 : i32
    return %c0_i32, %c0_i32_0 : i32, i32
  }
  func.func @transform_5(%arg0: i32) -> (i32, i32) {
    %c0_i32 = arith.constant 0 : i32
    %c0_i32_0 = arith.constant 0 : i32
    %c0_i32_1 = arith.constant 0 : i32
    return %c0_i32, %c0_i32_0 : i32, i32
  }
  func.func @transform_6(%arg0: i32) -> (i32, i32) {
    %c0_i32 = arith.constant 0 : i32
    %c0_i32_0 = arith.constant 0 : i32
    %c0_i32_1 = arith.constant 0 : i32
    return %c0_i32, %c0_i32_0 : i32, i32
  }
  func.func @transform_7(%arg0: i32) -> (i32, i32) {
    %c0_i32 = arith.constant 0 : i32
    %c0_i32_0 = arith.constant 0 : i32
    %c0_i32_1 = arith.constant 0 : i32
    return %c0_i32, %c0_i32_0 : i32, i32
  }
  func.func @transform_8(%arg0: i32) -> (i32, i32) {
    %c0_i32 = arith.constant 0 : i32
    %c0_i32_0 = arith.constant 0 : i32
    %c0_i32_1 = arith.constant 0 : i32
    return %c0_i32, %c0_i32_0 : i32, i32
  }
  func.func @transform_9(%arg0: i32) -> (i32, i32) {
    %c0_i32 = arith.constant 0 : i32
    %c0_i32_0 = arith.constant 0 : i32
    %c0_i32_1 = arith.constant 0 : i32
    return %c0_i32, %c0_i32_0 : i32, i32
  }
  func.func @transform_10(%arg0: i32) -> (i32, i32) {
    %c0_i32 = arith.constant 0 : i32
    %c0_i32_0 = arith.constant 0 : i32
    %c0_i32_1 = arith.constant 0 : i32
    return %c0_i32, %c0_i32_0 : i32, i32
  }
  func.func @transform_11(%arg0: i32) -> (i32, i32) {
    %add3A = arith.constant 0 : i32
    %add3A_0 = arith.addi %add3A, %arg0 : i32
    %c0_i32 = arith.constant 0 : i32
    %c0_i32_1 = arith.constant 0 : i32
    return %add3A_0, %c0_i32 : i32, i32
  }
}

module attributes {stable_mosaic.version = 14 : i64} {
  func.func @_tc_body(%arg0: i32, %arg1: memref<16384x256xf32, #tpu.memory_space<any>>, %arg2: memref<2048x128xf32, #tpu.memory_space<vmem>>, %arg3: memref<2048x256xf32, #tpu.memory_space<vmem>>, %arg4: memref<32x2048xf32, #tpu.memory_space<vmem>>, %arg5: memref<32x2048xf32, #tpu.memory_space<vmem>>, %arg6: memref<128x256xf32, #tpu.memory_space<vmem>>, %arg7: memref<256x256xf32, #tpu.memory_space<vmem>>, %arg8: memref<256x256xf32, #tpu.memory_space<vmem>>, %arg9: memref<64x256xf32, #tpu.memory_space<vmem>>, %arg10: memref<256x256xf32, #tpu.memory_space<vmem>>, %arg11: memref<16x256xf32, #tpu.memory_space<vmem>>, %arg12: memref<32x8xf32, #tpu.memory_space<vmem>>, %arg13: memref<2048x256xf32, #tpu.memory_space<vmem>>) attributes {dimension_semantics = [#tpu.dimension_semantics<arbitrary>], iteration_bounds = array<i64: 4>, scalar_prefetch = 0 : i64, scratch_operands = 0 : i64, tpu.core_type = #tpu.core_type<tc>, window_params = [{}, {transform_indices = @transform_1, window_bounds = array<i64: 2048, 128>}, {transform_indices = @transform_2, window_bounds = array<i64: 2048, 256>}, {transform_indices = @transform_3, window_bounds = array<i64: 32, 2048>}, {transform_indices = @transform_4, window_bounds = array<i64: 32, 2048>}, {pipeline_mode = #tpu.pipeline_mode<synchronous>, transform_indices = @transform_5, window_bounds = array<i64: 128, 256>}, {pipeline_mode = #tpu.pipeline_mode<synchronous>, transform_indices = @transform_6, window_bounds = array<i64: 256, 256>}, {pipeline_mode = #tpu.pipeline_mode<synchronous>, transform_indices = @transform_7, window_bounds = array<i64: 256, 256>}, {pipeline_mode = #tpu.pipeline_mode<synchronous>, transform_indices = @transform_8, window_bounds = array<i64: 64, 256>}, {pipeline_mode = #tpu.pipeline_mode<synchronous>, transform_indices = @transform_9, window_bounds = array<i64: 256, 256>}, {pipeline_mode = #tpu.pipeline_mode<synchronous>, transform_indices = @transform_10, window_bounds = array<i64: 16, 256>}, {pipeline_mode = #tpu.pipeline_mode<synchronous>, transform_indices = @transform_11, window_bounds = array<i64: 32, 8>}, {transform_indices = @transform_12, window_bounds = array<i64: 2048, 256>}]} {
    %get3A = arith.constant 0 : index
    %get3A_0 = arith.constant 0 : index
    %get3A_1 = vector.load %arg2[%get3A, %get3A_0] : memref<2048x128xf32, #tpu.memory_space<vmem>>, vector<2048x128xf32>
    %get3A_2 = arith.constant 0 : index
    %get3A_3 = arith.constant 0 : index
    %get3A_4 = vector.load %arg6[%get3A_2, %get3A_3] : memref<128x256xf32, #tpu.memory_space<vmem>>, vector<128x256xf32>
    %dot_general3A = arith.constant dense<0.000000e+00> : vector<2048x256xf32>
    %dot_general3A_5 = tpu.matmul %get3A_1, %get3A_4, %dot_general3A {dimension_numbers = #tpu.dot_dimension_numbers<[1], [0], [0], [1], [0, 0, 1, 1], [], []>, transpose_lhs_hint = false} : vector<2048x128xf32>, vector<128x256xf32>, vector<2048x256xf32> -> vector<2048x256xf32>
    %get3A_6 = arith.constant 0 : index
    %get3A_7 = arith.constant 0 : index
    %get3A_8 = vector.load %arg11[%get3A_6, %get3A_7] : memref<16x256xf32, #tpu.memory_space<vmem>>, vector<1x256xf32>
    %add3A = vector.broadcast %get3A_8 : vector<1x256xf32> to vector<2048x256xf32>
    %add3A_9 = arith.addf %dot_general3A_5, %add3A : vector<2048x256xf32>
    %get3A_10 = arith.constant 1 : index
    %get3A_11 = arith.constant 0 : index
    %get3A_12 = vector.load %arg11[%get3A_10, %get3A_11] : memref<16x256xf32, #tpu.memory_space<vmem>>, vector<1x256xf32>
    %get3A_13 = arith.constant 2 : index
    %get3A_14 = arith.constant 0 : index
    %get3A_15 = vector.load %arg11[%get3A_13, %get3A_14] : memref<16x256xf32, #tpu.memory_space<vmem>>, vector<1x256xf32>
    %reduce_sum3A = arith.constant dense<0.000000e+00> : vector<2048xf32>
    %reduce_sum3A_16 = vector.multi_reduction <add>, %add3A_9, %reduce_sum3A [1] : vector<2048x256xf32> to vector<2048xf32>
    %broadcast_in_dim3A = vector.shape_cast %reduce_sum3A_16 : vector<2048xf32> to vector<2048x1xf32>
    %div3A = arith.constant 2.560000e+02 : f32
    %div3A_17 = vector.broadcast %div3A : f32 to vector<2048x1xf32>
    %div3A_18 = arith.divf %broadcast_in_dim3A, %div3A_17 : vector<2048x1xf32>
    %sub3A = vector.broadcast %div3A_18 : vector<2048x1xf32> to vector<2048x256xf32>
    %sub3A_19 = arith.subf %add3A_9, %sub3A : vector<2048x256xf32>
    %integer_pow3A = arith.mulf %sub3A_19, %sub3A_19 : vector<2048x256xf32>
    %reduce_sum3A_20 = arith.constant dense<0.000000e+00> : vector<2048xf32>
    %reduce_sum3A_21 = vector.multi_reduction <add>, %integer_pow3A, %reduce_sum3A_20 [1] : vector<2048x256xf32> to vector<2048xf32>
    %broadcast_in_dim3A_22 = vector.shape_cast %reduce_sum3A_21 : vector<2048xf32> to vector<2048x1xf32>
    %div3A_23 = arith.constant 2.560000e+02 : f32
    %div3A_24 = vector.broadcast %div3A_23 : f32 to vector<2048x1xf32>
    %div3A_25 = arith.divf %broadcast_in_dim3A_22, %div3A_24 : vector<2048x1xf32>
    %sub3A_26 = vector.broadcast %div3A_18 : vector<2048x1xf32> to vector<2048x256xf32>
    %sub3A_27 = arith.subf %add3A_9, %sub3A_26 : vector<2048x256xf32>
    %add3A_28 = arith.constant 9.99999974E-6 : f32
    %add3A_29 = vector.broadcast %add3A_28 : f32 to vector<2048x1xf32>
    %add3A_30 = arith.addf %div3A_25, %add3A_29 : vector<2048x1xf32>
    %sqrt3A = math.sqrt %add3A_30 : vector<2048x1xf32>
    %div3A_31 = vector.broadcast %sqrt3A : vector<2048x1xf32> to vector<2048x256xf32>
    %div3A_32 = arith.divf %sub3A_27, %div3A_31 : vector<2048x256xf32>
    %mul3A = vector.broadcast %get3A_12 : vector<1x256xf32> to vector<2048x256xf32>
    %mul3A_33 = arith.mulf %div3A_32, %mul3A : vector<2048x256xf32>
    %add3A_34 = vector.broadcast %get3A_15 : vector<1x256xf32> to vector<2048x256xf32>
    %add3A_35 = arith.addf %mul3A_33, %add3A_34 : vector<2048x256xf32>
    %max3A = arith.constant 0.000000e+00 : f32
    %max3A_36 = vector.broadcast %max3A : f32 to vector<2048x256xf32>
    %max3A_37 = arith.maximumf %add3A_35, %max3A_36 : vector<2048x256xf32>
    %get3A_38 = arith.constant 0 : index
    %get3A_39 = arith.constant 0 : index
    %get3A_40 = vector.load %arg3[%get3A_38, %get3A_39] : memref<2048x256xf32, #tpu.memory_space<vmem>>, vector<2048x256xf32>
    %get3A_41 = arith.constant 3 : index
    %get3A_42 = arith.constant 0 : index
    %get3A_43 = vector.load %arg11[%get3A_41, %get3A_42] : memref<16x256xf32, #tpu.memory_space<vmem>>, vector<1x256xf32>
    %get3A_44 = arith.constant 4 : index
    %get3A_45 = arith.constant 0 : index
    %get3A_46 = vector.load %arg11[%get3A_44, %get3A_45] : memref<16x256xf32, #tpu.memory_space<vmem>>, vector<1x256xf32>
    %reduce_sum3A_47 = arith.constant dense<0.000000e+00> : vector<2048xf32>
    %reduce_sum3A_48 = vector.multi_reduction <add>, %get3A_40, %reduce_sum3A_47 [1] : vector<2048x256xf32> to vector<2048xf32>
    %broadcast_in_dim3A_49 = vector.shape_cast %reduce_sum3A_48 : vector<2048xf32> to vector<2048x1xf32>
    %div3A_50 = arith.constant 2.560000e+02 : f32
    %div3A_51 = vector.broadcast %div3A_50 : f32 to vector<2048x1xf32>
    %div3A_52 = arith.divf %broadcast_in_dim3A_49, %div3A_51 : vector<2048x1xf32>
    %sub3A_53 = vector.broadcast %div3A_52 : vector<2048x1xf32> to vector<2048x256xf32>
    %sub3A_54 = arith.subf %get3A_40, %sub3A_53 : vector<2048x256xf32>
    %integer_pow3A_55 = arith.mulf %sub3A_54, %sub3A_54 : vector<2048x256xf32>
    %reduce_sum3A_56 = arith.constant dense<0.000000e+00> : vector<2048xf32>
    %reduce_sum3A_57 = vector.multi_reduction <add>, %integer_pow3A_55, %reduce_sum3A_56 [1] : vector<2048x256xf32> to vector<2048xf32>
    %broadcast_in_dim3A_58 = vector.shape_cast %reduce_sum3A_57 : vector<2048xf32> to vector<2048x1xf32>
    %div3A_59 = arith.constant 2.560000e+02 : f32
    %div3A_60 = vector.broadcast %div3A_59 : f32 to vector<2048x1xf32>
    %div3A_61 = arith.divf %broadcast_in_dim3A_58, %div3A_60 : vector<2048x1xf32>
    %sub3A_62 = vector.broadcast %div3A_52 : vector<2048x1xf32> to vector<2048x256xf32>
    %sub3A_63 = arith.subf %get3A_40, %sub3A_62 : vector<2048x256xf32>
    %add3A_64 = arith.constant 9.99999974E-6 : f32
    %add3A_65 = vector.broadcast %add3A_64 : f32 to vector<2048x1xf32>
    %add3A_66 = arith.addf %div3A_61, %add3A_65 : vector<2048x1xf32>
    %sqrt3A_67 = math.sqrt %add3A_66 : vector<2048x1xf32>
    %div3A_68 = vector.broadcast %sqrt3A_67 : vector<2048x1xf32> to vector<2048x256xf32>
    %div3A_69 = arith.divf %sub3A_63, %div3A_68 : vector<2048x256xf32>
    %mul3A_70 = vector.broadcast %get3A_43 : vector<1x256xf32> to vector<2048x256xf32>
    %mul3A_71 = arith.mulf %div3A_69, %mul3A_70 : vector<2048x256xf32>
    %add3A_72 = vector.broadcast %get3A_46 : vector<1x256xf32> to vector<2048x256xf32>
    %add3A_73 = arith.addf %mul3A_71, %add3A_72 : vector<2048x256xf32>
    %get3A_74 = arith.constant 0 : index
    %get3A_75 = arith.constant 0 : index
    %get3A_76 = vector.load %arg4[%get3A_74, %get3A_75] : memref<32x2048xf32, #tpu.memory_space<vmem>>, vector<32x2048xf32>
    %get3A_77 = arith.constant 0 : index
    %get3A_78 = arith.constant 0 : index
    %get3A_79 = vector.load %arg12[%get3A_77, %get3A_78] : memref<32x8xf32, #tpu.memory_space<vmem>>, vector<32x1xf32>
    %get3A_80 = arith.constant 0 : index
    %get3A_81 = arith.constant 1 : index
    %get3A_82 = vector.load %arg12[%get3A_80, %get3A_81] : memref<32x8xf32, #tpu.memory_space<vmem>>, vector<32x1xf32>
    %reduce_sum3A_83 = arith.constant dense<0.000000e+00> : vector<2048xf32>
    %reduce_sum3A_84 = vector.multi_reduction <add>, %get3A_76, %reduce_sum3A_83 [0] : vector<32x2048xf32> to vector<2048xf32>
    %broadcast_in_dim3A_85 = vector.shape_cast %reduce_sum3A_84 : vector<2048xf32> to vector<1x2048xf32>
    %div3A_86 = arith.constant 3.200000e+01 : f32
    %div3A_87 = vector.broadcast %div3A_86 : f32 to vector<1x2048xf32>
    %div3A_88 = arith.divf %broadcast_in_dim3A_85, %div3A_87 : vector<1x2048xf32>
    %sub3A_89 = vector.broadcast %div3A_88 : vector<1x2048xf32> to vector<32x2048xf32>
    %sub3A_90 = arith.subf %get3A_76, %sub3A_89 : vector<32x2048xf32>
    %integer_pow3A_91 = arith.mulf %sub3A_90, %sub3A_90 : vector<32x2048xf32>
    %reduce_sum3A_92 = arith.constant dense<0.000000e+00> : vector<2048xf32>
    %reduce_sum3A_93 = vector.multi_reduction <add>, %integer_pow3A_91, %reduce_sum3A_92 [0] : vector<32x2048xf32> to vector<2048xf32>
    %broadcast_in_dim3A_94 = vector.shape_cast %reduce_sum3A_93 : vector<2048xf32> to vector<1x2048xf32>
    %div3A_95 = arith.constant 3.200000e+01 : f32
    %div3A_96 = vector.broadcast %div3A_95 : f32 to vector<1x2048xf32>
    %div3A_97 = arith.divf %broadcast_in_dim3A_94, %div3A_96 : vector<1x2048xf32>
    %sub3A_98 = vector.broadcast %div3A_88 : vector<1x2048xf32> to vector<32x2048xf32>
    %sub3A_99 = arith.subf %get3A_76, %sub3A_98 : vector<32x2048xf32>
    %add3A_100 = arith.constant 9.99999974E-6 : f32
    %add3A_101 = vector.broadcast %add3A_100 : f32 to vector<1x2048xf32>
    %add3A_102 = arith.addf %div3A_97, %add3A_101 : vector<1x2048xf32>
    %sqrt3A_103 = math.sqrt %add3A_102 : vector<1x2048xf32>
    %div3A_104 = vector.broadcast %sqrt3A_103 : vector<1x2048xf32> to vector<32x2048xf32>
    %div3A_105 = arith.divf %sub3A_99, %div3A_104 : vector<32x2048xf32>
    %mul3A_106 = vector.broadcast %get3A_79 : vector<32x1xf32> to vector<32x2048xf32>
    %mul3A_107 = arith.mulf %div3A_105, %mul3A_106 : vector<32x2048xf32>
    %add3A_108 = vector.broadcast %get3A_82 : vector<32x1xf32> to vector<32x2048xf32>
    %add3A_109 = arith.addf %mul3A_107, %add3A_108 : vector<32x2048xf32>
    %get3A_110 = arith.constant 0 : index
    %get3A_111 = arith.constant 0 : index
    %get3A_112 = vector.load %arg5[%get3A_110, %get3A_111] : memref<32x2048xf32, #tpu.memory_space<vmem>>, vector<32x2048xf32>
    %get3A_113 = arith.constant 0 : index
    %get3A_114 = arith.constant 2 : index
    %get3A_115 = vector.load %arg12[%get3A_113, %get3A_114] : memref<32x8xf32, #tpu.memory_space<vmem>>, vector<32x1xf32>
    %get3A_116 = arith.constant 0 : index
    %get3A_117 = arith.constant 3 : index
    %get3A_118 = vector.load %arg12[%get3A_116, %get3A_117] : memref<32x8xf32, #tpu.memory_space<vmem>>, vector<32x1xf32>
    %reduce_sum3A_119 = arith.constant dense<0.000000e+00> : vector<2048xf32>
    %reduce_sum3A_120 = vector.multi_reduction <add>, %get3A_112, %reduce_sum3A_119 [0] : vector<32x2048xf32> to vector<2048xf32>
    %broadcast_in_dim3A_121 = vector.shape_cast %reduce_sum3A_120 : vector<2048xf32> to vector<1x2048xf32>
    %div3A_122 = arith.constant 3.200000e+01 : f32
    %div3A_123 = vector.broadcast %div3A_122 : f32 to vector<1x2048xf32>
    %div3A_124 = arith.divf %broadcast_in_dim3A_121, %div3A_123 : vector<1x2048xf32>
    %sub3A_125 = vector.broadcast %div3A_124 : vector<1x2048xf32> to vector<32x2048xf32>
    %sub3A_126 = arith.subf %get3A_112, %sub3A_125 : vector<32x2048xf32>
    %integer_pow3A_127 = arith.mulf %sub3A_126, %sub3A_126 : vector<32x2048xf32>
    %reduce_sum3A_128 = arith.constant dense<0.000000e+00> : vector<2048xf32>
    %reduce_sum3A_129 = vector.multi_reduction <add>, %integer_pow3A_127, %reduce_sum3A_128 [0] : vector<32x2048xf32> to vector<2048xf32>
    %broadcast_in_dim3A_130 = vector.shape_cast %reduce_sum3A_129 : vector<2048xf32> to vector<1x2048xf32>
    %div3A_131 = arith.constant 3.200000e+01 : f32
    %div3A_132 = vector.broadcast %div3A_131 : f32 to vector<1x2048xf32>
    %div3A_133 = arith.divf %broadcast_in_dim3A_130, %div3A_132 : vector<1x2048xf32>
    %sub3A_134 = vector.broadcast %div3A_124 : vector<1x2048xf32> to vector<32x2048xf32>
    %sub3A_135 = arith.subf %get3A_112, %sub3A_134 : vector<32x2048xf32>
    %add3A_136 = arith.constant 9.99999974E-6 : f32
    %add3A_137 = vector.broadcast %add3A_136 : f32 to vector<1x2048xf32>
    %add3A_138 = arith.addf %div3A_133, %add3A_137 : vector<1x2048xf32>
    %sqrt3A_139 = math.sqrt %add3A_138 : vector<1x2048xf32>
    %div3A_140 = vector.broadcast %sqrt3A_139 : vector<1x2048xf32> to vector<32x2048xf32>
    %div3A_141 = arith.divf %sub3A_135, %div3A_140 : vector<32x2048xf32>
    %mul3A_142 = vector.broadcast %get3A_115 : vector<32x1xf32> to vector<32x2048xf32>
    %mul3A_143 = arith.mulf %div3A_141, %mul3A_142 : vector<32x2048xf32>
    %add3A_144 = vector.broadcast %get3A_118 : vector<32x1xf32> to vector<32x2048xf32>
    %add3A_145 = arith.addf %mul3A_143, %add3A_144 : vector<32x2048xf32>
    %concatenate3A = tpu.concatenate %add3A_109, %add3A_145 in 0 : vector<32x2048xf32>, vector<32x2048xf32> -> vector<64x2048xf32>
    %convert_element_type3A = arith.truncf %max3A_37 : vector<2048x256xf32> to vector<2048x256xbf16>
    %get3A_146 = arith.constant 0 : index
    %get3A_147 = arith.constant 0 : index
    %get3A_148 = vector.load %arg7[%get3A_146, %get3A_147] : memref<256x256xf32, #tpu.memory_space<vmem>>, vector<256x256xf32>
    %convert_element_type3A_149 = arith.truncf %get3A_148 : vector<256x256xf32> to vector<256x256xbf16>
    %dot_general3A_150 = arith.constant dense<0.000000e+00> : vector<2048x256xf32>
    %dot_general3A_151 = tpu.matmul %convert_element_type3A, %convert_element_type3A_149, %dot_general3A_150 {dimension_numbers = #tpu.dot_dimension_numbers<[1], [0], [0], [1], [0, 0, 1, 1], [], []>, transpose_lhs_hint = false} : vector<2048x256xbf16>, vector<256x256xbf16>, vector<2048x256xf32> -> vector<2048x256xf32>
    %convert_element_type3A_152 = arith.truncf %add3A_73 : vector<2048x256xf32> to vector<2048x256xbf16>
    %get3A_153 = arith.constant 0 : index
    %get3A_154 = arith.constant 0 : index
    %get3A_155 = vector.load %arg8[%get3A_153, %get3A_154] : memref<256x256xf32, #tpu.memory_space<vmem>>, vector<256x256xf32>
    %convert_element_type3A_156 = arith.truncf %get3A_155 : vector<256x256xf32> to vector<256x256xbf16>
    %dot_general3A_157 = arith.constant dense<0.000000e+00> : vector<2048x256xf32>
    %dot_general3A_158 = tpu.matmul %convert_element_type3A_152, %convert_element_type3A_156, %dot_general3A_157 {dimension_numbers = #tpu.dot_dimension_numbers<[1], [0], [0], [1], [0, 0, 1, 1], [], []>, transpose_lhs_hint = false} : vector<2048x256xbf16>, vector<256x256xbf16>, vector<2048x256xf32> -> vector<2048x256xf32>
    %add3A_159 = arith.addf %dot_general3A_151, %dot_general3A_158 : vector<2048x256xf32>
    %convert_element_type3A_160 = arith.truncf %concatenate3A : vector<64x2048xf32> to vector<64x2048xbf16>
    %get3A_161 = arith.constant 0 : index
    %get3A_162 = arith.constant 0 : index
    %get3A_163 = vector.load %arg9[%get3A_161, %get3A_162] : memref<64x256xf32, #tpu.memory_space<vmem>>, vector<64x256xf32>
    %convert_element_type3A_164 = arith.truncf %get3A_163 : vector<64x256xf32> to vector<64x256xbf16>
    %dot_general3A_165 = arith.constant dense<0.000000e+00> : vector<2048x256xf32>
    %dot_general3A_166 = tpu.matmul %convert_element_type3A_160, %convert_element_type3A_164, %dot_general3A_165 {dimension_numbers = #tpu.dot_dimension_numbers<[0], [0], [1], [1], [0, 1, 1, 1], [], []>, transpose_lhs_hint = false} : vector<64x2048xbf16>, vector<64x256xbf16>, vector<2048x256xf32> -> vector<2048x256xf32>
    %add3A_167 = arith.addf %add3A_159, %dot_general3A_166 : vector<2048x256xf32>
    %get3A_168 = arith.constant 5 : index
    %get3A_169 = arith.constant 0 : index
    %get3A_170 = vector.load %arg11[%get3A_168, %get3A_169] : memref<16x256xf32, #tpu.memory_space<vmem>>, vector<1x256xf32>
    %add3A_171 = vector.broadcast %get3A_170 : vector<1x256xf32> to vector<2048x256xf32>
    %add3A_172 = arith.addf %add3A_167, %add3A_171 : vector<2048x256xf32>
    %get3A_173 = arith.constant 6 : index
    %get3A_174 = arith.constant 0 : index
    %get3A_175 = vector.load %arg11[%get3A_173, %get3A_174] : memref<16x256xf32, #tpu.memory_space<vmem>>, vector<1x256xf32>
    %get3A_176 = arith.constant 7 : index
    %get3A_177 = arith.constant 0 : index
    %get3A_178 = vector.load %arg11[%get3A_176, %get3A_177] : memref<16x256xf32, #tpu.memory_space<vmem>>, vector<1x256xf32>
    %reduce_sum3A_179 = arith.constant dense<0.000000e+00> : vector<2048xf32>
    %reduce_sum3A_180 = vector.multi_reduction <add>, %add3A_172, %reduce_sum3A_179 [1] : vector<2048x256xf32> to vector<2048xf32>
    %broadcast_in_dim3A_181 = vector.shape_cast %reduce_sum3A_180 : vector<2048xf32> to vector<2048x1xf32>
    %div3A_182 = arith.constant 2.560000e+02 : f32
    %div3A_183 = vector.broadcast %div3A_182 : f32 to vector<2048x1xf32>
    %div3A_184 = arith.divf %broadcast_in_dim3A_181, %div3A_183 : vector<2048x1xf32>
    %sub3A_185 = vector.broadcast %div3A_184 : vector<2048x1xf32> to vector<2048x256xf32>
    %sub3A_186 = arith.subf %add3A_172, %sub3A_185 : vector<2048x256xf32>
    %integer_pow3A_187 = arith.mulf %sub3A_186, %sub3A_186 : vector<2048x256xf32>
    %reduce_sum3A_188 = arith.constant dense<0.000000e+00> : vector<2048xf32>
    %reduce_sum3A_189 = vector.multi_reduction <add>, %integer_pow3A_187, %reduce_sum3A_188 [1] : vector<2048x256xf32> to vector<2048xf32>
    %broadcast_in_dim3A_190 = vector.shape_cast %reduce_sum3A_189 : vector<2048xf32> to vector<2048x1xf32>
    %div3A_191 = arith.constant 2.560000e+02 : f32
    %div3A_192 = vector.broadcast %div3A_191 : f32 to vector<2048x1xf32>
    %div3A_193 = arith.divf %broadcast_in_dim3A_190, %div3A_192 : vector<2048x1xf32>
    %sub3A_194 = vector.broadcast %div3A_184 : vector<2048x1xf32> to vector<2048x256xf32>
    %sub3A_195 = arith.subf %add3A_172, %sub3A_194 : vector<2048x256xf32>
    %add3A_196 = arith.constant 9.99999974E-6 : f32
    %add3A_197 = vector.broadcast %add3A_196 : f32 to vector<2048x1xf32>
    %add3A_198 = arith.addf %div3A_193, %add3A_197 : vector<2048x1xf32>
    %sqrt3A_199 = math.sqrt %add3A_198 : vector<2048x1xf32>
    %div3A_200 = vector.broadcast %sqrt3A_199 : vector<2048x1xf32> to vector<2048x256xf32>
    %div3A_201 = arith.divf %sub3A_195, %div3A_200 : vector<2048x256xf32>
    %mul3A_202 = vector.broadcast %get3A_175 : vector<1x256xf32> to vector<2048x256xf32>
    %mul3A_203 = arith.mulf %div3A_201, %mul3A_202 : vector<2048x256xf32>
    %add3A_204 = vector.broadcast %get3A_178 : vector<1x256xf32> to vector<2048x256xf32>
    %add3A_205 = arith.addf %mul3A_203, %add3A_204 : vector<2048x256xf32>
    %max3A_206 = arith.constant 0.000000e+00 : f32
    %max3A_207 = vector.broadcast %max3A_206 : f32 to vector<2048x256xf32>
    %max3A_208 = arith.maximumf %add3A_205, %max3A_207 : vector<2048x256xf32>
    %convert_element_type3A_209 = arith.truncf %max3A_208 : vector<2048x256xf32> to vector<2048x256xbf16>
    %get3A_210 = arith.constant 0 : index
    %get3A_211 = arith.constant 0 : index
    %get3A_212 = vector.load %arg10[%get3A_210, %get3A_211] : memref<256x256xf32, #tpu.memory_space<vmem>>, vector<256x256xf32>
    %convert_element_type3A_213 = arith.truncf %get3A_212 : vector<256x256xf32> to vector<256x256xbf16>
    %dot_general3A_214 = arith.constant dense<0.000000e+00> : vector<2048x256xf32>
    %dot_general3A_215 = tpu.matmul %convert_element_type3A_209, %convert_element_type3A_213, %dot_general3A_214 {dimension_numbers = #tpu.dot_dimension_numbers<[1], [0], [0], [1], [0, 0, 1, 1], [], []>, transpose_lhs_hint = false} : vector<2048x256xbf16>, vector<256x256xbf16>, vector<2048x256xf32> -> vector<2048x256xf32>
    %get3A_216 = arith.constant 8 : index
    %get3A_217 = arith.constant 0 : index
    %get3A_218 = vector.load %arg11[%get3A_216, %get3A_217] : memref<16x256xf32, #tpu.memory_space<vmem>>, vector<1x256xf32>
    %add3A_219 = vector.broadcast %get3A_218 : vector<1x256xf32> to vector<2048x256xf32>
    %add3A_220 = arith.addf %dot_general3A_215, %add3A_219 : vector<2048x256xf32>
    %get3A_221 = arith.constant 9 : index
    %get3A_222 = arith.constant 0 : index
    %get3A_223 = vector.load %arg11[%get3A_221, %get3A_222] : memref<16x256xf32, #tpu.memory_space<vmem>>, vector<1x256xf32>
    %get3A_224 = arith.constant 10 : index
    %get3A_225 = arith.constant 0 : index
    %get3A_226 = vector.load %arg11[%get3A_224, %get3A_225] : memref<16x256xf32, #tpu.memory_space<vmem>>, vector<1x256xf32>
    %reduce_sum3A_227 = arith.constant dense<0.000000e+00> : vector<2048xf32>
    %reduce_sum3A_228 = vector.multi_reduction <add>, %add3A_220, %reduce_sum3A_227 [1] : vector<2048x256xf32> to vector<2048xf32>
    %broadcast_in_dim3A_229 = vector.shape_cast %reduce_sum3A_228 : vector<2048xf32> to vector<2048x1xf32>
    %div3A_230 = arith.constant 2.560000e+02 : f32
    %div3A_231 = vector.broadcast %div3A_230 : f32 to vector<2048x1xf32>
    %div3A_232 = arith.divf %broadcast_in_dim3A_229, %div3A_231 : vector<2048x1xf32>
    %sub3A_233 = vector.broadcast %div3A_232 : vector<2048x1xf32> to vector<2048x256xf32>
    %sub3A_234 = arith.subf %add3A_220, %sub3A_233 : vector<2048x256xf32>
    %integer_pow3A_235 = arith.mulf %sub3A_234, %sub3A_234 : vector<2048x256xf32>
    %reduce_sum3A_236 = arith.constant dense<0.000000e+00> : vector<2048xf32>
    %reduce_sum3A_237 = vector.multi_reduction <add>, %integer_pow3A_235, %reduce_sum3A_236 [1] : vector<2048x256xf32> to vector<2048xf32>
    %broadcast_in_dim3A_238 = vector.shape_cast %reduce_sum3A_237 : vector<2048xf32> to vector<2048x1xf32>
    %div3A_239 = arith.constant 2.560000e+02 : f32
    %div3A_240 = vector.broadcast %div3A_239 : f32 to vector<2048x1xf32>
    %div3A_241 = arith.divf %broadcast_in_dim3A_238, %div3A_240 : vector<2048x1xf32>
    %sub3A_242 = vector.broadcast %div3A_232 : vector<2048x1xf32> to vector<2048x256xf32>
    %sub3A_243 = arith.subf %add3A_220, %sub3A_242 : vector<2048x256xf32>
    %add3A_244 = arith.constant 9.99999974E-6 : f32
    %add3A_245 = vector.broadcast %add3A_244 : f32 to vector<2048x1xf32>
    %add3A_246 = arith.addf %div3A_241, %add3A_245 : vector<2048x1xf32>
    %sqrt3A_247 = math.sqrt %add3A_246 : vector<2048x1xf32>
    %div3A_248 = vector.broadcast %sqrt3A_247 : vector<2048x1xf32> to vector<2048x256xf32>
    %div3A_249 = arith.divf %sub3A_243, %div3A_248 : vector<2048x256xf32>
    %mul3A_250 = vector.broadcast %get3A_223 : vector<1x256xf32> to vector<2048x256xf32>
    %mul3A_251 = arith.mulf %div3A_249, %mul3A_250 : vector<2048x256xf32>
    %add3A_252 = vector.broadcast %get3A_226 : vector<1x256xf32> to vector<2048x256xf32>
    %add3A_253 = arith.addf %mul3A_251, %add3A_252 : vector<2048x256xf32>
    %max3A_254 = arith.constant 0.000000e+00 : f32
    %max3A_255 = vector.broadcast %max3A_254 : f32 to vector<2048x256xf32>
    %max3A_256 = arith.maximumf %add3A_253, %max3A_255 : vector<2048x256xf32>
    %mul3A_257 = arith.mulf %max3A_256, %max3A_256 : vector<2048x256xf32>
    %reduce_sum3A_258 = arith.constant dense<0.000000e+00> : vector<2048xf32>
    %reduce_sum3A_259 = vector.multi_reduction <add>, %mul3A_257, %reduce_sum3A_258 [1] : vector<2048x256xf32> to vector<2048xf32>
    %broadcast_in_dim3A_260 = vector.shape_cast %reduce_sum3A_259 : vector<2048xf32> to vector<2048x1xf32>
    %sqrt3A_261 = math.sqrt %broadcast_in_dim3A_260 : vector<2048x1xf32>
    %max3A_262 = arith.constant 9.99999996E-13 : f32
    %max3A_263 = vector.broadcast %max3A_262 : f32 to vector<2048x1xf32>
    %max3A_264 = arith.maximumf %sqrt3A_261, %max3A_263 : vector<2048x1xf32>
    %div3A_265 = vector.broadcast %max3A_264 : vector<2048x1xf32> to vector<2048x256xf32>
    %div3A_266 = arith.divf %max3A_256, %div3A_265 : vector<2048x256xf32>
    %swap3A = arith.constant 0 : index
    %swap3A_267 = arith.constant 0 : index
    %swap3A_268 = vector.load %arg13[%swap3A, %swap3A_267] : memref<2048x256xf32, #tpu.memory_space<vmem>>, vector<2048x256xf32>
    tpu.vector_store %arg13[%swap3A, %swap3A_267], %div3A_266 {strides = array<i32>} : memref<2048x256xf32, #tpu.memory_space<vmem>>, vector<2048x256xf32>,
    return
  }
  func.func @transform_1(%arg0: i32) -> (i32, i32) {
    %add3A = arith.constant 4 : i32
    %add3A_0 = arith.addi %add3A, %arg0 : i32
    %c0_i32 = arith.constant 0 : i32
    %c0_i32_1 = arith.constant 0 : i32
    return %add3A_0, %c0_i32 : i32, i32
  }
  func.func @transform_2(%arg0: i32) -> (i32, i32) {
    %add3A = arith.constant 4 : i32
    %add3A_0 = arith.addi %add3A, %arg0 : i32
    %c0_i32 = arith.constant 0 : i32
    %c0_i32_1 = arith.constant 0 : i32
    return %add3A_0, %c0_i32 : i32, i32
  }
  func.func @transform_3(%arg0: i32) -> (i32, i32) {
    %c0_i32 = arith.constant 0 : i32
    %c0_i32_0 = arith.constant 0 : i32
    return %c0_i32, %arg0 : i32, i32
  }
  func.func @transform_4(%arg0: i32) -> (i32, i32) {
    %c0_i32 = arith.constant 0 : i32
    %c0_i32_0 = arith.constant 0 : i32
    return %c0_i32, %arg0 : i32, i32
  }
  func.func @transform_5(%arg0: i32) -> (i32, i32) {
    %c0_i32 = arith.constant 0 : i32
    %c0_i32_0 = arith.constant 0 : i32
    %c0_i32_1 = arith.constant 0 : i32
    return %c0_i32, %c0_i32_0 : i32, i32
  }
  func.func @transform_6(%arg0: i32) -> (i32, i32) {
    %c0_i32 = arith.constant 0 : i32
    %c0_i32_0 = arith.constant 0 : i32
    %c0_i32_1 = arith.constant 0 : i32
    return %c0_i32, %c0_i32_0 : i32, i32
  }
  func.func @transform_7(%arg0: i32) -> (i32, i32) {
    %c0_i32 = arith.constant 0 : i32
    %c0_i32_0 = arith.constant 0 : i32
    %c0_i32_1 = arith.constant 0 : i32
    return %c0_i32, %c0_i32_0 : i32, i32
  }
  func.func @transform_8(%arg0: i32) -> (i32, i32) {
    %c0_i32 = arith.constant 0 : i32
    %c0_i32_0 = arith.constant 0 : i32
    %c0_i32_1 = arith.constant 0 : i32
    return %c0_i32, %c0_i32_0 : i32, i32
  }
  func.func @transform_9(%arg0: i32) -> (i32, i32) {
    %c0_i32 = arith.constant 0 : i32
    %c0_i32_0 = arith.constant 0 : i32
    %c0_i32_1 = arith.constant 0 : i32
    return %c0_i32, %c0_i32_0 : i32, i32
  }
  func.func @transform_10(%arg0: i32) -> (i32, i32) {
    %c0_i32 = arith.constant 0 : i32
    %c0_i32_0 = arith.constant 0 : i32
    %c0_i32_1 = arith.constant 0 : i32
    return %c0_i32, %c0_i32_0 : i32, i32
  }
  func.func @transform_11(%arg0: i32) -> (i32, i32) {
    %c0_i32 = arith.constant 0 : i32
    %c0_i32_0 = arith.constant 0 : i32
    %c0_i32_1 = arith.constant 0 : i32
    return %c0_i32, %c0_i32_0 : i32, i32
  }
  func.func @transform_12(%arg0: i32) -> (i32, i32) {
    %add3A = arith.constant 4 : i32
    %add3A_0 = arith.addi %add3A, %arg0 : i32
    %c0_i32 = arith.constant 0 : i32
    %c0_i32_1 = arith.constant 0 : i32
    return %add3A_0, %c0_i32 : i32, i32
  }
}

</mosaic_0001>

<sc_bundles>
// kernel: gather_offload_async_start.1
scs
__scs_entry_jumppad:
0x0: {  	(pc) =	sbr.rel $0x88, $3  }
0x1: {  	(tag) =	ssettag $0x0;
	lr =	simm.s32 $0x1  }
0x2: {  	[smem:$0x3F88] =	sst lr;
	_ =	strace $0xD0000000  }
0x3: {  	_ = 	snop  }
0x4: {  	_ = 	snop  }
0x5: {  	_ = 	snop  }
0x6: {  	_ = 	snop  }
0x7: {  	_ = 	snop  }
__scs_overlays_trampoline_lowered:
0x8: {  	[smem:$0x3F97] =	sst s0  }
0x9: {  	[smem:$0x3F98] =	sst s1  }
0xa: {  	[smem:$0x3F99] =	sst s2  }
0xb: {  	[smem:$0x3F9A] =	sst s3  }
0xc: {  	[smem:$0x3F9B] =	sst s4  }
0xd: {  	[smem:$0x3F9C] =	sst s5  }
0xe: {  	[smem:$0x3F9D] =	sst s6  }
0xf: {  	[smem:$0x3F9E] =	sst s7  }
0x10: {  	[smem:$0x3F9F] =	sst s8  }
0x11: {  	[smem:$0x3FA0] =	sst s9;
	s0 =	simm.s32 @!p0 $0x0  }
0x12: {  	s1 =	sld [smem:$0x3F86];
	s0 =	simm.s32 @p0 $0x1  }
0x13: {  	[smem:$0x3FA1] =	sst s0;
	s0 =	simm.s32 @!p1 $0x0  }
0x14: {  	s2 =	sld [smem:$0x3F85];
	s0 =	simm.s32 @p1 $0x1  }
0x15: {  	[smem:$0x3FA2] =	sst s0;
	s0 =	simm.s32 @!p2 $0x0  }
0x16: {  	s3 =	sld [smem:$0x3FDB];
	s0 =	simm.s32 @p2 $0x1  }
0x17: {  	s4 =	simm.s32 $0x1BF5;
	[smem:$0x3FA4] =	sst s0  }
0x18: {  	s0 =	sld [smem:$0x3F87];
	_ =	swait.ge [sflag:s4], $0x0  }
0x19: {  	s7 =	sld [smem:$0x3F88]  }
0x1a: {  	s8 =	sadd.s32 $0xFFFFE003, lr  }
0x1b: {  	s9 =	sadd.s32 $0xFFFFFEF7, lr;
	s5 =	simm.s32 $0xFFFFFFFF;
	p2 =	slt.u32 s8, $0xFFFFF086  }
0x1c: {  	p1 =	slt.u32 s9, $0xF7A;
	s5 =	simm.s32 @!p2 $0x0  }
0x1d: {  	s5 =	simm.s32 @p1 $0x1;
	p0 =	seq.s32 s7, s2  }
0x1e: {  	s7 =	smul.u32 @!p0 $0xF7A, s2;
	p2 =	seq.s32 @!p0 s5, $0x0  }
0x1f: {  	s9 =	smul.u32 $0xF7A, s1;
	s8 =	simm.s32 @!p0 $0x1BF5;
	p2 =	por !p2, p0  }
0x20: {  	[sflag:s8] =	ssyncset.s32 @!p0 $0xFFFFF086;
	s6 =	sadd.s32 @!p0 s3, s7;
	s7 =	simm.s32 @!p0 $0x108  }
0x21: {  	s3 =	sadd.s32 s3, s9;
	s6 =	sadd.s32 @!p0 $0x88, s6;
	s7 =	simm.s32 @p2 $0x1082  }
0x22: {  	[simem:s7], [sflag:s8] =	dma.local @!p0 [hbm:s6], $0xF7A  }
0x23: {  	s9 =	sor.u32 $0xD0000000, s2;
	s6 =	simm.s32 $0x108;
	_ =	swait.ge @!p0 [sflag:s8], $0x0  }
0x24: {  	s3 =	sadd.s32 $0x88, s3;
	s6 =	simm.s32 @!p1 $0x1082;
	[sflag:s4] =	ssyncset.s32 $0xFFFFF086  }
0x25: {  	[simem:s6], [sflag:s4] =	dma.local [hbm:s3], $0xF7A  }
0x26: {  	[smem:$0x3F88] =	sst s1;
	(tag) =	ssettag s2;
	_ =	strace s9  }
0x27: {  	s1 =	sld [smem:$0x3F98]  }
0x28: {  	s2 =	sld [smem:$0x3F99]  }
0x29: {  	s4 =	sld [smem:$0x3F9B]  }
0x2a: {  	p0 =	seq.s32 s5, $0x0;
	s5 =	sld [smem:$0x3F9C]  }
0x2b: {  	s6 =	sld [smem:$0x3F9D]  }
0x2c: {  	s7 =	sld [smem:$0x3F9E]  }
0x2d: {  	s3 =	simm.s32 $0x108;
	s8 =	sld [smem:$0x3F9F]  }
0x2e: {  	s3 =	simm.s32 @!p0 $0x1082;
	s9 =	sld [smem:$0x3FA0]  }
0x2f: {  	lr =	sadd.s32 s0, s3;
	s0 =	sld [smem:$0x3F97]  }
0x30: {  	s3 =	sld [smem:$0x3F9A]  }
0x31: {  	[smem:$0x3FA3] =	sst s10  }
0x32: {  	s10 =	sld [smem:$0x3FA1];
	_ =	sdelay $0x3  }
0x33: {  	p0 =	seq.s32 s10, $0x1;
	s10 =	sld [smem:$0x3FA3];
	_ =	sdelay $0x3  }
0x34: {  	[smem:$0x3FA3] =	sst s10  }
0x35: {  	s10 =	sld [smem:$0x3FA2];
	_ =	sdelay $0x3  }
0x36: {  	p1 =	seq.s32 s10, $0x1;
	s10 =	sld [smem:$0x3FA3];
	_ =	sdelay $0x3  }
0x37: {  	[smem:$0x3FA3] =	sst s10  }
0x38: {  	s10 =	sld [smem:$0x3FA4]  }
0x39: {  	_ = 	snop;
	(pc) =	sbr.ind lr, $3  }
0x3a: {  	_ = 	snop  }
0x3b: {  	_ = 	snop  }
0x3c: {  	p2 =	seq.s32 s10, $0x1;
	s10 =	sld [smem:$0x3FA3]  }
0x3d: {  	_ =	shalt  }
0x3e: {  	_ =	shalt  }
0x3f: {  	_ =	shalt  }
0x40: {  	_ =	shalt  }
0x41: {  	_ =	shalt  }
0x42: {  	_ =	shalt  }
0x43: {  	_ =	shalt  }
0x44: {  	_ =	shalt  }
0x45: {  	_ =	shalt  }
0x46: {  	_ =	shalt  }
0x47: {  	_ =	shalt  }
0x48: {  	_ =	shalt  }
0x49: {  	_ =	shalt  }
0x4a: {  	_ =	shalt  }
0x4b: {  	_ =	shalt  }
0x4c: {  	_ =	shalt  }
0x4d: {  	_ =	shalt  }
0x4e: {  	_ =	shalt  }
0x4f: {  	_ =	shalt  }
0x50: {  	_ =	shalt  }
0x51: {  	_ =	shalt  }
0x52: {  	_ =	shalt  }
0x53: {  	_ =	shalt  }
0x54: {  	_ =	shalt  }
0x55: {  	_ =	shalt  }
0x56: {  	_ =	shalt  }
0x57: {  	_ =	shalt  }
0x58: {  	_ =	shalt  }
0x59: {  	_ =	shalt  }
0x5a: {  	_ =	shalt  }
0x5b: {  	_ =	shalt  }
0x5c: {  	_ =	shalt  }
0x5d: {  	_ =	shalt  }
0x5e: {  	_ =	shalt  }
0x5f: {  	_ =	shalt  }
0x60: {  	_ =	shalt  }
0x61: {  	_ =	shalt  }
0x62: {  	_ =	shalt  }
0x63: {  	_ =	shalt  }
0x64: {  	_ =	shalt  }
0x65: {  	_ =	shalt  }
0x66: {  	_ =	shalt  }
0x67: {  	_ =	shalt  }
0x68: {  	_ =	shalt  }
0x69: {  	_ =	shalt  }
0x6a: {  	_ =	shalt  }
0x6b: {  	_ =	shalt  }
0x6c: {  	_ =	shalt  }
0x6d: {  	_ =	shalt  }
0x6e: {  	_ =	shalt  }
0x6f: {  	_ =	shalt  }
0x70: {  	_ =	shalt  }
0x71: {  	_ =	shalt  }
0x72: {  	_ =	shalt  }
0x73: {  	_ =	shalt  }
0x74: {  	_ =	shalt  }
0x75: {  	_ =	shalt  }
0x76: {  	_ =	shalt  }
0x77: {  	_ =	shalt  }
0x78: {  	_ =	shalt  }
0x79: {  	_ =	shalt  }
0x7a: {  	_ =	shalt  }
0x7b: {  	_ =	shalt  }
0x7c: {  	_ =	shalt  }
0x7d: {  	_ =	shalt  }
0x7e: {  	_ =	shalt  }
0x7f: {  	_ =	shalt  }
0x80: {  	_ =	shalt  }
0x81: {  	_ =	shalt  }
0x82: {  	_ =	shalt  }
0x83: {  	_ =	shalt  }
0x84: {  	_ =	shalt  }
0x85: {  	_ =	shalt  }
0x86: {  	_ =	shalt  }
0x87: {  	_ =	shalt  }
.Lfunc_end0:
.L_simem_size_0:
called_computation.1_lowered:
.L_overlay_start_0:
0x88: {  	s2 =	sld [smem:$0x3FD9]  }
0x89: {  	s3 =	sld [smem:$0x3FFE];
	_ =	sdelay $0x1  }
0x8a: {  	s1 =	srdreg.scid  }
0x8b: {  	s0 =	sand.u32 $0x1, s1  }
0x8c: {  	s17 =	sshll.u32 s0, $0xA;
	s2 =	sadd.s32 s3, s2  }
0x8d: {  	s2 =	sadd.s32 s2, s17  }
0x8e: {  	[smem:$0x3FAF] =	sst s2  }
0x8f: {  	_ = 	snop  }
0x90: {  	s4 =	sld [smem:$0x3FC3]  }
0x91: {  	s18 =	sld [smem:$0x3FD0];
	(tm) =	ssettm $0x1  }
0x92: {  	s19 =	sld [smem:$0x3FFB];
	_ =	sdelay $0x3  }
0x93: {  	_ =	strace s19  }
0x94: {  	s2 =	sld [smem:$0x3FFC];
	_ =	sdelay $0x3  }
0x95: {  	_ =	strace s2  }
0x96: {  	s2 =	sld [smem:$0x3FFD];
	_ =	sdelay $0x3  }
0x97: {  	_ =	strace s2  }
0x98: {  	_ =	strace $0x8FFFFFFF  }
0x99: {  	s20 =	sld [smem:$0x3FDB];
	_ =	sdelay $0x1  }
0x9a: {  	s5 =	simm.s32 $_scs_section_size  }
0x9b: {  	s6 =	simm.s32 $_size__tile_overlayer_lowered;
	s7 =	simm.s32 $_tile_overlayer_lowered  }
0x9c: {  	s8 =	simm.s32 $0x1BFF;
	s21 =	sshll.u32 s7, $0x1;
	s5 =	sadd.s32 s5, s20  }
0x9d: {  	s22 =	simm.s32 $0x0;
	s6 =	sshll.u32 s6, $0x1;
	s7 =	sadd.s32 s21, s5  }
0x9e: {  	[timem:s22], [sflag:s8] =	dma.local [hbm:s7], s6  }
0x9f: {  	_ =	swait.ge [sflag:s8], s6  }
0xa0: {  	s6 =	ssub.s32 $0x0, s6;
	[sflag:s8] =	ssyncset.done $0x0  }
0xa1: {  	[sflag:s8] =	ssyncadd.s32 s6;
	_ =	sdelay $0x1  }
0xa2: {  	s23 =	simm.s32 $0x1B8B  }
0xa3: {  	_ =	swait.ge [sflag:s23], $0x1  }
0xa4: {  	[sflag:s23] =	ssyncset.done $0x0  }
0xa5: {  	[sflag:s23] =	ssyncadd.s32 $0xFFFFFFFF  }
0xa6: {  	s6 =	sld [smem:$0x0]  }
0xa7: {  	s7 =	sand.u32 $0xFFFFFFFE, s1  }
0xa8: {  	p0 =	sne.s32 s1, s7  }
0xa9: {  	s7 =	sshll.u32 @p0 s7, $0xE  }
0xaa: {  	s7 =	sadd.s32 @p0 $0x11B8D, s7;
	s8 =	sshll.u32 @p0 s6, $0x11  }
0xab: {  	s7 =	sor.u32 @p0 s8, s7  }
0xac: {  	[sflag:s7] =	ssyncadd.remote.s32 @p0 $0x1;
	_ =	sdelay $0x1  }
0xad: {  	s7 =	simm.s32 @p0 $0x1B8D  }
0xae: {  	_ =	swait.eq @p0 [sflag:s7], $0x1  }
0xaf: {  	[sflag:s7] =	ssyncadd.s32 @p0 $0xFFFFFFFF  }
0xb0: {  	s8 =	sshll.u32 @!p0 s1, $0xE  }
0xb1: {  	s8 =	sor.u32 @!p0 $0x4000, s8;
	s7 =	simm.s32 @!p0 $0x1B8D  }
0xb2: {  	s6 =	sshll.u32 @!p0 s6, $0x11;
	s8 =	sadd.s32 @!p0 $0x11B8D, s8;
	_ =	swait.eq @!p0 [sflag:s7], $0x1  }
0xb3: {  	s6 =	sor.u32 @!p0 s6, s8;
	[sflag:s7] =	ssyncadd.s32 @!p0 $0xFFFFFFFF  }
0xb4: {  	s25 =	simm.s32 $0x1B8E;
	s24 =	sld [smem:$0x3FFE];
	[sflag:s6] =	ssyncadd.remote.s32 @!p0 $0x1  }
0xb5: {  	s26 =	simm.s32 $execute0_lowered;
	[smem:$0x3FD2] =	sst s25  }
0xb6: {  	s7 =	sshll.u32 s26, $0x1;
	_ =	strace $0x8000004C;
	[dreg:$0x1] =	wrdreg $0xFFFFFFFF  }
0xb7: {  	s28 =	simm.s32 $_size_execute0_lowered;
	s5 =	sadd.s32 s5, s7;
	[dreg:$0x0] =	wrdreg $0x0  }
0xb8: {  	s7 =	sshll.u32 s28, $0x1;
	[dreg:$0x2] =	wrdreg s5  }
0xb9: {  	[dreg:$0x3] =	wrdreg s7  }
0xba: {  	[dreg:$0x4] =	wrdreg $0xC0  }
0xbb: {  	_ =	task [dreg:s22], $0x5FFFF  }
0xbc: {  	[dreg:$0x1] =	wrdreg $0xFFFFFFFF  }
0xbd: {  	[dreg:$0x0] =	wrdreg $0x60  }
0xbe: {  	[dreg:$0x2] =	wrdreg s4  }
0xbf: {  	[dreg:$0x3] =	wrdreg s24  }
0xc0: {  	[dreg:$0x4] =	wrdreg s18  }
0xc1: {  	[dreg:$0x5] =	wrdreg $0xA  }
0xc2: {  	_ =	task.clear_ibuf [dreg:s22], $0x6FFFF;
	_ =	strace $0x9000004C  }
0xc3: {  	s29 =	simm.s32 $0xA;
	_ =	strace $0x8000004E  }
0xc4: {  	_ =	swait.ge [sflag:s29], $0x1  }
0xc5: {  	[sflag:s29] =	ssyncadd.s32 $0xFFFFFFFF  }
0xc6: {  	_ =	strace $0x9000004E  }
0xc7: {  	_ =	sfence  }
0xc8: {  	s30 =	sld [smem:$0x0];
	_ =	sdelay $0x2  }
0xc9: {  	s31 =	sshll.u32 s1, $0xD;
	s1 =	sshrl.u32 s1, $0x2  }
0xca: {  	s4 =	sand.u32 $0x4000, s31;
	s1 =	sadd.s32 s1, s30  }
0xcb: {  	s0 =	sor.u32 s4, s0;
	s1 =	sshll.u32 s1, $0x11  }
0xcc: {  	s0 =	sor.u32 s1, s0  }
0xcd: {  	s0 =	sadd.s32 $0x8F2B, s0  }
0xce: {  	[sflag:s0] =	ssyncadd.remote.s32 $0x1  }
0xcf: {  	_ =	sfence.sel $0xFFFF  }
0xd0: {  	[dreg:$0x0] =	wrdreg $0xFFFFFFFF;
	(pc) =	sbr.abs _section_cstart, $3  }
0xd1: {  	[dreg:$0x1] =	wrdreg $0xFFFFFFFF  }
0xd2: {  	_ =	task.clear_ibuf [dreg:s22], $0x2FFFF;
	_ =	strace $0x9FFFFFFF  }
0xd3: {  	(tm) =	ssettm $0x7FFFFFFF  }
tec
execute0_lowered:
.L_overlay_start_1:
0x0: {  	(tag) =	ssettag $0x1  }
0x1: {  	s2 =	rddreg [dreg:$0x0]  }
0x2: {  	s7 =	rddreg [dreg:$0x1];
	s0 =	srdreg.scid  }
0x3: {  	s3 =	rddreg [dreg:$0x2];
	s1 =	stileid.u32;
	s6 =	simm.s32 $0x2  }
0x4: {  	s11 =	simm.s32 $0x3;
	s13 =	simm.s32 $0x0;
	s4 =	sshll.u32 s0, $0x8  }
0x5: {  	s15 =	simm.s32 $0x0;
	s5 =	sshll.u32 s1, $0x9;
	s4 =	sand.u32 $0x100, s4  }
0x6: {  	s14 =	simm.s32 $0x0;
	s0 =	rddreg [dreg:$0x3];
	s4 =	sor.u32 s5, s4  }
0x7: {  	_ =	strace $0x8000004D;
	s5 =	simm.s32 $0x1;
	s9 =	ssub.s32 $0x2000, s4  }
0x8: {  	s8 =	sshrl.u32 s4, $0x3;
	[sflag:s5] =	ssyncpa.u1 $0x0;
	s10 =	sand.u32 $0x1F00, s9  }
.Ltmp0:
0x9: {  	[sflag:s6] =	ssyncpa.u1 $0x0;
	s9 =	sshrl.u32 s9, $0xD;
	(pc) =	sbr.rel .LBB2_1-.Ltmp0, $4  }
0xa: {  	s8 =	sadd.s32 s8, s7;
	p0 =	sne.s32 s10, $0x0;
	s10 =	simm.s32 $0x1  }
0xb: {  	[sflag:s11] =	ssyncpa.u1 $0x0;
	s8 =	sadd.s32 $0x85200, s8;
	s10 =	simm.s32 @!p0 $0x0  }
0xc: {  	s11 =	sadd.s32 $0x6000, s3;
	p0 =	por $0x0, $0x0;
	s7 =	sadd.s32 s10, s9  }
0xd: {  	vm0 =	vmmov $0xffff;
	s9 =	sadd.s32 $0x2000, s3;
	s10 =	sadd.s32 $0x4000, s3;
	s12 =	sadd.s32 $0x1, s7  }
.LBB2_4:
0xe: {  	_ =	sdelay $0x3  }
0xf: {  	[tilespmem:s21], [sflag:$0x1] =	stream.indirect_vreg.gather [hbm4b:s2+s13], $0x1, v0, vm0, $0x4038;
	[tilespmem:$0x4200] =	vst v63  }
0x10: {  	s18 =	sshll.u32 s15, $0x3  }
0x11: {  	s24 =	sand.u32 $0x78, s15;
	s18 =	sand.u32 $0x7FFFFC00, s18  }
0x12: {  	_ =	swait.ge [sflag:s5], $0x2000;
	s15 =	sor.u32 s24, s18  }
0x13: {  	[sflag:s5] =	ssyncset.done $0x0;
	s15 =	sshrl.u32 s15, $0x3  }
0x14: {  	[sflag:s5] =	ssyncadd.s32 $0xFFFFE000;
	s25 =	sadd.s32 s3, s15  }
0x15: {  	[hbm:s25] =	stream.linear.scatter [tilespmem:s17], [sflag:$0x3], $0x800, $0x38;
	[tilespmem:$0x4200] =	vst v63  }
0x16: {  	s26 =	sadd.s32 $0xA00, s16;
	s28 =	sadd.s32 s15, s9  }
0x17: {  	[hbm:s28] =	stream.linear.scatter [tilespmem:s26], [sflag:$0x3], $0x800, $0x38;
	[tilespmem:$0x4200] =	vst v63  }
0x18: {  	s29 =	sadd.s32 $0x1200, s16;
	s30 =	sadd.s32 s15, s10  }
0x19: {  	[hbm:s30] =	stream.linear.scatter [tilespmem:s29], [sflag:$0x3], $0x800, $0x38;
	[tilespmem:$0x4200] =	vst v63  }
0x1a: {  	s31 =	sadd.s32 $0x1A00, s16;
	s15 =	sadd.s32 s15, s11  }
0x1b: {  	[hbm:s15] =	stream.linear.scatter [tilespmem:s31], [sflag:$0x3], $0x800, $0x38;
	[tilespmem:$0x4200] =	vst v63  }
.LBB2_5:
0x1c: {  	p2 =	sne.s32 s14, s12  }
.Ltmp1:
0x1d: {  	p1 =	slt.u32 s14, $0x2;
	(pc) =	sbr.rel @!p2 .LBB2_6-.Ltmp1, $4  }
0x1e: {  	s15 =	simm.s32 @!p1 $0x3  }
0x1f: {  	_ =	swait.ge @!p1 [sflag:s15], $0x2000  }
0x20: {  	s16 =	sadd.s32 $0x1, s14;
	p0 =	por !p0, !p0;
	[sflag:s15] =	ssyncset.done @!p1 $0x0  }
0x21: {  	s14 =	smov.u32 s16;
	[sflag:s15] =	ssyncadd.s32 @!p1 $0xFFFFE000;
	s15 =	smov.u32 s4  }
.LBB2_1:
0x22: {  	p1 =	sge.u32 s14, s7  }
0x23: {  	s16 =	sxor.u32 @!p1 $0xFFFFFFFF, s14  }
0x24: {  	s16 =	sshll.u32 @!p1 s16, $0x8  }
0x25: {  	s31 =	sadd.s32 $0xFFFFFFFF, s14;
	s17 =	simm.s32 @!p1 $0x0;
	s16 =	sand.u32 @!p1 $0x100, s16  }
0x26: {  	[tilespmem:s16], [sflag:$0x2] =	stream.linear.gather @!p1 [hbm4b:s8+s17], $0x100, $0x38;
	[tilespmem:$0x4200] =	vst v63  }
0x27: {  	p1 =	sge.u32 s31, s7  }
.Ltmp2:
0x28: {  	_ = 	snop;
	(pc) =	sbr.rel @p1 .LBB2_5-.Ltmp2, $1  }
0x29: {  	_ =	sdelay $0x3  }
0x2a: {  	s16 =	simm.s32 $0x1;
	_ =	swait.ge [sflag:s6], $0x100  }
0x2b: {  	s16 =	simm.s32 @!p0 $0x0;
	[sflag:s6] =	ssyncset.done $0x0  }
0x2c: {  	s19 =	sshll.u32 s16, $0x8;
	[sflag:s6] =	ssyncadd.s32 $0xFFFFFF00  }
0x2d: {  	v0 =	vld.msk [tilespmem:s19+$0x0 ss:$0x1], $0xffff;
	_ =	sdelay $0x4  }
0x2e: {  	vm1 =	vgt.s32 v0, $0x0  }
0x2f: {  	v0 =	vnsel vm1, $0x0, v0  }
0x30: {  	v0 =	vmin.u32 v0, $0xF423F  }
0x31: {  	v1 =	vshll.u32 v0, $0x3  }
0x32: {  	v0 =	vand.u32 $0x7F, v0;
	v1 =	vand.u32 $0x7FFC00, v1  }
0x33: {  	s22 =	sshll.u32 s14, $0xD;
	v0 =	vor.u32 v0, v1  }
0x34: {  	s18 =	simm.s32 $0x0;
	s16 =	sand.u32 $0x2000, s22  }
0x35: {  	s20 =	sand.u32 $0x400, s18;
	s17 =	sor.u32 $0x200, s16  }
0x36: {  	s21 =	sand.u32 $0x70, s18;
	(ifvalue) =	ssetifvalue $0x7FFFFFFF;
	s20 =	sadd.s32 s20, s17;
	v1 =	vor.u32 $0x80, v0  }
0x37: {  	(ifvalue) =	ssetifvalue $0x7FFFFFFF;
	s20 =	sadd.s32 s21, s20  }
0x38: {  	[tilespmem:s20], [sflag:$0x1] =	stream.indirect_vreg.gather [hbm4b:s2+s13], $0x1, v0, vm0, $0x4038;
	[tilespmem:$0x4200] =	vst v63  }
0x39: {  	v2 =	vor.u32 $0x100, v0;
	(ifvalue) =	ssetifvalue $0x7FFFFFFF  }
0x3a: {  	s21 =	sadd.s32 $0x80, s20;
	(ifvalue) =	ssetifvalue $0x7FFFFFFF  }
0x3b: {  	[tilespmem:s21], [sflag:$0x1] =	stream.indirect_vreg.gather [hbm4b:s2+s13], $0x1, v1, vm0, $0x4038;
	[tilespmem:$0x4200] =	vst v63  }
0x3c: {  	v1 =	vor.u32 $0x180, v0;
	(ifvalue) =	ssetifvalue $0x7FFFFFFF  }
0x3d: {  	s23 =	sadd.s32 $0x100, s20;
	(ifvalue) =	ssetifvalue $0x7FFFFFFF  }
0x3e: {  	[tilespmem:s23], [sflag:$0x1] =	stream.indirect_vreg.gather [hbm4b:s2+s13], $0x1, v2, vm0, $0x4038;
	[tilespmem:$0x4200] =	vst v63  }
0x3f: {  	v2 =	vor.u32 $0x200, v0;
	(ifvalue) =	ssetifvalue $0x7FFFFFFF  }
0x40: {  	s24 =	sadd.s32 $0x180, s20;
	(ifvalue) =	ssetifvalue $0x7FFFFFFF  }
0x41: {  	[tilespmem:s24], [sflag:$0x1] =	stream.indirect_vreg.gather [hbm4b:s2+s13], $0x1, v1, vm0, $0x4038;
	[tilespmem:$0x4200] =	vst v63  }
0x42: {  	(ifvalue) =	ssetifvalue $0x7FFFFFFF;
	v1 =	vor.u32 $0x280, v0  }
0x43: {  	s25 =	sadd.s32 $0x200, s20;
	(ifvalue) =	ssetifvalue $0x7FFFFFFF  }
0x44: {  	[tilespmem:s25], [sflag:$0x1] =	stream.indirect_vreg.gather [hbm4b:s2+s13], $0x1, v2, vm0, $0x4038;
	[tilespmem:$0x4200] =	vst v63  }
0x45: {  	(ifvalue) =	ssetifvalue $0x7FFFFFFF;
	v2 =	vor.u32 $0x300, v0  }
0x46: {  	s26 =	sadd.s32 $0x280, s20;
	(ifvalue) =	ssetifvalue $0x7FFFFFFF  }
0x47: {  	[tilespmem:s26], [sflag:$0x1] =	stream.indirect_vreg.gather [hbm4b:s2+s13], $0x1, v1, vm0, $0x4038;
	[tilespmem:$0x4200] =	vst v63  }
0x48: {  	(ifvalue) =	ssetifvalue $0x7FFFFFFF;
	v1 =	vor.u32 $0x380, v0  }
0x49: {  	s18 =	sor.u32 s18, s18;
	s28 =	sadd.s32 $0x300, s20;
	(ifvalue) =	ssetifvalue $0x7FFFFFFF  }
0x4a: {  	[tilespmem:s28], [sflag:$0x1] =	stream.indirect_vreg.gather [hbm4b:s2+s13], $0x1, v2, vm0, $0x4038;
	[tilespmem:$0x4200] =	vst v63  }
0x4b: {  	s18 =	sor.u32 $0x380, s18;
	(ifvalue) =	ssetifvalue $0x7FFFFFFF;
	v2 =	vadd.s32 $0x7A1400, v0  }
0x4c: {  	s18 =	sadd.s32 s18, s17;
	(ifvalue) =	ssetifvalue $0x7FFFFFFF  }
0x4d: {  	[tilespmem:s18], [sflag:$0x1] =	stream.indirect_vreg.gather [hbm4b:s2+s13], $0x1, v1, vm0, $0x4038;
	[tilespmem:$0x4200] =	vst v63  }
0x4e: {  	(ifvalue) =	ssetifvalue $0x7FFFFFFF;
	v1 =	vadd.s32 $0x7A1480, v0  }
0x4f: {  	s29 =	sadd.s32 $0x800, s20;
	(ifvalue) =	ssetifvalue $0x7FFFFFFF  }
0x50: {  	[tilespmem:s29], [sflag:$0x1] =	stream.indirect_vreg.gather [hbm4b:s2+s13], $0x1, v2, vm0, $0x4038;
	[tilespmem:$0x4200] =	vst v63  }
0x51: {  	(ifvalue) =	ssetifvalue $0x7FFFFFFF;
	v2 =	vadd.s32 $0x7A1500, v0  }
0x52: {  	s30 =	sadd.s32 $0x880, s20;
	(ifvalue) =	ssetifvalue $0x7FFFFFFF  }
0x53: {  	[tilespmem:s30], [sflag:$0x1] =	stream.indirect_vreg.gather [hbm4b:s2+s13], $0x1, v1, vm0, $0x4038;
	[tilespmem:$0x4200] =	vst v63  }
0x54: {  	(ifvalue) =	ssetifvalue $0x7FFFFFFF;
	v1 =	vadd.s32 $0x7A1580, v0  }
0x55: {  	s31 =	sadd.s32 $0x900, s20;
	(ifvalue) =	ssetifvalue $0x7FFFFFFF  }
0x56: {  	[tilespmem:s31], [sflag:$0x1] =	stream.indirect_vreg.gather [hbm4b:s2+s13], $0x1, v2, vm0, $0x4038;
	[tilespmem:$0x4200] =	vst v63  }
0x57: {  	(ifvalue) =	ssetifvalue $0x7FFFFFFF;
	v2 =	vadd.s32 $0x7A1600, v0  }
0x58: {  	s21 =	sadd.s32 $0x980, s20;
	(ifvalue) =	ssetifvalue $0x7FFFFFFF  }
0x59: {  	[tilespmem:s21], [sflag:$0x1] =	stream.indirect_vreg.gather [hbm4b:s2+s13], $0x1, v1, vm0, $0x4038;
	[tilespmem:$0x4200] =	vst v63  }
0x5a: {  	(ifvalue) =	ssetifvalue $0x7FFFFFFF;
	v1 =	vadd.s32 $0x7A1680, v0  }
0x5b: {  	s22 =	sadd.s32 $0xA00, s20;
	(ifvalue) =	ssetifvalue $0x7FFFFFFF  }
0x5c: {  	[tilespmem:s22], [sflag:$0x1] =	stream.indirect_vreg.gather [hbm4b:s2+s13], $0x1, v2, vm0, $0x4038;
	[tilespmem:$0x4200] =	vst v63  }
0x5d: {  	(ifvalue) =	ssetifvalue $0x7FFFFFFF;
	v2 =	vadd.s32 $0x7A1700, v0  }
0x5e: {  	s23 =	sadd.s32 $0xA80, s20;
	(ifvalue) =	ssetifvalue $0x7FFFFFFF  }
0x5f: {  	[tilespmem:s23], [sflag:$0x1] =	stream.indirect_vreg.gather [hbm4b:s2+s13], $0x1, v1, vm0, $0x4038;
	[tilespmem:$0x4200] =	vst v63  }
0x60: {  	(ifvalue) =	ssetifvalue $0x7FFFFFFF;
	v1 =	vadd.s32 $0x7A1780, v0  }
0x61: {  	s24 =	sadd.s32 $0xB00, s20;
	(ifvalue) =	ssetifvalue $0x7FFFFFFF  }
0x62: {  	[tilespmem:s24], [sflag:$0x1] =	stream.indirect_vreg.gather [hbm4b:s2+s13], $0x1, v2, vm0, $0x4038;
	[tilespmem:$0x4200] =	vst v63  }
0x63: {  	(ifvalue) =	ssetifvalue $0x7FFFFFFF;
	v2 =	vadd.s32 $0xF42800, v0  }
0x64: {  	s25 =	sadd.s32 $0xB80, s20;
	(ifvalue) =	ssetifvalue $0x7FFFFFFF  }
0x65: {  	[tilespmem:s25], [sflag:$0x1] =	stream.indirect_vreg.gather [hbm4b:s2+s13], $0x1, v1, vm0, $0x4038;
	[tilespmem:$0x4200] =	vst v63  }
0x66: {  	(ifvalue) =	ssetifvalue $0x7FFFFFFF;
	v1 =	vadd.s32 $0xF42880, v0  }
0x67: {  	s26 =	sadd.s32 $0x1000, s20;
	(ifvalue) =	ssetifvalue $0x7FFFFFFF  }
0x68: {  	[tilespmem:s26], [sflag:$0x1] =	stream.indirect_vreg.gather [hbm4b:s2+s13], $0x1, v2, vm0, $0x4038;
	[tilespmem:$0x4200] =	vst v63  }
0x69: {  	(ifvalue) =	ssetifvalue $0x7FFFFFFF;
	v2 =	vadd.s32 $0xF42900, v0  }
0x6a: {  	s28 =	sadd.s32 $0x1080, s20;
	(ifvalue) =	ssetifvalue $0x7FFFFFFF  }
0x6b: {  	[tilespmem:s28], [sflag:$0x1] =	stream.indirect_vreg.gather [hbm4b:s2+s13], $0x1, v1, vm0, $0x4038;
	[tilespmem:$0x4200] =	vst v63  }
0x6c: {  	(ifvalue) =	ssetifvalue $0x7FFFFFFF;
	v1 =	vadd.s32 $0xF42980, v0  }
0x6d: {  	s29 =	sadd.s32 $0x1100, s20;
	(ifvalue) =	ssetifvalue $0x7FFFFFFF  }
0x6e: {  	[tilespmem:s29], [sflag:$0x1] =	stream.indirect_vreg.gather [hbm4b:s2+s13], $0x1, v2, vm0, $0x4038;
	[tilespmem:$0x4200] =	vst v63  }
0x6f: {  	(ifvalue) =	ssetifvalue $0x7FFFFFFF;
	v2 =	vadd.s32 $0xF42A00, v0  }
0x70: {  	s30 =	sadd.s32 $0x1180, s20;
	(ifvalue) =	ssetifvalue $0x7FFFFFFF  }
0x71: {  	[tilespmem:s30], [sflag:$0x1] =	stream.indirect_vreg.gather [hbm4b:s2+s13], $0x1, v1, vm0, $0x4038;
	[tilespmem:$0x4200] =	vst v63  }
0x72: {  	(ifvalue) =	ssetifvalue $0x7FFFFFFF;
	v1 =	vadd.s32 $0xF42A80, v0  }
0x73: {  	s31 =	sadd.s32 $0x1200, s20;
	(ifvalue) =	ssetifvalue $0x7FFFFFFF  }
0x74: {  	[tilespmem:s31], [sflag:$0x1] =	stream.indirect_vreg.gather [hbm4b:s2+s13], $0x1, v2, vm0, $0x4038;
	[tilespmem:$0x4200] =	vst v63  }
0x75: {  	(ifvalue) =	ssetifvalue $0x7FFFFFFF;
	v2 =	vadd.s32 $0xF42B00, v0  }
0x76: {  	s21 =	sadd.s32 $0x1280, s20;
	(ifvalue) =	ssetifvalue $0x7FFFFFFF  }
0x77: {  	[tilespmem:s21], [sflag:$0x1] =	stream.indirect_vreg.gather [hbm4b:s2+s13], $0x1, v1, vm0, $0x4038;
	[tilespmem:$0x4200] =	vst v63  }
0x78: {  	(ifvalue) =	ssetifvalue $0x7FFFFFFF;
	v1 =	vadd.s32 $0xF42B80, v0  }
0x79: {  	s22 =	sadd.s32 $0x1300, s20;
	(ifvalue) =	ssetifvalue $0x7FFFFFFF  }
0x7a: {  	[tilespmem:s22], [sflag:$0x1] =	stream.indirect_vreg.gather [hbm4b:s2+s13], $0x1, v2, vm0, $0x4038;
	[tilespmem:$0x4200] =	vst v63  }
0x7b: {  	(ifvalue) =	ssetifvalue $0x7FFFFFFF;
	v2 =	vadd.s32 $0x16E3C00, v0  }
0x7c: {  	s23 =	sadd.s32 $0x1380, s20;
	(ifvalue) =	ssetifvalue $0x7FFFFFFF  }
0x7d: {  	[tilespmem:s23], [sflag:$0x1] =	stream.indirect_vreg.gather [hbm4b:s2+s13], $0x1, v1, vm0, $0x4038;
	[tilespmem:$0x4200] =	vst v63  }
0x7e: {  	(ifvalue) =	ssetifvalue $0x7FFFFFFF;
	v1 =	vadd.s32 $0x16E3C80, v0  }
0x7f: {  	s24 =	sadd.s32 $0x1800, s20;
	(ifvalue) =	ssetifvalue $0x7FFFFFFF  }
0x80: {  	[tilespmem:s24], [sflag:$0x1] =	stream.indirect_vreg.gather [hbm4b:s2+s13], $0x1, v2, vm0, $0x4038;
	[tilespmem:$0x4200] =	vst v63  }
0x81: {  	(ifvalue) =	ssetifvalue $0x7FFFFFFF;
	v2 =	vadd.s32 $0x16E3D00, v0  }
0x82: {  	s25 =	sadd.s32 $0x1880, s20;
	(ifvalue) =	ssetifvalue $0x7FFFFFFF  }
0x83: {  	[tilespmem:s25], [sflag:$0x1] =	stream.indirect_vreg.gather [hbm4b:s2+s13], $0x1, v1, vm0, $0x4038;
	[tilespmem:$0x4200] =	vst v63  }
0x84: {  	(ifvalue) =	ssetifvalue $0x7FFFFFFF;
	v1 =	vadd.s32 $0x16E3D80, v0  }
0x85: {  	s26 =	sadd.s32 $0x1900, s20;
	(ifvalue) =	ssetifvalue $0x7FFFFFFF  }
0x86: {  	[tilespmem:s26], [sflag:$0x1] =	stream.indirect_vreg.gather [hbm4b:s2+s13], $0x1, v2, vm0, $0x4038;
	[tilespmem:$0x4200] =	vst v63  }
0x87: {  	(ifvalue) =	ssetifvalue $0x7FFFFFFF;
	v2 =	vadd.s32 $0x16E3E00, v0  }
0x88: {  	s28 =	sadd.s32 $0x1980, s20;
	(ifvalue) =	ssetifvalue $0x7FFFFFFF  }
0x89: {  	[tilespmem:s28], [sflag:$0x1] =	stream.indirect_vreg.gather [hbm4b:s2+s13], $0x1, v1, vm0, $0x4038;
	[tilespmem:$0x4200] =	vst v63  }
0x8a: {  	(ifvalue) =	ssetifvalue $0x7FFFFFFF;
	v1 =	vadd.s32 $0x16E3E80, v0  }
0x8b: {  	s29 =	sadd.s32 $0x1A00, s20;
	(ifvalue) =	ssetifvalue $0x7FFFFFFF  }
0x8c: {  	[tilespmem:s29], [sflag:$0x1] =	stream.indirect_vreg.gather [hbm4b:s2+s13], $0x1, v2, vm0, $0x4038;
	[tilespmem:$0x4200] =	vst v63  }
0x8d: {  	(ifvalue) =	ssetifvalue $0x7FFFFFFF;
	v2 =	vadd.s32 $0x16E3F00, v0  }
0x8e: {  	s30 =	sadd.s32 $0x1A80, s20;
	(ifvalue) =	ssetifvalue $0x7FFFFFFF  }
0x8f: {  	[tilespmem:s30], [sflag:$0x1] =	stream.indirect_vreg.gather [hbm4b:s2+s13], $0x1, v1, vm0, $0x4038;
	[tilespmem:$0x4200] =	vst v63  }
0x90: {  	v0 =	vadd.s32 $0x16E3F80, v0;
	(ifvalue) =	ssetifvalue $0x7FFFFFFF  }
0x91: {  	s31 =	sadd.s32 $0x1B00, s20;
	(ifvalue) =	ssetifvalue $0x7FFFFFFF  }
0x92: {  	[tilespmem:s31], [sflag:$0x1] =	stream.indirect_vreg.gather [hbm4b:s2+s13], $0x1, v2, vm0, $0x4038;
	[tilespmem:$0x4200] =	vst v63  }
0x93: {  	s19 =	sadd.s32 $0x10, s19;
	s18 =	simm.s32 $0x10;
	(ifvalue) =	ssetifvalue $0x7FFFFFFF  }
0x94: {  	s21 =	sadd.s32 $0x1B80, s20;
	s20 =	simm.s32 $0x80;
	(ifvalue) =	ssetifvalue $0x7FFFFFFF  }
.LBB2_3:
0x95: {  	[tilespmem:s21], [sflag:$0x1] =	stream.indirect_vreg.gather [hbm4b:s2+s13], $0x1, v0, vm0, $0x4038;
	[tilespmem:$0x4200] =	vst v63  }
0x96: {  	p1 =	sne.s32 s18, $0xF0;
	s22 =	smov.u32 s18;
	s18 =	sadd.s32 $0x10, s18;
	v0 =	vld.msk [tilespmem:s19+$0x0 ss:$0x1], $0xffff  }
0x97: {  	(ifvalue) =	ssetifvalue $0x7FFFFFFF;
	_ =	sdelay $0x4  }
0x98: {  	vm1 =	vgt.s32 v0, $0x0  }
0x99: {  	v0 =	vnsel vm1, $0x0, v0  }
0x9a: {  	v0 =	vmin.u32 v0, $0xF423F  }
0x9b: {  	v1 =	vshll.u32 v0, $0x3  }
0x9c: {  	v0 =	vand.u32 $0x7F, v0;
	v1 =	vand.u32 $0x7FFC00, v1  }
0x9d: {  	v0 =	vor.u32 v0, v1;
	_ =	sdelay $0x1  }
0x9e: {  	s21 =	sand.u32 $0x400, s20  }
0x9f: {  	s23 =	sand.u32 $0x70, s22;
	s21 =	sadd.s32 s21, s17;
	v1 =	vor.u32 $0x80, v0  }
0xa0: {  	s21 =	sadd.s32 s23, s21;
	(ifvalue) =	ssetifvalue $0x7FFFFFFF  }
0xa1: {  	[tilespmem:s21], [sflag:$0x1] =	stream.indirect_vreg.gather [hbm4b:s2+s13], $0x1, v0, vm0, $0x4038;
	[tilespmem:$0x4200] =	vst v63  }
0xa2: {  	v2 =	vor.u32 $0x100, v0;
	(ifvalue) =	ssetifvalue $0x7FFFFFFF  }
0xa3: {  	s23 =	sadd.s32 $0x80, s21;
	(ifvalue) =	ssetifvalue $0x7FFFFFFF  }
0xa4: {  	[tilespmem:s23], [sflag:$0x1] =	stream.indirect_vreg.gather [hbm4b:s2+s13], $0x1, v1, vm0, $0x4038;
	[tilespmem:$0x4200] =	vst v63  }
0xa5: {  	v1 =	vor.u32 $0x180, v0;
	(ifvalue) =	ssetifvalue $0x7FFFFFFF  }
0xa6: {  	s23 =	sadd.s32 $0x100, s21;
	(ifvalue) =	ssetifvalue $0x7FFFFFFF  }
0xa7: {  	[tilespmem:s23], [sflag:$0x1] =	stream.indirect_vreg.gather [hbm4b:s2+s13], $0x1, v2, vm0, $0x4038;
	[tilespmem:$0x4200] =	vst v63  }
0xa8: {  	v2 =	vor.u32 $0x200, v0;
	(ifvalue) =	ssetifvalue $0x7FFFFFFF  }
0xa9: {  	s23 =	sadd.s32 $0x180, s21;
	(ifvalue) =	ssetifvalue $0x7FFFFFFF  }
0xaa: {  	[tilespmem:s23], [sflag:$0x1] =	stream.indirect_vreg.gather [hbm4b:s2+s13], $0x1, v1, vm0, $0x4038;
	[tilespmem:$0x4200] =	vst v63  }
0xab: {  	v1 =	vor.u32 $0x280, v0;
	(ifvalue) =	ssetifvalue $0x7FFFFFFF  }
0xac: {  	s23 =	sadd.s32 $0x200, s21;
	(ifvalue) =	ssetifvalue $0x7FFFFFFF  }
0xad: {  	[tilespmem:s23], [sflag:$0x1] =	stream.indirect_vreg.gather [hbm4b:s2+s13], $0x1, v2, vm0, $0x4038;
	[tilespmem:$0x4200] =	vst v63  }
0xae: {  	v2 =	vor.u32 $0x300, v0;
	(ifvalue) =	ssetifvalue $0x7FFFFFFF  }
0xaf: {  	s23 =	sadd.s32 $0x280, s21;
	(ifvalue) =	ssetifvalue $0x7FFFFFFF  }
0xb0: {  	[tilespmem:s23], [sflag:$0x1] =	stream.indirect_vreg.gather [hbm4b:s2+s13], $0x1, v1, vm0, $0x4038;
	[tilespmem:$0x4200] =	vst v63  }
0xb1: {  	v1 =	vor.u32 $0x380, v0;
	(ifvalue) =	ssetifvalue $0x7FFFFFFF  }
0xb2: {  	s22 =	sor.u32 s20, s22;
	s23 =	sadd.s32 $0x300, s21;
	(ifvalue) =	ssetifvalue $0x7FFFFFFF  }
0xb3: {  	[tilespmem:s23], [sflag:$0x1] =	stream.indirect_vreg.gather [hbm4b:s2+s13], $0x1, v2, vm0, $0x4038;
	[tilespmem:$0x4200] =	vst v63  }
0xb4: {  	s22 =	sor.u32 $0x380, s22;
	v2 =	vadd.s32 $0x7A1400, v0;
	(ifvalue) =	ssetifvalue $0x7FFFFFFF  }
0xb5: {  	s22 =	sadd.s32 s22, s17;
	(ifvalue) =	ssetifvalue $0x7FFFFFFF  }
0xb6: {  	[tilespmem:s22], [sflag:$0x1] =	stream.indirect_vreg.gather [hbm4b:s2+s13], $0x1, v1, vm0, $0x4038;
	[tilespmem:$0x4200] =	vst v63  }
0xb7: {  	v1 =	vadd.s32 $0x7A1480, v0;
	(ifvalue) =	ssetifvalue $0x7FFFFFFF  }
0xb8: {  	s22 =	sadd.s32 $0x800, s21;
	(ifvalue) =	ssetifvalue $0x7FFFFFFF  }
0xb9: {  	[tilespmem:s22], [sflag:$0x1] =	stream.indirect_vreg.gather [hbm4b:s2+s13], $0x1, v2, vm0, $0x4038;
	[tilespmem:$0x4200] =	vst v63  }
0xba: {  	v2 =	vadd.s32 $0x7A1500, v0;
	(ifvalue) =	ssetifvalue $0x7FFFFFFF  }
0xbb: {  	s22 =	sadd.s32 $0x880, s21;
	(ifvalue) =	ssetifvalue $0x7FFFFFFF  }
0xbc: {  	[tilespmem:s22], [sflag:$0x1] =	stream.indirect_vreg.gather [hbm4b:s2+s13], $0x1, v1, vm0, $0x4038;
	[tilespmem:$0x4200] =	vst v63  }
0xbd: {  	v1 =	vadd.s32 $0x7A1580, v0;
	(ifvalue) =	ssetifvalue $0x7FFFFFFF  }
0xbe: {  	s22 =	sadd.s32 $0x900, s21;
	(ifvalue) =	ssetifvalue $0x7FFFFFFF  }
0xbf: {  	[tilespmem:s22], [sflag:$0x1] =	stream.indirect_vreg.gather [hbm4b:s2+s13], $0x1, v2, vm0, $0x4038;
	[tilespmem:$0x4200] =	vst v63  }
0xc0: {  	v2 =	vadd.s32 $0x7A1600, v0;
	(ifvalue) =	ssetifvalue $0x7FFFFFFF  }
0xc1: {  	s22 =	sadd.s32 $0x980, s21;
	(ifvalue) =	ssetifvalue $0x7FFFFFFF  }
0xc2: {  	[tilespmem:s22], [sflag:$0x1] =	stream.indirect_vreg.gather [hbm4b:s2+s13], $0x1, v1, vm0, $0x4038;
	[tilespmem:$0x4200] =	vst v63  }
0xc3: {  	v1 =	vadd.s32 $0x7A1680, v0;
	(ifvalue) =	ssetifvalue $0x7FFFFFFF  }
0xc4: {  	s22 =	sadd.s32 $0xA00, s21;
	(ifvalue) =	ssetifvalue $0x7FFFFFFF  }
0xc5: {  	[tilespmem:s22], [sflag:$0x1] =	stream.indirect_vreg.gather [hbm4b:s2+s13], $0x1, v2, vm0, $0x4038;
	[tilespmem:$0x4200] =	vst v63  }
0xc6: {  	v2 =	vadd.s32 $0x7A1700, v0;
	(ifvalue) =	ssetifvalue $0x7FFFFFFF  }
0xc7: {  	s22 =	sadd.s32 $0xA80, s21;
	(ifvalue) =	ssetifvalue $0x7FFFFFFF  }
0xc8: {  	[tilespmem:s22], [sflag:$0x1] =	stream.indirect_vreg.gather [hbm4b:s2+s13], $0x1, v1, vm0, $0x4038;
	[tilespmem:$0x4200] =	vst v63  }
0xc9: {  	v1 =	vadd.s32 $0x7A1780, v0;
	(ifvalue) =	ssetifvalue $0x7FFFFFFF  }
0xca: {  	s22 =	sadd.s32 $0xB00, s21;
	(ifvalue) =	ssetifvalue $0x7FFFFFFF  }
0xcb: {  	[tilespmem:s22], [sflag:$0x1] =	stream.indirect_vreg.gather [hbm4b:s2+s13], $0x1, v2, vm0, $0x4038;
	[tilespmem:$0x4200] =	vst v63  }
0xcc: {  	v2 =	vadd.s32 $0xF42800, v0;
	(ifvalue) =	ssetifvalue $0x7FFFFFFF  }
0xcd: {  	s22 =	sadd.s32 $0xB80, s21;
	(ifvalue) =	ssetifvalue $0x7FFFFFFF  }
0xce: {  	[tilespmem:s22], [sflag:$0x1] =	stream.indirect_vreg.gather [hbm4b:s2+s13], $0x1, v1, vm0, $0x4038;
	[tilespmem:$0x4200] =	vst v63  }
0xcf: {  	v1 =	vadd.s32 $0xF42880, v0;
	(ifvalue) =	ssetifvalue $0x7FFFFFFF  }
0xd0: {  	s22 =	sadd.s32 $0x1000, s21;
	(ifvalue) =	ssetifvalue $0x7FFFFFFF  }
0xd1: {  	[tilespmem:s22], [sflag:$0x1] =	stream.indirect_vreg.gather [hbm4b:s2+s13], $0x1, v2, vm0, $0x4038;
	[tilespmem:$0x4200] =	vst v63  }
0xd2: {  	v2 =	vadd.s32 $0xF42900, v0;
	(ifvalue) =	ssetifvalue $0x7FFFFFFF  }
0xd3: {  	s22 =	sadd.s32 $0x1080, s21;
	(ifvalue) =	ssetifvalue $0x7FFFFFFF  }
0xd4: {  	[tilespmem:s22], [sflag:$0x1] =	stream.indirect_vreg.gather [hbm4b:s2+s13], $0x1, v1, vm0, $0x4038;
	[tilespmem:$0x4200] =	vst v63  }
0xd5: {  	v1 =	vadd.s32 $0xF42980, v0;
	(ifvalue) =	ssetifvalue $0x7FFFFFFF  }
0xd6: {  	s22 =	sadd.s32 $0x1100, s21;
	(ifvalue) =	ssetifvalue $0x7FFFFFFF  }
0xd7: {  	[tilespmem:s22], [sflag:$0x1] =	stream.indirect_vreg.gather [hbm4b:s2+s13], $0x1, v2, vm0, $0x4038;
	[tilespmem:$0x4200] =	vst v63  }
0xd8: {  	v2 =	vadd.s32 $0xF42A00, v0;
	(ifvalue) =	ssetifvalue $0x7FFFFFFF  }
0xd9: {  	s22 =	sadd.s32 $0x1180, s21;
	(ifvalue) =	ssetifvalue $0x7FFFFFFF  }
0xda: {  	[tilespmem:s22], [sflag:$0x1] =	stream.indirect_vreg.gather [hbm4b:s2+s13], $0x1, v1, vm0, $0x4038;
	[tilespmem:$0x4200] =	vst v63  }
0xdb: {  	v1 =	vadd.s32 $0xF42A80, v0;
	(ifvalue) =	ssetifvalue $0x7FFFFFFF  }
0xdc: {  	s22 =	sadd.s32 $0x1200, s21;
	(ifvalue) =	ssetifvalue $0x7FFFFFFF  }
0xdd: {  	[tilespmem:s22], [sflag:$0x1] =	stream.indirect_vreg.gather [hbm4b:s2+s13], $0x1, v2, vm0, $0x4038;
	[tilespmem:$0x4200] =	vst v63  }
0xde: {  	v2 =	vadd.s32 $0xF42B00, v0;
	(ifvalue) =	ssetifvalue $0x7FFFFFFF  }
0xdf: {  	s22 =	sadd.s32 $0x1280, s21;
	(ifvalue) =	ssetifvalue $0x7FFFFFFF  }
0xe0: {  	[tilespmem:s22], [sflag:$0x1] =	stream.indirect_vreg.gather [hbm4b:s2+s13], $0x1, v1, vm0, $0x4038;
	[tilespmem:$0x4200] =	vst v63  }
0xe1: {  	v1 =	vadd.s32 $0xF42B80, v0;
	(ifvalue) =	ssetifvalue $0x7FFFFFFF  }
0xe2: {  	s22 =	sadd.s32 $0x1300, s21;
	(ifvalue) =	ssetifvalue $0x7FFFFFFF  }
0xe3: {  	[tilespmem:s22], [sflag:$0x1] =	stream.indirect_vreg.gather [hbm4b:s2+s13], $0x1, v2, vm0, $0x4038;
	[tilespmem:$0x4200] =	vst v63  }
0xe4: {  	v2 =	vadd.s32 $0x16E3C00, v0;
	(ifvalue) =	ssetifvalue $0x7FFFFFFF  }
0xe5: {  	s22 =	sadd.s32 $0x1380, s21;
	(ifvalue) =	ssetifvalue $0x7FFFFFFF  }
0xe6: {  	[tilespmem:s22], [sflag:$0x1] =	stream.indirect_vreg.gather [hbm4b:s2+s13], $0x1, v1, vm0, $0x4038;
	[tilespmem:$0x4200] =	vst v63  }
0xe7: {  	v1 =	vadd.s32 $0x16E3C80, v0;
	(ifvalue) =	ssetifvalue $0x7FFFFFFF  }
0xe8: {  	s22 =	sadd.s32 $0x1800, s21;
	(ifvalue) =	ssetifvalue $0x7FFFFFFF  }
0xe9: {  	[tilespmem:s22], [sflag:$0x1] =	stream.indirect_vreg.gather [hbm4b:s2+s13], $0x1, v2, vm0, $0x4038;
	[tilespmem:$0x4200] =	vst v63  }
0xea: {  	v2 =	vadd.s32 $0x16E3D00, v0;
	(ifvalue) =	ssetifvalue $0x7FFFFFFF  }
0xeb: {  	s22 =	sadd.s32 $0x1880, s21;
	(ifvalue) =	ssetifvalue $0x7FFFFFFF  }
0xec: {  	[tilespmem:s22], [sflag:$0x1] =	stream.indirect_vreg.gather [hbm4b:s2+s13], $0x1, v1, vm0, $0x4038;
	[tilespmem:$0x4200] =	vst v63  }
0xed: {  	v1 =	vadd.s32 $0x16E3D80, v0;
	(ifvalue) =	ssetifvalue $0x7FFFFFFF  }
0xee: {  	s22 =	sadd.s32 $0x1900, s21;
	(ifvalue) =	ssetifvalue $0x7FFFFFFF  }
0xef: {  	[tilespmem:s22], [sflag:$0x1] =	stream.indirect_vreg.gather [hbm4b:s2+s13], $0x1, v2, vm0, $0x4038;
	[tilespmem:$0x4200] =	vst v63  }
0xf0: {  	v2 =	vadd.s32 $0x16E3E00, v0;
	(ifvalue) =	ssetifvalue $0x7FFFFFFF  }
0xf1: {  	s22 =	sadd.s32 $0x1980, s21;
	(ifvalue) =	ssetifvalue $0x7FFFFFFF  }
0xf2: {  	[tilespmem:s22], [sflag:$0x1] =	stream.indirect_vreg.gather [hbm4b:s2+s13], $0x1, v1, vm0, $0x4038;
	[tilespmem:$0x4200] =	vst v63  }
0xf3: {  	v1 =	vadd.s32 $0x16E3E80, v0;
	(ifvalue) =	ssetifvalue $0x7FFFFFFF  }
0xf4: {  	s22 =	sadd.s32 $0x1A00, s21;
	(ifvalue) =	ssetifvalue $0x7FFFFFFF  }
0xf5: {  	[tilespmem:s22], [sflag:$0x1] =	stream.indirect_vreg.gather [hbm4b:s2+s13], $0x1, v2, vm0, $0x4038;
	[tilespmem:$0x4200] =	vst v63  }
0xf6: {  	v2 =	vadd.s32 $0x16E3F00, v0;
	(ifvalue) =	ssetifvalue $0x7FFFFFFF  }
0xf7: {  	s22 =	sadd.s32 $0x1A80, s21;
	(ifvalue) =	ssetifvalue $0x7FFFFFFF  }
0xf8: {  	[tilespmem:s22], [sflag:$0x1] =	stream.indirect_vreg.gather [hbm4b:s2+s13], $0x1, v1, vm0, $0x4038;
	[tilespmem:$0x4200] =	vst v63  }
.Ltmp3:
0xf9: {  	v0 =	vadd.s32 $0x16E3F80, v0;
	(ifvalue) =	ssetifvalue $0x7FFFFFFF;
	(pc) =	sbr.rel @p1 .LBB2_3-.Ltmp3, $4  }
0xfa: {  	s22 =	sadd.s32 $0x1B00, s21;
	(ifvalue) =	ssetifvalue $0x7FFFFFFF  }
0xfb: {  	[tilespmem:s22], [sflag:$0x1] =	stream.indirect_vreg.gather [hbm4b:s2+s13], $0x1, v2, vm0, $0x4038;
	[tilespmem:$0x4200] =	vst v63  }
0xfc: {  	s19 =	sadd.s32 $0x10, s19;
	(ifvalue) =	ssetifvalue $0x7FFFFFFF  }
0xfd: {  	s20 =	sadd.s32 $0x80, s20;
	s21 =	sadd.s32 $0x1B80, s21;
	(ifvalue) =	ssetifvalue $0x7FFFFFFF  }
.Ltmp4:
0xfe: {  	_ = 	snop;
	(pc) =	sbr.rel .LBB2_4-.Ltmp4, $1  }
0xff: {  	_ =	sdelay $0x3  }
.LBB2_6:
0x100: {  	_ =	sfence.sel $0x180000  }
0x101: {  	s2 =	simm.s32 $0x2;
	[bflag:$0x0] =	sbarrier.arrive $0xFFFF  }
0x102: {  	s30 =	simm.s32 $0x3;
	[sflag:s2] =	ssyncpa.u1 $0x1  }
0x103: {  	s31 =	simm.s32 $0x1;
	[sflag:s30] =	ssyncpa.u1 $0x1  }
0x104: {  	[sflag:s31] =	ssyncpa.u1 $0x1  }
0x105: {  	p0 =	sne.s32 s1, $0x0;
	_ =	strace $0x9000004D  }
0x106: {  	s0 =	sadd.s32 @!p0 $0x100000, s0;
	[bflag:$0x2] =	sbarrier.arrive $0xFFFF  }
0x107: {  	[sflag:s0] =	ssyncadd.tile.s32 @!p0 $0x1;
	_ =	shalt  }
.Lfunc_end2:
_tile_overlayer_lowered:
.L_overlay_start_2:
0x108: {  	(tag) =	ssettag $0x2  }
0x109: {  	s0 =	rddreg [dreg:$0x0];
	s2 =	stileid.u32  }
0x10a: {  	s1 =	rddreg [dreg:$0x1];
	p0 =	sne.s32 s2, $0x0  }
0x10b: {  	s3 =	rddreg [dreg:$0x2];
	[bflag:$0x3] =	sbarrier.arrive $0xFFFF;
	s2 =	simm.s32 @!p0 $0x1C01  }
0x10c: {  	[timem:s3], [sflag:s2] =	dma.local @!p0 [hbm:s0], s1  }
0x10d: {  	s0 =	simm.s32 @!p0 $0x1  }
0x10e: {  	_ =	swait.ge @!p0 [sflag:s0], s1  }
0x10f: {  	s1 =	ssub.s32 @!p0 $0x0, s1;
	[sflag:s0] =	ssyncset.done @!p0 $0x0  }
0x110: {  	[sflag:s0] =	ssyncadd.s32 @!p0 s1  }
0x111: {  	[bflag:$0x3] =	sbarrier.arrive $0xFFFF  }
0x112: {  	_ =	shalt  }

// kernel: gather_offload_async_start.2
scs
__scs_entry_jumppad:
0x0: {  	(pc) =	sbr.rel $0x88, $3  }
0x1: {  	(tag) =	ssettag $0x0;
	lr =	simm.s32 $0x1  }
0x2: {  	[smem:$0x3F88] =	sst lr;
	_ =	strace $0xD0000000  }
0x3: {  	_ = 	snop  }
0x4: {  	_ = 	snop  }
0x5: {  	_ = 	snop  }
0x6: {  	_ = 	snop  }
0x7: {  	_ = 	snop  }
__scs_overlays_trampoline_lowered:
0x8: {  	[smem:$0x3F97] =	sst s0  }
0x9: {  	[smem:$0x3F98] =	sst s1  }
0xa: {  	[smem:$0x3F99] =	sst s2  }
0xb: {  	[smem:$0x3F9A] =	sst s3  }
0xc: {  	[smem:$0x3F9B] =	sst s4  }
0xd: {  	[smem:$0x3F9C] =	sst s5  }
0xe: {  	[smem:$0x3F9D] =	sst s6  }
0xf: {  	[smem:$0x3F9E] =	sst s7  }
0x10: {  	[smem:$0x3F9F] =	sst s8  }
0x11: {  	[smem:$0x3FA0] =	sst s9;
	s0 =	simm.s32 @!p0 $0x0  }
0x12: {  	s1 =	sld [smem:$0x3F86];
	s0 =	simm.s32 @p0 $0x1  }
0x13: {  	[smem:$0x3FA1] =	sst s0;
	s0 =	simm.s32 @!p1 $0x0  }
0x14: {  	s2 =	sld [smem:$0x3F85];
	s0 =	simm.s32 @p1 $0x1  }
0x15: {  	[smem:$0x3FA2] =	sst s0;
	s0 =	simm.s32 @!p2 $0x0  }
0x16: {  	s3 =	sld [smem:$0x3FDB];
	s0 =	simm.s32 @p2 $0x1  }
0x17: {  	s4 =	simm.s32 $0x1BF5;
	[smem:$0x3FA4] =	sst s0  }
0x18: {  	s0 =	sld [smem:$0x3F87];
	_ =	swait.ge [sflag:s4], $0x0  }
0x19: {  	s7 =	sld [smem:$0x3F88]  }
0x1a: {  	s8 =	sadd.s32 $0xFFFFE003, lr  }
0x1b: {  	s9 =	sadd.s32 $0xFFFFFEF7, lr;
	s5 =	simm.s32 $0xFFFFFFFF;
	p2 =	slt.u32 s8, $0xFFFFF086  }
0x1c: {  	p1 =	slt.u32 s9, $0xF7A;
	s5 =	simm.s32 @!p2 $0x0  }
0x1d: {  	s5 =	simm.s32 @p1 $0x1;
	p0 =	seq.s32 s7, s2  }
0x1e: {  	s7 =	smul.u32 @!p0 $0xF7A, s2;
	p2 =	seq.s32 @!p0 s5, $0x0  }
0x1f: {  	s9 =	smul.u32 $0xF7A, s1;
	s8 =	simm.s32 @!p0 $0x1BF5;
	p2 =	por !p2, p0  }
0x20: {  	[sflag:s8] =	ssyncset.s32 @!p0 $0xFFFFF086;
	s6 =	sadd.s32 @!p0 s3, s7;
	s7 =	simm.s32 @!p0 $0x108  }
0x21: {  	s3 =	sadd.s32 s3, s9;
	s6 =	sadd.s32 @!p0 $0x88, s6;
	s7 =	simm.s32 @p2 $0x1082  }
0x22: {  	[simem:s7], [sflag:s8] =	dma.local @!p0 [hbm:s6], $0xF7A  }
0x23: {  	s9 =	sor.u32 $0xD0000000, s2;
	s6 =	simm.s32 $0x108;
	_ =	swait.ge @!p0 [sflag:s8], $0x0  }
0x24: {  	s3 =	sadd.s32 $0x88, s3;
	s6 =	simm.s32 @!p1 $0x1082;
	[sflag:s4] =	ssyncset.s32 $0xFFFFF086  }
0x25: {  	[simem:s6], [sflag:s4] =	dma.local [hbm:s3], $0xF7A  }
0x26: {  	[smem:$0x3F88] =	sst s1;
	(tag) =	ssettag s2;
	_ =	strace s9  }
0x27: {  	s1 =	sld [smem:$0x3F98]  }
0x28: {  	s2 =	sld [smem:$0x3F99]  }
0x29: {  	s4 =	sld [smem:$0x3F9B]  }
0x2a: {  	p0 =	seq.s32 s5, $0x0;
	s5 =	sld [smem:$0x3F9C]  }
0x2b: {  	s6 =	sld [smem:$0x3F9D]  }
0x2c: {  	s7 =	sld [smem:$0x3F9E]  }
0x2d: {  	s3 =	simm.s32 $0x108;
	s8 =	sld [smem:$0x3F9F]  }
0x2e: {  	s3 =	simm.s32 @!p0 $0x1082;
	s9 =	sld [smem:$0x3FA0]  }
0x2f: {  	lr =	sadd.s32 s0, s3;
	s0 =	sld [smem:$0x3F97]  }
0x30: {  	s3 =	sld [smem:$0x3F9A]  }
0x31: {  	[smem:$0x3FA3] =	sst s10  }
0x32: {  	s10 =	sld [smem:$0x3FA1];
	_ =	sdelay $0x3  }
0x33: {  	p0 =	seq.s32 s10, $0x1;
	s10 =	sld [smem:$0x3FA3];
	_ =	sdelay $0x3  }
0x34: {  	[smem:$0x3FA3] =	sst s10  }
0x35: {  	s10 =	sld [smem:$0x3FA2];
	_ =	sdelay $0x3  }
0x36: {  	p1 =	seq.s32 s10, $0x1;
	s10 =	sld [smem:$0x3FA3];
	_ =	sdelay $0x3  }
0x37: {  	[smem:$0x3FA3] =	sst s10  }
0x38: {  	s10 =	sld [smem:$0x3FA4]  }
0x39: {  	_ = 	snop;
	(pc) =	sbr.ind lr, $3  }
0x3a: {  	_ = 	snop  }
0x3b: {  	_ = 	snop  }
0x3c: {  	p2 =	seq.s32 s10, $0x1;
	s10 =	sld [smem:$0x3FA3]  }
0x3d: {  	_ =	shalt  }
0x3e: {  	_ =	shalt  }
0x3f: {  	_ =	shalt  }
0x40: {  	_ =	shalt  }
0x41: {  	_ =	shalt  }
0x42: {  	_ =	shalt  }
0x43: {  	_ =	shalt  }
0x44: {  	_ =	shalt  }
0x45: {  	_ =	shalt  }
0x46: {  	_ =	shalt  }
0x47: {  	_ =	shalt  }
0x48: {  	_ =	shalt  }
0x49: {  	_ =	shalt  }
0x4a: {  	_ =	shalt  }
0x4b: {  	_ =	shalt  }
0x4c: {  	_ =	shalt  }
0x4d: {  	_ =	shalt  }
0x4e: {  	_ =	shalt  }
0x4f: {  	_ =	shalt  }
0x50: {  	_ =	shalt  }
0x51: {  	_ =	shalt  }
0x52: {  	_ =	shalt  }
0x53: {  	_ =	shalt  }
0x54: {  	_ =	shalt  }
0x55: {  	_ =	shalt  }
0x56: {  	_ =	shalt  }
0x57: {  	_ =	shalt  }
0x58: {  	_ =	shalt  }
0x59: {  	_ =	shalt  }
0x5a: {  	_ =	shalt  }
0x5b: {  	_ =	shalt  }
0x5c: {  	_ =	shalt  }
0x5d: {  	_ =	shalt  }
0x5e: {  	_ =	shalt  }
0x5f: {  	_ =	shalt  }
0x60: {  	_ =	shalt  }
0x61: {  	_ =	shalt  }
0x62: {  	_ =	shalt  }
0x63: {  	_ =	shalt  }
0x64: {  	_ =	shalt  }
0x65: {  	_ =	shalt  }
0x66: {  	_ =	shalt  }
0x67: {  	_ =	shalt  }
0x68: {  	_ =	shalt  }
0x69: {  	_ =	shalt  }
0x6a: {  	_ =	shalt  }
0x6b: {  	_ =	shalt  }
0x6c: {  	_ =	shalt  }
0x6d: {  	_ =	shalt  }
0x6e: {  	_ =	shalt  }
0x6f: {  	_ =	shalt  }
0x70: {  	_ =	shalt  }
0x71: {  	_ =	shalt  }
0x72: {  	_ =	shalt  }
0x73: {  	_ =	shalt  }
0x74: {  	_ =	shalt  }
0x75: {  	_ =	shalt  }
0x76: {  	_ =	shalt  }
0x77: {  	_ =	shalt  }
0x78: {  	_ =	shalt  }
0x79: {  	_ =	shalt  }
0x7a: {  	_ =	shalt  }
0x7b: {  	_ =	shalt  }
0x7c: {  	_ =	shalt  }
0x7d: {  	_ =	shalt  }
0x7e: {  	_ =	shalt  }
0x7f: {  	_ =	shalt  }
0x80: {  	_ =	shalt  }
0x81: {  	_ =	shalt  }
0x82: {  	_ =	shalt  }
0x83: {  	_ =	shalt  }
0x84: {  	_ =	shalt  }
0x85: {  	_ =	shalt  }
0x86: {  	_ =	shalt  }
0x87: {  	_ =	shalt  }
.Lfunc_end0:
.L_simem_size_0:
called_computation.2_lowered:
.L_overlay_start_0:
0x88: {  	s2 =	sld [smem:$0x3FD9]  }
0x89: {  	s3 =	sld [smem:$0x3FFE];
	_ =	sdelay $0x1  }
0x8a: {  	s1 =	srdreg.scid  }
0x8b: {  	s0 =	sand.u32 $0x1, s1  }
0x8c: {  	s17 =	sshll.u32 s0, $0xA;
	s2 =	sadd.s32 s3, s2  }
0x8d: {  	s2 =	sadd.s32 s2, s17  }
0x8e: {  	[smem:$0x3FAF] =	sst s2  }
0x8f: {  	_ = 	snop  }
0x90: {  	s2 =	sld [smem:$0x3FC4];
	(tm) =	ssettm $0x1  }
0x91: {  	s18 =	sld [smem:$0x3FFB];
	_ =	sdelay $0x3  }
0x92: {  	_ =	strace s18  }
0x93: {  	s3 =	sld [smem:$0x3FFC];
	_ =	sdelay $0x3  }
0x94: {  	_ =	strace s3  }
0x95: {  	s3 =	sld [smem:$0x3FFD];
	_ =	sdelay $0x3  }
0x96: {  	_ =	strace s3  }
0x97: {  	_ =	strace $0x8FFFFFFF  }
0x98: {  	s19 =	sld [smem:$0x3FDB];
	_ =	sdelay $0x1  }
0x99: {  	s4 =	simm.s32 $_scs_section_size  }
0x9a: {  	s5 =	simm.s32 $_size__tile_overlayer_lowered;
	s6 =	simm.s32 $_tile_overlayer_lowered  }
0x9b: {  	s22 =	simm.s32 $0x1BFF;
	s21 =	sshll.u32 s6, $0x1;
	s3 =	sadd.s32 s4, s19  }
0x9c: {  	s7 =	simm.s32 $0x0;
	s20 =	sshll.u32 s5, $0x1;
	s5 =	sadd.s32 s21, s3  }
0x9d: {  	[timem:s7], [sflag:s22] =	dma.local [hbm:s5], s20  }
0x9e: {  	_ =	swait.ge [sflag:s22], s20  }
0x9f: {  	s4 =	ssub.s32 $0x0, s20;
	[sflag:s22] =	ssyncset.done $0x0  }
0xa0: {  	[sflag:s22] =	ssyncadd.s32 s4;
	_ =	sdelay $0x1  }
0xa1: {  	s23 =	simm.s32 $0x1B8B  }
0xa2: {  	_ =	swait.ge [sflag:s23], $0x1  }
0xa3: {  	[sflag:s23] =	ssyncset.done $0x0  }
0xa4: {  	s25 =	simm.s32 $0x1B8E;
	s24 =	sld [smem:$0x3FFE];
	[sflag:s23] =	ssyncadd.s32 $0xFFFFFFFF  }
0xa5: {  	s26 =	simm.s32 $execute0_lowered;
	[smem:$0x3FD2] =	sst s25  }
0xa6: {  	s5 =	sshll.u32 s26, $0x1;
	_ =	strace $0x8000004F;
	[dreg:$0x1] =	wrdreg $0xFFFFFFFF  }
0xa7: {  	s28 =	simm.s32 $_size_execute0_lowered;
	s3 =	sadd.s32 s3, s5;
	[dreg:$0x0] =	wrdreg $0x0  }
0xa8: {  	s5 =	sshll.u32 s28, $0x1;
	[dreg:$0x2] =	wrdreg s3  }
0xa9: {  	[dreg:$0x3] =	wrdreg s5  }
0xaa: {  	[dreg:$0x4] =	wrdreg $0xC0  }
0xab: {  	_ =	task [dreg:s7], $0x5FFFF  }
0xac: {  	[dreg:$0x1] =	wrdreg $0xFFFFFFFF  }
0xad: {  	[dreg:$0x0] =	wrdreg $0x60  }
0xae: {  	[dreg:$0x2] =	wrdreg s2  }
0xaf: {  	[dreg:$0x3] =	wrdreg s24  }
0xb0: {  	[dreg:$0x4] =	wrdreg $0x9  }
0xb1: {  	_ =	task.clear_ibuf [dreg:s7], $0x5FFFF;
	_ =	strace $0x9000004F  }
0xb2: {  	s29 =	simm.s32 $0x9;
	_ =	strace $0x80000051  }
0xb3: {  	_ =	swait.ge [sflag:s29], $0x1  }
0xb4: {  	[sflag:s29] =	ssyncadd.s32 $0xFFFFFFFF  }
0xb5: {  	_ =	strace $0x90000051  }
0xb6: {  	_ =	sfence  }
0xb7: {  	s30 =	sld [smem:$0x0];
	_ =	sdelay $0x2  }
0xb8: {  	s31 =	sshll.u32 s1, $0xD;
	s1 =	sshrl.u32 s1, $0x2  }
0xb9: {  	s3 =	sand.u32 $0x4000, s31;
	s1 =	sadd.s32 s1, s30  }
0xba: {  	s0 =	sor.u32 s3, s0;
	s1 =	sshll.u32 s1, $0x11  }
0xbb: {  	s0 =	sor.u32 s1, s0  }
0xbc: {  	s0 =	sadd.s32 $0x8F2B, s0  }
0xbd: {  	[sflag:s0] =	ssyncadd.remote.s32 $0x1  }
0xbe: {  	_ =	sfence.sel $0xFFFF  }
0xbf: {  	[dreg:$0x0] =	wrdreg $0xFFFFFFFF;
	(pc) =	sbr.abs _section_cstart, $3  }
0xc0: {  	[dreg:$0x1] =	wrdreg $0xFFFFFFFF  }
0xc1: {  	_ =	task.clear_ibuf [dreg:s7], $0x2FFFF;
	_ =	strace $0x9FFFFFFF  }
0xc2: {  	(tm) =	ssettm $0x7FFFFFFF  }
0xc3: {  	_ =	shalt  }
tec
execute0_lowered:
.L_overlay_start_1:
0x0: {  	(tag) =	ssettag $0x1  }
0x1: {  	s1 =	srdreg.scid  }
0x2: {  	s2 =	rddreg [dreg:$0x0];
	s0 =	stileid.u32  }
0x3: {  	s11 =	rddreg [dreg:$0x1];
	s5 =	simm.s32 $0x2;
	s1 =	sshll.u32 s1, $0x8  }
0x4: {  	s9 =	simm.s32 $0x3;
	s3 =	sshll.u32 s0, $0x9;
	s4 =	sand.u32 $0x100, s1  }
0x5: {  	s13 =	simm.s32 $0x0;
	s15 =	simm.s32 $0x0;
	s3 =	sor.u32 s3, s4  }
0x6: {  	s14 =	simm.s32 $0x0;
	s1 =	rddreg [dreg:$0x2];
	s4 =	sshrl.u32 s3, $0x3  }
0x7: {  	_ =	strace $0x80000050;
	s6 =	ssub.s32 $0x2000, s3;
	s8 =	sadd.s32 s4, s11  }
0x8: {  	s4 =	simm.s32 $0x1;
	s7 =	sand.u32 $0x1F00, s6;
	s10 =	sshrl.u32 s6, $0xD  }
.Ltmp0:
0x9: {  	s6 =	sadd.s32 $0x8D600, s11;
	[sflag:s4] =	ssyncpa.u1 $0x0;
	(pc) =	sbr.rel .LBB2_1-.Ltmp0, $4  }
0xa: {  	p0 =	sne.s32 s7, $0x0;
	s7 =	simm.s32 $0x1;
	s8 =	sadd.s32 $0x85000, s8  }
0xb: {  	[sflag:s5] =	ssyncpa.u1 $0x0;
	s7 =	simm.s32 @!p0 $0x0;
	p0 =	por $0x0, $0x0  }
0xc: {  	[sflag:s9] =	ssyncpa.u1 $0x0;
	s7 =	sadd.s32 s7, s10;
	s9 =	sadd.s32 $0x8F600, s11  }
0xd: {  	vm0 =	vmmov $0xffff;
	s10 =	sadd.s32 $0x91600, s11;
	s11 =	sadd.s32 $0x93600, s11;
	s12 =	sadd.s32 $0x1, s7  }
.LBB2_4:
0xe: {  	_ =	sdelay $0x3  }
0xf: {  	[tilespmem:s21], [sflag:$0x1] =	stream.indirect_vreg.gather [hbm4b:s2+s13], $0x1, v0, vm0, $0x4038;
	[tilespmem:$0x4200] =	vst v63  }
0x10: {  	s18 =	sshll.u32 s15, $0x3  }
0x11: {  	s24 =	sand.u32 $0x78, s15;
	s18 =	sand.u32 $0x7FFFFC00, s18  }
0x12: {  	_ =	swait.ge [sflag:s4], $0x2000;
	s15 =	sor.u32 s24, s18  }
0x13: {  	[sflag:s4] =	ssyncset.done $0x0;
	s15 =	sshrl.u32 s15, $0x3  }
0x14: {  	[sflag:s4] =	ssyncadd.s32 $0xFFFFE000;
	s25 =	sadd.s32 s6, s15  }
0x15: {  	[hbm:s25] =	stream.linear.scatter [tilespmem:s17], [sflag:$0x3], $0x800, $0x38;
	[tilespmem:$0x4200] =	vst v63  }
0x16: {  	s26 =	sadd.s32 $0xA00, s16;
	s28 =	sadd.s32 s15, s9  }
0x17: {  	[hbm:s28] =	stream.linear.scatter [tilespmem:s26], [sflag:$0x3], $0x800, $0x38;
	[tilespmem:$0x4200] =	vst v63  }
0x18: {  	s29 =	sadd.s32 $0x1200, s16;
	s30 =	sadd.s32 s15, s10  }
0x19: {  	[hbm:s30] =	stream.linear.scatter [tilespmem:s29], [sflag:$0x3], $0x800, $0x38;
	[tilespmem:$0x4200] =	vst v63  }
0x1a: {  	s31 =	sadd.s32 $0x1A00, s16;
	s15 =	sadd.s32 s15, s11  }
0x1b: {  	[hbm:s15] =	stream.linear.scatter [tilespmem:s31], [sflag:$0x3], $0x800, $0x38;
	[tilespmem:$0x4200] =	vst v63  }
.LBB2_5:
0x1c: {  	p2 =	sne.s32 s14, s12  }
.Ltmp1:
0x1d: {  	p1 =	slt.u32 s14, $0x2;
	(pc) =	sbr.rel @!p2 .LBB2_6-.Ltmp1, $4  }
0x1e: {  	s15 =	simm.s32 @!p1 $0x3  }
0x1f: {  	_ =	swait.ge @!p1 [sflag:s15], $0x2000  }
0x20: {  	s16 =	sadd.s32 $0x1, s14;
	p0 =	por !p0, !p0;
	[sflag:s15] =	ssyncset.done @!p1 $0x0  }
0x21: {  	s14 =	smov.u32 s16;
	[sflag:s15] =	ssyncadd.s32 @!p1 $0xFFFFE000;
	s15 =	smov.u32 s3  }
.LBB2_1:
0x22: {  	p1 =	sge.u32 s14, s7  }
0x23: {  	s16 =	sxor.u32 @!p1 $0xFFFFFFFF, s14  }
0x24: {  	s16 =	sshll.u32 @!p1 s16, $0x8  }
0x25: {  	s31 =	sadd.s32 $0xFFFFFFFF, s14;
	s17 =	simm.s32 @!p1 $0x0;
	s16 =	sand.u32 @!p1 $0x100, s16  }
0x26: {  	[tilespmem:s16], [sflag:$0x2] =	stream.linear.gather @!p1 [hbm4b:s8+s17], $0x100, $0x38;
	[tilespmem:$0x4200] =	vst v63  }
0x27: {  	p1 =	sge.u32 s31, s7  }
.Ltmp2:
0x28: {  	_ = 	snop;
	(pc) =	sbr.rel @p1 .LBB2_5-.Ltmp2, $1  }
0x29: {  	_ =	sdelay $0x3  }
0x2a: {  	s16 =	simm.s32 $0x1;
	_ =	swait.ge [sflag:s5], $0x100  }
0x2b: {  	s16 =	simm.s32 @!p0 $0x0;
	[sflag:s5] =	ssyncset.done $0x0  }
0x2c: {  	s19 =	sshll.u32 s16, $0x8;
	[sflag:s5] =	ssyncadd.s32 $0xFFFFFF00  }
0x2d: {  	v0 =	vld.msk [tilespmem:s19+$0x0 ss:$0x1], $0xffff;
	_ =	sdelay $0x4  }
0x2e: {  	vm1 =	vgt.s32 v0, $0x0  }
0x2f: {  	v0 =	vnsel vm1, $0x0, v0  }
0x30: {  	v0 =	vmin.u32 v0, $0xF423F  }
0x31: {  	v1 =	vshll.u32 v0, $0x3  }
0x32: {  	v0 =	vand.u32 $0x7F, v0;
	v1 =	vand.u32 $0x7FFC00, v1  }
0x33: {  	s22 =	sshll.u32 s14, $0xD;
	v0 =	vor.u32 v0, v1  }
0x34: {  	s18 =	simm.s32 $0x0;
	s16 =	sand.u32 $0x2000, s22  }
0x35: {  	s20 =	sand.u32 $0x400, s18;
	s17 =	sor.u32 $0x200, s16  }
0x36: {  	s21 =	sand.u32 $0x70, s18;
	(ifvalue) =	ssetifvalue $0x7FFFFFFF;
	s20 =	sadd.s32 s20, s17;
	v1 =	vor.u32 $0x80, v0  }
0x37: {  	(ifvalue) =	ssetifvalue $0x7FFFFFFF;
	s20 =	sadd.s32 s21, s20  }
0x38: {  	[tilespmem:s20], [sflag:$0x1] =	stream.indirect_vreg.gather [hbm4b:s2+s13], $0x1, v0, vm0, $0x4038;
	[tilespmem:$0x4200] =	vst v63  }
0x39: {  	v2 =	vor.u32 $0x100, v0;
	(ifvalue) =	ssetifvalue $0x7FFFFFFF  }
0x3a: {  	s21 =	sadd.s32 $0x80, s20;
	(ifvalue) =	ssetifvalue $0x7FFFFFFF  }
0x3b: {  	[tilespmem:s21], [sflag:$0x1] =	stream.indirect_vreg.gather [hbm4b:s2+s13], $0x1, v1, vm0, $0x4038;
	[tilespmem:$0x4200] =	vst v63  }
0x3c: {  	v1 =	vor.u32 $0x180, v0;
	(ifvalue) =	ssetifvalue $0x7FFFFFFF  }
0x3d: {  	s23 =	sadd.s32 $0x100, s20;
	(ifvalue) =	ssetifvalue $0x7FFFFFFF  }
0x3e: {  	[tilespmem:s23], [sflag:$0x1] =	stream.indirect_vreg.gather [hbm4b:s2+s13], $0x1, v2, vm0, $0x4038;
	[tilespmem:$0x4200] =	vst v63  }
0x3f: {  	v2 =	vor.u32 $0x200, v0;
	(ifvalue) =	ssetifvalue $0x7FFFFFFF  }
0x40: {  	s24 =	sadd.s32 $0x180, s20;
	(ifvalue) =	ssetifvalue $0x7FFFFFFF  }
0x41: {  	[tilespmem:s24], [sflag:$0x1] =	stream.indirect_vreg.gather [hbm4b:s2+s13], $0x1, v1, vm0, $0x4038;
	[tilespmem:$0x4200] =	vst v63  }
0x42: {  	(ifvalue) =	ssetifvalue $0x7FFFFFFF;
	v1 =	vor.u32 $0x280, v0  }
0x43: {  	s25 =	sadd.s32 $0x200, s20;
	(ifvalue) =	ssetifvalue $0x7FFFFFFF  }
0x44: {  	[tilespmem:s25], [sflag:$0x1] =	stream.indirect_vreg.gather [hbm4b:s2+s13], $0x1, v2, vm0, $0x4038;
	[tilespmem:$0x4200] =	vst v63  }
0x45: {  	(ifvalue) =	ssetifvalue $0x7FFFFFFF;
	v2 =	vor.u32 $0x300, v0  }
0x46: {  	s26 =	sadd.s32 $0x280, s20;
	(ifvalue) =	ssetifvalue $0x7FFFFFFF  }
0x47: {  	[tilespmem:s26], [sflag:$0x1] =	stream.indirect_vreg.gather [hbm4b:s2+s13], $0x1, v1, vm0, $0x4038;
	[tilespmem:$0x4200] =	vst v63  }
0x48: {  	(ifvalue) =	ssetifvalue $0x7FFFFFFF;
	v1 =	vor.u32 $0x380, v0  }
0x49: {  	s18 =	sor.u32 s18, s18;
	s28 =	sadd.s32 $0x300, s20;
	(ifvalue) =	ssetifvalue $0x7FFFFFFF  }
0x4a: {  	[tilespmem:s28], [sflag:$0x1] =	stream.indirect_vreg.gather [hbm4b:s2+s13], $0x1, v2, vm0, $0x4038;
	[tilespmem:$0x4200] =	vst v63  }
0x4b: {  	s18 =	sor.u32 $0x380, s18;
	(ifvalue) =	ssetifvalue $0x7FFFFFFF;
	v2 =	vadd.s32 $0x7A1400, v0  }
0x4c: {  	s18 =	sadd.s32 s18, s17;
	(ifvalue) =	ssetifvalue $0x7FFFFFFF  }
0x4d: {  	[tilespmem:s18], [sflag:$0x1] =	stream.indirect_vreg.gather [hbm4b:s2+s13], $0x1, v1, vm0, $0x4038;
	[tilespmem:$0x4200] =	vst v63  }
0x4e: {  	(ifvalue) =	ssetifvalue $0x7FFFFFFF;
	v1 =	vadd.s32 $0x7A1480, v0  }
0x4f: {  	s29 =	sadd.s32 $0x800, s20;
	(ifvalue) =	ssetifvalue $0x7FFFFFFF  }
0x50: {  	[tilespmem:s29], [sflag:$0x1] =	stream.indirect_vreg.gather [hbm4b:s2+s13], $0x1, v2, vm0, $0x4038;
	[tilespmem:$0x4200] =	vst v63  }
0x51: {  	(ifvalue) =	ssetifvalue $0x7FFFFFFF;
	v2 =	vadd.s32 $0x7A1500, v0  }
0x52: {  	s30 =	sadd.s32 $0x880, s20;
	(ifvalue) =	ssetifvalue $0x7FFFFFFF  }
0x53: {  	[tilespmem:s30], [sflag:$0x1] =	stream.indirect_vreg.gather [hbm4b:s2+s13], $0x1, v1, vm0, $0x4038;
	[tilespmem:$0x4200] =	vst v63  }
0x54: {  	(ifvalue) =	ssetifvalue $0x7FFFFFFF;
	v1 =	vadd.s32 $0x7A1580, v0  }
0x55: {  	s31 =	sadd.s32 $0x900, s20;
	(ifvalue) =	ssetifvalue $0x7FFFFFFF  }
0x56: {  	[tilespmem:s31], [sflag:$0x1] =	stream.indirect_vreg.gather [hbm4b:s2+s13], $0x1, v2, vm0, $0x4038;
	[tilespmem:$0x4200] =	vst v63  }
0x57: {  	(ifvalue) =	ssetifvalue $0x7FFFFFFF;
	v2 =	vadd.s32 $0x7A1600, v0  }
0x58: {  	s21 =	sadd.s32 $0x980, s20;
	(ifvalue) =	ssetifvalue $0x7FFFFFFF  }
0x59: {  	[tilespmem:s21], [sflag:$0x1] =	stream.indirect_vreg.gather [hbm4b:s2+s13], $0x1, v1, vm0, $0x4038;
	[tilespmem:$0x4200] =	vst v63  }
0x5a: {  	(ifvalue) =	ssetifvalue $0x7FFFFFFF;
	v1 =	vadd.s32 $0x7A1680, v0  }
0x5b: {  	s22 =	sadd.s32 $0xA00, s20;
	(ifvalue) =	ssetifvalue $0x7FFFFFFF  }
0x5c: {  	[tilespmem:s22], [sflag:$0x1] =	stream.indirect_vreg.gather [hbm4b:s2+s13], $0x1, v2, vm0, $0x4038;
	[tilespmem:$0x4200] =	vst v63  }
0x5d: {  	(ifvalue) =	ssetifvalue $0x7FFFFFFF;
	v2 =	vadd.s32 $0x7A1700, v0  }
0x5e: {  	s23 =	sadd.s32 $0xA80, s20;
	(ifvalue) =	ssetifvalue $0x7FFFFFFF  }
0x5f: {  	[tilespmem:s23], [sflag:$0x1] =	stream.indirect_vreg.gather [hbm4b:s2+s13], $0x1, v1, vm0, $0x4038;
	[tilespmem:$0x4200] =	vst v63  }
0x60: {  	(ifvalue) =	ssetifvalue $0x7FFFFFFF;
	v1 =	vadd.s32 $0x7A1780, v0  }
0x61: {  	s24 =	sadd.s32 $0xB00, s20;
	(ifvalue) =	ssetifvalue $0x7FFFFFFF  }
0x62: {  	[tilespmem:s24], [sflag:$0x1] =	stream.indirect_vreg.gather [hbm4b:s2+s13], $0x1, v2, vm0, $0x4038;
	[tilespmem:$0x4200] =	vst v63  }
0x63: {  	(ifvalue) =	ssetifvalue $0x7FFFFFFF;
	v2 =	vadd.s32 $0xF42800, v0  }
0x64: {  	s25 =	sadd.s32 $0xB80, s20;
	(ifvalue) =	ssetifvalue $0x7FFFFFFF  }
0x65: {  	[tilespmem:s25], [sflag:$0x1] =	stream.indirect_vreg.gather [hbm4b:s2+s13], $0x1, v1, vm0, $0x4038;
	[tilespmem:$0x4200] =	vst v63  }
0x66: {  	(ifvalue) =	ssetifvalue $0x7FFFFFFF;
	v1 =	vadd.s32 $0xF42880, v0  }
0x67: {  	s26 =	sadd.s32 $0x1000, s20;
	(ifvalue) =	ssetifvalue $0x7FFFFFFF  }
0x68: {  	[tilespmem:s26], [sflag:$0x1] =	stream.indirect_vreg.gather [hbm4b:s2+s13], $0x1, v2, vm0, $0x4038;
	[tilespmem:$0x4200] =	vst v63  }
0x69: {  	(ifvalue) =	ssetifvalue $0x7FFFFFFF;
	v2 =	vadd.s32 $0xF42900, v0  }
0x6a: {  	s28 =	sadd.s32 $0x1080, s20;
	(ifvalue) =	ssetifvalue $0x7FFFFFFF  }
0x6b: {  	[tilespmem:s28], [sflag:$0x1] =	stream.indirect_vreg.gather [hbm4b:s2+s13], $0x1, v1, vm0, $0x4038;
	[tilespmem:$0x4200] =	vst v63  }
0x6c: {  	(ifvalue) =	ssetifvalue $0x7FFFFFFF;
	v1 =	vadd.s32 $0xF42980, v0  }
0x6d: {  	s29 =	sadd.s32 $0x1100, s20;
	(ifvalue) =	ssetifvalue $0x7FFFFFFF  }
0x6e: {  	[tilespmem:s29], [sflag:$0x1] =	stream.indirect_vreg.gather [hbm4b:s2+s13], $0x1, v2, vm0, $0x4038;
	[tilespmem:$0x4200] =	vst v63  }
0x6f: {  	(ifvalue) =	ssetifvalue $0x7FFFFFFF;
	v2 =	vadd.s32 $0xF42A00, v0  }
0x70: {  	s30 =	sadd.s32 $0x1180, s20;
	(ifvalue) =	ssetifvalue $0x7FFFFFFF  }
0x71: {  	[tilespmem:s30], [sflag:$0x1] =	stream.indirect_vreg.gather [hbm4b:s2+s13], $0x1, v1, vm0, $0x4038;
	[tilespmem:$0x4200] =	vst v63  }
0x72: {  	(ifvalue) =	ssetifvalue $0x7FFFFFFF;
	v1 =	vadd.s32 $0xF42A80, v0  }
0x73: {  	s31 =	sadd.s32 $0x1200, s20;
	(ifvalue) =	ssetifvalue $0x7FFFFFFF  }
0x74: {  	[tilespmem:s31], [sflag:$0x1] =	stream.indirect_vreg.gather [hbm4b:s2+s13], $0x1, v2, vm0, $0x4038;
	[tilespmem:$0x4200] =	vst v63  }
0x75: {  	(ifvalue) =	ssetifvalue $0x7FFFFFFF;
	v2 =	vadd.s32 $0xF42B00, v0  }
0x76: {  	s21 =	sadd.s32 $0x1280, s20;
	(ifvalue) =	ssetifvalue $0x7FFFFFFF  }
0x77: {  	[tilespmem:s21], [sflag:$0x1] =	stream.indirect_vreg.gather [hbm4b:s2+s13], $0x1, v1, vm0, $0x4038;
	[tilespmem:$0x4200] =	vst v63  }
0x78: {  	(ifvalue) =	ssetifvalue $0x7FFFFFFF;
	v1 =	vadd.s32 $0xF42B80, v0  }
0x79: {  	s22 =	sadd.s32 $0x1300, s20;
	(ifvalue) =	ssetifvalue $0x7FFFFFFF  }
0x7a: {  	[tilespmem:s22], [sflag:$0x1] =	stream.indirect_vreg.gather [hbm4b:s2+s13], $0x1, v2, vm0, $0x4038;
	[tilespmem:$0x4200] =	vst v63  }
0x7b: {  	(ifvalue) =	ssetifvalue $0x7FFFFFFF;
	v2 =	vadd.s32 $0x16E3C00, v0  }
0x7c: {  	s23 =	sadd.s32 $0x1380, s20;
	(ifvalue) =	ssetifvalue $0x7FFFFFFF  }
0x7d: {  	[tilespmem:s23], [sflag:$0x1] =	stream.indirect_vreg.gather [hbm4b:s2+s13], $0x1, v1, vm0, $0x4038;
	[tilespmem:$0x4200] =	vst v63  }
0x7e: {  	(ifvalue) =	ssetifvalue $0x7FFFFFFF;
	v1 =	vadd.s32 $0x16E3C80, v0  }
0x7f: {  	s24 =	sadd.s32 $0x1800, s20;
	(ifvalue) =	ssetifvalue $0x7FFFFFFF  }
0x80: {  	[tilespmem:s24], [sflag:$0x1] =	stream.indirect_vreg.gather [hbm4b:s2+s13], $0x1, v2, vm0, $0x4038;
	[tilespmem:$0x4200] =	vst v63  }
0x81: {  	(ifvalue) =	ssetifvalue $0x7FFFFFFF;
	v2 =	vadd.s32 $0x16E3D00, v0  }
0x82: {  	s25 =	sadd.s32 $0x1880, s20;
	(ifvalue) =	ssetifvalue $0x7FFFFFFF  }
0x83: {  	[tilespmem:s25], [sflag:$0x1] =	stream.indirect_vreg.gather [hbm4b:s2+s13], $0x1, v1, vm0, $0x4038;
	[tilespmem:$0x4200] =	vst v63  }
0x84: {  	(ifvalue) =	ssetifvalue $0x7FFFFFFF;
	v1 =	vadd.s32 $0x16E3D80, v0  }
0x85: {  	s26 =	sadd.s32 $0x1900, s20;
	(ifvalue) =	ssetifvalue $0x7FFFFFFF  }
0x86: {  	[tilespmem:s26], [sflag:$0x1] =	stream.indirect_vreg.gather [hbm4b:s2+s13], $0x1, v2, vm0, $0x4038;
	[tilespmem:$0x4200] =	vst v63  }
0x87: {  	(ifvalue) =	ssetifvalue $0x7FFFFFFF;
	v2 =	vadd.s32 $0x16E3E00, v0  }
0x88: {  	s28 =	sadd.s32 $0x1980, s20;
	(ifvalue) =	ssetifvalue $0x7FFFFFFF  }
0x89: {  	[tilespmem:s28], [sflag:$0x1] =	stream.indirect_vreg.gather [hbm4b:s2+s13], $0x1, v1, vm0, $0x4038;
	[tilespmem:$0x4200] =	vst v63  }
0x8a: {  	(ifvalue) =	ssetifvalue $0x7FFFFFFF;
	v1 =	vadd.s32 $0x16E3E80, v0  }
0x8b: {  	s29 =	sadd.s32 $0x1A00, s20;
	(ifvalue) =	ssetifvalue $0x7FFFFFFF  }
0x8c: {  	[tilespmem:s29], [sflag:$0x1] =	stream.indirect_vreg.gather [hbm4b:s2+s13], $0x1, v2, vm0, $0x4038;
	[tilespmem:$0x4200] =	vst v63  }
0x8d: {  	(ifvalue) =	ssetifvalue $0x7FFFFFFF;
	v2 =	vadd.s32 $0x16E3F00, v0  }
0x8e: {  	s30 =	sadd.s32 $0x1A80, s20;
	(ifvalue) =	ssetifvalue $0x7FFFFFFF  }
0x8f: {  	[tilespmem:s30], [sflag:$0x1] =	stream.indirect_vreg.gather [hbm4b:s2+s13], $0x1, v1, vm0, $0x4038;
	[tilespmem:$0x4200] =	vst v63  }
0x90: {  	v0 =	vadd.s32 $0x16E3F80, v0;
	(ifvalue) =	ssetifvalue $0x7FFFFFFF  }
0x91: {  	s31 =	sadd.s32 $0x1B00, s20;
	(ifvalue) =	ssetifvalue $0x7FFFFFFF  }
0x92: {  	[tilespmem:s31], [sflag:$0x1] =	stream.indirect_vreg.gather [hbm4b:s2+s13], $0x1, v2, vm0, $0x4038;
	[tilespmem:$0x4200] =	vst v63  }
0x93: {  	s19 =	sadd.s32 $0x10, s19;
	s18 =	simm.s32 $0x10;
	(ifvalue) =	ssetifvalue $0x7FFFFFFF  }
0x94: {  	s21 =	sadd.s32 $0x1B80, s20;
	s20 =	simm.s32 $0x80;
	(ifvalue) =	ssetifvalue $0x7FFFFFFF  }
.LBB2_3:
0x95: {  	[tilespmem:s21], [sflag:$0x1] =	stream.indirect_vreg.gather [hbm4b:s2+s13], $0x1, v0, vm0, $0x4038;
	[tilespmem:$0x4200] =	vst v63  }
0x96: {  	p1 =	sne.s32 s18, $0xF0;
	s22 =	smov.u32 s18;
	s18 =	sadd.s32 $0x10, s18;
	v0 =	vld.msk [tilespmem:s19+$0x0 ss:$0x1], $0xffff  }
0x97: {  	(ifvalue) =	ssetifvalue $0x7FFFFFFF;
	_ =	sdelay $0x4  }
0x98: {  	vm1 =	vgt.s32 v0, $0x0  }
0x99: {  	v0 =	vnsel vm1, $0x0, v0  }
0x9a: {  	v0 =	vmin.u32 v0, $0xF423F  }
0x9b: {  	v1 =	vshll.u32 v0, $0x3  }
0x9c: {  	v0 =	vand.u32 $0x7F, v0;
	v1 =	vand.u32 $0x7FFC00, v1  }
0x9d: {  	v0 =	vor.u32 v0, v1;
	_ =	sdelay $0x1  }
0x9e: {  	s21 =	sand.u32 $0x400, s20  }
0x9f: {  	s23 =	sand.u32 $0x70, s22;
	s21 =	sadd.s32 s21, s17;
	v1 =	vor.u32 $0x80, v0  }
0xa0: {  	s21 =	sadd.s32 s23, s21;
	(ifvalue) =	ssetifvalue $0x7FFFFFFF  }
0xa1: {  	[tilespmem:s21], [sflag:$0x1] =	stream.indirect_vreg.gather [hbm4b:s2+s13], $0x1, v0, vm0, $0x4038;
	[tilespmem:$0x4200] =	vst v63  }
0xa2: {  	v2 =	vor.u32 $0x100, v0;
	(ifvalue) =	ssetifvalue $0x7FFFFFFF  }
0xa3: {  	s23 =	sadd.s32 $0x80, s21;
	(ifvalue) =	ssetifvalue $0x7FFFFFFF  }
0xa4: {  	[tilespmem:s23], [sflag:$0x1] =	stream.indirect_vreg.gather [hbm4b:s2+s13], $0x1, v1, vm0, $0x4038;
	[tilespmem:$0x4200] =	vst v63  }
0xa5: {  	v1 =	vor.u32 $0x180, v0;
	(ifvalue) =	ssetifvalue $0x7FFFFFFF  }
0xa6: {  	s23 =	sadd.s32 $0x100, s21;
	(ifvalue) =	ssetifvalue $0x7FFFFFFF  }
0xa7: {  	[tilespmem:s23], [sflag:$0x1] =	stream.indirect_vreg.gather [hbm4b:s2+s13], $0x1, v2, vm0, $0x4038;
	[tilespmem:$0x4200] =	vst v63  }
0xa8: {  	v2 =	vor.u32 $0x200, v0;
	(ifvalue) =	ssetifvalue $0x7FFFFFFF  }
0xa9: {  	s23 =	sadd.s32 $0x180, s21;
	(ifvalue) =	ssetifvalue $0x7FFFFFFF  }
0xaa: {  	[tilespmem:s23], [sflag:$0x1] =	stream.indirect_vreg.gather [hbm4b:s2+s13], $0x1, v1, vm0, $0x4038;
	[tilespmem:$0x4200] =	vst v63  }
0xab: {  	v1 =	vor.u32 $0x280, v0;
	(ifvalue) =	ssetifvalue $0x7FFFFFFF  }
0xac: {  	s23 =	sadd.s32 $0x200, s21;
	(ifvalue) =	ssetifvalue $0x7FFFFFFF  }
0xad: {  	[tilespmem:s23], [sflag:$0x1] =	stream.indirect_vreg.gather [hbm4b:s2+s13], $0x1, v2, vm0, $0x4038;
	[tilespmem:$0x4200] =	vst v63  }
0xae: {  	v2 =	vor.u32 $0x300, v0;
	(ifvalue) =	ssetifvalue $0x7FFFFFFF  }
0xaf: {  	s23 =	sadd.s32 $0x280, s21;
	(ifvalue) =	ssetifvalue $0x7FFFFFFF  }
0xb0: {  	[tilespmem:s23], [sflag:$0x1] =	stream.indirect_vreg.gather [hbm4b:s2+s13], $0x1, v1, vm0, $0x4038;
	[tilespmem:$0x4200] =	vst v63  }
0xb1: {  	v1 =	vor.u32 $0x380, v0;
	(ifvalue) =	ssetifvalue $0x7FFFFFFF  }
0xb2: {  	s22 =	sor.u32 s20, s22;
	s23 =	sadd.s32 $0x300, s21;
	(ifvalue) =	ssetifvalue $0x7FFFFFFF  }
0xb3: {  	[tilespmem:s23], [sflag:$0x1] =	stream.indirect_vreg.gather [hbm4b:s2+s13], $0x1, v2, vm0, $0x4038;
	[tilespmem:$0x4200] =	vst v63  }
0xb4: {  	s22 =	sor.u32 $0x380, s22;
	v2 =	vadd.s32 $0x7A1400, v0;
	(ifvalue) =	ssetifvalue $0x7FFFFFFF  }
0xb5: {  	s22 =	sadd.s32 s22, s17;
	(ifvalue) =	ssetifvalue $0x7FFFFFFF  }
0xb6: {  	[tilespmem:s22], [sflag:$0x1] =	stream.indirect_vreg.gather [hbm4b:s2+s13], $0x1, v1, vm0, $0x4038;
	[tilespmem:$0x4200] =	vst v63  }
0xb7: {  	v1 =	vadd.s32 $0x7A1480, v0;
	(ifvalue) =	ssetifvalue $0x7FFFFFFF  }
0xb8: {  	s22 =	sadd.s32 $0x800, s21;
	(ifvalue) =	ssetifvalue $0x7FFFFFFF  }
0xb9: {  	[tilespmem:s22], [sflag:$0x1] =	stream.indirect_vreg.gather [hbm4b:s2+s13], $0x1, v2, vm0, $0x4038;
	[tilespmem:$0x4200] =	vst v63  }
0xba: {  	v2 =	vadd.s32 $0x7A1500, v0;
	(ifvalue) =	ssetifvalue $0x7FFFFFFF  }
0xbb: {  	s22 =	sadd.s32 $0x880, s21;
	(ifvalue) =	ssetifvalue $0x7FFFFFFF  }
0xbc: {  	[tilespmem:s22], [sflag:$0x1] =	stream.indirect_vreg.gather [hbm4b:s2+s13], $0x1, v1, vm0, $0x4038;
	[tilespmem:$0x4200] =	vst v63  }
0xbd: {  	v1 =	vadd.s32 $0x7A1580, v0;
	(ifvalue) =	ssetifvalue $0x7FFFFFFF  }
0xbe: {  	s22 =	sadd.s32 $0x900, s21;
	(ifvalue) =	ssetifvalue $0x7FFFFFFF  }
0xbf: {  	[tilespmem:s22], [sflag:$0x1] =	stream.indirect_vreg.gather [hbm4b:s2+s13], $0x1, v2, vm0, $0x4038;
	[tilespmem:$0x4200] =	vst v63  }
0xc0: {  	v2 =	vadd.s32 $0x7A1600, v0;
	(ifvalue) =	ssetifvalue $0x7FFFFFFF  }
0xc1: {  	s22 =	sadd.s32 $0x980, s21;
	(ifvalue) =	ssetifvalue $0x7FFFFFFF  }
0xc2: {  	[tilespmem:s22], [sflag:$0x1] =	stream.indirect_vreg.gather [hbm4b:s2+s13], $0x1, v1, vm0, $0x4038;
	[tilespmem:$0x4200] =	vst v63  }
0xc3: {  	v1 =	vadd.s32 $0x7A1680, v0;
	(ifvalue) =	ssetifvalue $0x7FFFFFFF  }
0xc4: {  	s22 =	sadd.s32 $0xA00, s21;
	(ifvalue) =	ssetifvalue $0x7FFFFFFF  }
0xc5: {  	[tilespmem:s22], [sflag:$0x1] =	stream.indirect_vreg.gather [hbm4b:s2+s13], $0x1, v2, vm0, $0x4038;
	[tilespmem:$0x4200] =	vst v63  }
0xc6: {  	v2 =	vadd.s32 $0x7A1700, v0;
	(ifvalue) =	ssetifvalue $0x7FFFFFFF  }
0xc7: {  	s22 =	sadd.s32 $0xA80, s21;
	(ifvalue) =	ssetifvalue $0x7FFFFFFF  }
0xc8: {  	[tilespmem:s22], [sflag:$0x1] =	stream.indirect_vreg.gather [hbm4b:s2+s13], $0x1, v1, vm0, $0x4038;
	[tilespmem:$0x4200] =	vst v63  }
0xc9: {  	v1 =	vadd.s32 $0x7A1780, v0;
	(ifvalue) =	ssetifvalue $0x7FFFFFFF  }
0xca: {  	s22 =	sadd.s32 $0xB00, s21;
	(ifvalue) =	ssetifvalue $0x7FFFFFFF  }
0xcb: {  	[tilespmem:s22], [sflag:$0x1] =	stream.indirect_vreg.gather [hbm4b:s2+s13], $0x1, v2, vm0, $0x4038;
	[tilespmem:$0x4200] =	vst v63  }
0xcc: {  	v2 =	vadd.s32 $0xF42800, v0;
	(ifvalue) =	ssetifvalue $0x7FFFFFFF  }
0xcd: {  	s22 =	sadd.s32 $0xB80, s21;
	(ifvalue) =	ssetifvalue $0x7FFFFFFF  }
0xce: {  	[tilespmem:s22], [sflag:$0x1] =	stream.indirect_vreg.gather [hbm4b:s2+s13], $0x1, v1, vm0, $0x4038;
	[tilespmem:$0x4200] =	vst v63  }
0xcf: {  	v1 =	vadd.s32 $0xF42880, v0;
	(ifvalue) =	ssetifvalue $0x7FFFFFFF  }
0xd0: {  	s22 =	sadd.s32 $0x1000, s21;
	(ifvalue) =	ssetifvalue $0x7FFFFFFF  }
0xd1: {  	[tilespmem:s22], [sflag:$0x1] =	stream.indirect_vreg.gather [hbm4b:s2+s13], $0x1, v2, vm0, $0x4038;
	[tilespmem:$0x4200] =	vst v63  }
0xd2: {  	v2 =	vadd.s32 $0xF42900, v0;
	(ifvalue) =	ssetifvalue $0x7FFFFFFF  }
0xd3: {  	s22 =	sadd.s32 $0x1080, s21;
	(ifvalue) =	ssetifvalue $0x7FFFFFFF  }
0xd4: {  	[tilespmem:s22], [sflag:$0x1] =	stream.indirect_vreg.gather [hbm4b:s2+s13], $0x1, v1, vm0, $0x4038;
	[tilespmem:$0x4200] =	vst v63  }
0xd5: {  	v1 =	vadd.s32 $0xF42980, v0;
	(ifvalue) =	ssetifvalue $0x7FFFFFFF  }
0xd6: {  	s22 =	sadd.s32 $0x1100, s21;
	(ifvalue) =	ssetifvalue $0x7FFFFFFF  }
0xd7: {  	[tilespmem:s22], [sflag:$0x1] =	stream.indirect_vreg.gather [hbm4b:s2+s13], $0x1, v2, vm0, $0x4038;
	[tilespmem:$0x4200] =	vst v63  }
0xd8: {  	v2 =	vadd.s32 $0xF42A00, v0;
	(ifvalue) =	ssetifvalue $0x7FFFFFFF  }
0xd9: {  	s22 =	sadd.s32 $0x1180, s21;
	(ifvalue) =	ssetifvalue $0x7FFFFFFF  }
0xda: {  	[tilespmem:s22], [sflag:$0x1] =	stream.indirect_vreg.gather [hbm4b:s2+s13], $0x1, v1, vm0, $0x4038;
	[tilespmem:$0x4200] =	vst v63  }
0xdb: {  	v1 =	vadd.s32 $0xF42A80, v0;
	(ifvalue) =	ssetifvalue $0x7FFFFFFF  }
0xdc: {  	s22 =	sadd.s32 $0x1200, s21;
	(ifvalue) =	ssetifvalue $0x7FFFFFFF  }
0xdd: {  	[tilespmem:s22], [sflag:$0x1] =	stream.indirect_vreg.gather [hbm4b:s2+s13], $0x1, v2, vm0, $0x4038;
	[tilespmem:$0x4200] =	vst v63  }
0xde: {  	v2 =	vadd.s32 $0xF42B00, v0;
	(ifvalue) =	ssetifvalue $0x7FFFFFFF  }
0xdf: {  	s22 =	sadd.s32 $0x1280, s21;
	(ifvalue) =	ssetifvalue $0x7FFFFFFF  }
0xe0: {  	[tilespmem:s22], [sflag:$0x1] =	stream.indirect_vreg.gather [hbm4b:s2+s13], $0x1, v1, vm0, $0x4038;
	[tilespmem:$0x4200] =	vst v63  }
0xe1: {  	v1 =	vadd.s32 $0xF42B80, v0;
	(ifvalue) =	ssetifvalue $0x7FFFFFFF  }
0xe2: {  	s22 =	sadd.s32 $0x1300, s21;
	(ifvalue) =	ssetifvalue $0x7FFFFFFF  }
0xe3: {  	[tilespmem:s22], [sflag:$0x1] =	stream.indirect_vreg.gather [hbm4b:s2+s13], $0x1, v2, vm0, $0x4038;
	[tilespmem:$0x4200] =	vst v63  }
0xe4: {  	v2 =	vadd.s32 $0x16E3C00, v0;
	(ifvalue) =	ssetifvalue $0x7FFFFFFF  }
0xe5: {  	s22 =	sadd.s32 $0x1380, s21;
	(ifvalue) =	ssetifvalue $0x7FFFFFFF  }
0xe6: {  	[tilespmem:s22], [sflag:$0x1] =	stream.indirect_vreg.gather [hbm4b:s2+s13], $0x1, v1, vm0, $0x4038;
	[tilespmem:$0x4200] =	vst v63  }
0xe7: {  	v1 =	vadd.s32 $0x16E3C80, v0;
	(ifvalue) =	ssetifvalue $0x7FFFFFFF  }
0xe8: {  	s22 =	sadd.s32 $0x1800, s21;
	(ifvalue) =	ssetifvalue $0x7FFFFFFF  }
0xe9: {  	[tilespmem:s22], [sflag:$0x1] =	stream.indirect_vreg.gather [hbm4b:s2+s13], $0x1, v2, vm0, $0x4038;
	[tilespmem:$0x4200] =	vst v63  }
0xea: {  	v2 =	vadd.s32 $0x16E3D00, v0;
	(ifvalue) =	ssetifvalue $0x7FFFFFFF  }
0xeb: {  	s22 =	sadd.s32 $0x1880, s21;
	(ifvalue) =	ssetifvalue $0x7FFFFFFF  }
0xec: {  	[tilespmem:s22], [sflag:$0x1] =	stream.indirect_vreg.gather [hbm4b:s2+s13], $0x1, v1, vm0, $0x4038;
	[tilespmem:$0x4200] =	vst v63  }
0xed: {  	v1 =	vadd.s32 $0x16E3D80, v0;
	(ifvalue) =	ssetifvalue $0x7FFFFFFF  }
0xee: {  	s22 =	sadd.s32 $0x1900, s21;
	(ifvalue) =	ssetifvalue $0x7FFFFFFF  }
0xef: {  	[tilespmem:s22], [sflag:$0x1] =	stream.indirect_vreg.gather [hbm4b:s2+s13], $0x1, v2, vm0, $0x4038;
	[tilespmem:$0x4200] =	vst v63  }
0xf0: {  	v2 =	vadd.s32 $0x16E3E00, v0;
	(ifvalue) =	ssetifvalue $0x7FFFFFFF  }
0xf1: {  	s22 =	sadd.s32 $0x1980, s21;
	(ifvalue) =	ssetifvalue $0x7FFFFFFF  }
0xf2: {  	[tilespmem:s22], [sflag:$0x1] =	stream.indirect_vreg.gather [hbm4b:s2+s13], $0x1, v1, vm0, $0x4038;
	[tilespmem:$0x4200] =	vst v63  }
0xf3: {  	v1 =	vadd.s32 $0x16E3E80, v0;
	(ifvalue) =	ssetifvalue $0x7FFFFFFF  }
0xf4: {  	s22 =	sadd.s32 $0x1A00, s21;
	(ifvalue) =	ssetifvalue $0x7FFFFFFF  }
0xf5: {  	[tilespmem:s22], [sflag:$0x1] =	stream.indirect_vreg.gather [hbm4b:s2+s13], $0x1, v2, vm0, $0x4038;
	[tilespmem:$0x4200] =	vst v63  }
0xf6: {  	v2 =	vadd.s32 $0x16E3F00, v0;
	(ifvalue) =	ssetifvalue $0x7FFFFFFF  }
0xf7: {  	s22 =	sadd.s32 $0x1A80, s21;
	(ifvalue) =	ssetifvalue $0x7FFFFFFF  }
0xf8: {  	[tilespmem:s22], [sflag:$0x1] =	stream.indirect_vreg.gather [hbm4b:s2+s13], $0x1, v1, vm0, $0x4038;
	[tilespmem:$0x4200] =	vst v63  }
.Ltmp3:
0xf9: {  	v0 =	vadd.s32 $0x16E3F80, v0;
	(ifvalue) =	ssetifvalue $0x7FFFFFFF;
	(pc) =	sbr.rel @p1 .LBB2_3-.Ltmp3, $4  }
0xfa: {  	s22 =	sadd.s32 $0x1B00, s21;
	(ifvalue) =	ssetifvalue $0x7FFFFFFF  }
0xfb: {  	[tilespmem:s22], [sflag:$0x1] =	stream.indirect_vreg.gather [hbm4b:s2+s13], $0x1, v2, vm0, $0x4038;
	[tilespmem:$0x4200] =	vst v63  }
0xfc: {  	s19 =	sadd.s32 $0x10, s19;
	(ifvalue) =	ssetifvalue $0x7FFFFFFF  }
0xfd: {  	s20 =	sadd.s32 $0x80, s20;
	s21 =	sadd.s32 $0x1B80, s21;
	(ifvalue) =	ssetifvalue $0x7FFFFFFF  }
.Ltmp4:
0xfe: {  	_ = 	snop;
	(pc) =	sbr.rel .LBB2_4-.Ltmp4, $1  }
0xff: {  	_ =	sdelay $0x3  }
.LBB2_6:
0x100: {  	_ =	sfence.sel $0x180000  }
0x101: {  	s2 =	simm.s32 $0x2;
	[bflag:$0x0] =	sbarrier.arrive $0xFFFF  }
0x102: {  	s30 =	simm.s32 $0x3;
	[sflag:s2] =	ssyncpa.u1 $0x1  }
0x103: {  	s31 =	simm.s32 $0x1;
	[sflag:s30] =	ssyncpa.u1 $0x1  }
0x104: {  	[sflag:s31] =	ssyncpa.u1 $0x1  }
0x105: {  	p0 =	sne.s32 s0, $0x0;
	_ =	strace $0x90000050  }
0x106: {  	s0 =	sadd.s32 @!p0 $0x100000, s1;
	[bflag:$0x2] =	sbarrier.arrive $0xFFFF  }
0x107: {  	[sflag:s0] =	ssyncadd.tile.s32 @!p0 $0x1;
	_ =	shalt  }
.Lfunc_end2:
_tile_overlayer_lowered:
.L_overlay_start_2:
0x108: {  	(tag) =	ssettag $0x2  }
0x109: {  	s0 =	rddreg [dreg:$0x0];
	s2 =	stileid.u32  }
0x10a: {  	s1 =	rddreg [dreg:$0x1];
	p0 =	sne.s32 s2, $0x0  }
0x10b: {  	s3 =	rddreg [dreg:$0x2];
	[bflag:$0x3] =	sbarrier.arrive $0xFFFF;
	s2 =	simm.s32 @!p0 $0x1C01  }
0x10c: {  	[timem:s3], [sflag:s2] =	dma.local @!p0 [hbm:s0], s1  }
0x10d: {  	s0 =	simm.s32 @!p0 $0x1  }
0x10e: {  	_ =	swait.ge @!p0 [sflag:s0], s1  }
0x10f: {  	s1 =	ssub.s32 @!p0 $0x0, s1;
	[sflag:s0] =	ssyncset.done @!p0 $0x0  }
0x110: {  	[sflag:s0] =	ssyncadd.s32 @!p0 s1  }
0x111: {  	[bflag:$0x3] =	sbarrier.arrive $0xFFFF  }
0x112: {  	_ =	shalt  }

// kernel: gather_offload_async_start.3
scs
__scs_entry_jumppad:
0x0: {  	(pc) =	sbr.rel $0x88, $3  }
0x1: {  	(tag) =	ssettag $0x0;
	lr =	simm.s32 $0x1  }
0x2: {  	[smem:$0x3F88] =	sst lr;
	_ =	strace $0xD0000000  }
0x3: {  	_ = 	snop  }
0x4: {  	_ = 	snop  }
0x5: {  	_ = 	snop  }
0x6: {  	_ = 	snop  }
0x7: {  	_ = 	snop  }
__scs_overlays_trampoline_lowered:
0x8: {  	[smem:$0x3F97] =	sst s0  }
0x9: {  	[smem:$0x3F98] =	sst s1  }
0xa: {  	[smem:$0x3F99] =	sst s2  }
0xb: {  	[smem:$0x3F9A] =	sst s3  }
0xc: {  	[smem:$0x3F9B] =	sst s4  }
0xd: {  	[smem:$0x3F9C] =	sst s5  }
0xe: {  	[smem:$0x3F9D] =	sst s6  }
0xf: {  	[smem:$0x3F9E] =	sst s7  }
0x10: {  	[smem:$0x3F9F] =	sst s8  }
0x11: {  	[smem:$0x3FA0] =	sst s9;
	s0 =	simm.s32 @!p0 $0x0  }
0x12: {  	s1 =	sld [smem:$0x3F86];
	s0 =	simm.s32 @p0 $0x1  }
0x13: {  	[smem:$0x3FA1] =	sst s0;
	s0 =	simm.s32 @!p1 $0x0  }
0x14: {  	s2 =	sld [smem:$0x3F85];
	s0 =	simm.s32 @p1 $0x1  }
0x15: {  	[smem:$0x3FA2] =	sst s0;
	s0 =	simm.s32 @!p2 $0x0  }
0x16: {  	s3 =	sld [smem:$0x3FDB];
	s0 =	simm.s32 @p2 $0x1  }
0x17: {  	s4 =	simm.s32 $0x1BF5;
	[smem:$0x3FA4] =	sst s0  }
0x18: {  	s0 =	sld [smem:$0x3F87];
	_ =	swait.ge [sflag:s4], $0x0  }
0x19: {  	s7 =	sld [smem:$0x3F88]  }
0x1a: {  	s8 =	sadd.s32 $0xFFFFE003, lr  }
0x1b: {  	s9 =	sadd.s32 $0xFFFFFEF7, lr;
	s5 =	simm.s32 $0xFFFFFFFF;
	p2 =	slt.u32 s8, $0xFFFFF086  }
0x1c: {  	p1 =	slt.u32 s9, $0xF7A;
	s5 =	simm.s32 @!p2 $0x0  }
0x1d: {  	s5 =	simm.s32 @p1 $0x1;
	p0 =	seq.s32 s7, s2  }
0x1e: {  	s7 =	smul.u32 @!p0 $0xF7A, s2;
	p2 =	seq.s32 @!p0 s5, $0x0  }
0x1f: {  	s9 =	smul.u32 $0xF7A, s1;
	s8 =	simm.s32 @!p0 $0x1BF5;
	p2 =	por !p2, p0  }
0x20: {  	[sflag:s8] =	ssyncset.s32 @!p0 $0xFFFFF086;
	s6 =	sadd.s32 @!p0 s3, s7;
	s7 =	simm.s32 @!p0 $0x108  }
0x21: {  	s3 =	sadd.s32 s3, s9;
	s6 =	sadd.s32 @!p0 $0x88, s6;
	s7 =	simm.s32 @p2 $0x1082  }
0x22: {  	[simem:s7], [sflag:s8] =	dma.local @!p0 [hbm:s6], $0xF7A  }
0x23: {  	s9 =	sor.u32 $0xD0000000, s2;
	s6 =	simm.s32 $0x108;
	_ =	swait.ge @!p0 [sflag:s8], $0x0  }
0x24: {  	s3 =	sadd.s32 $0x88, s3;
	s6 =	simm.s32 @!p1 $0x1082;
	[sflag:s4] =	ssyncset.s32 $0xFFFFF086  }
0x25: {  	[simem:s6], [sflag:s4] =	dma.local [hbm:s3], $0xF7A  }
0x26: {  	[smem:$0x3F88] =	sst s1;
	(tag) =	ssettag s2;
	_ =	strace s9  }
0x27: {  	s1 =	sld [smem:$0x3F98]  }
0x28: {  	s2 =	sld [smem:$0x3F99]  }
0x29: {  	s4 =	sld [smem:$0x3F9B]  }
0x2a: {  	p0 =	seq.s32 s5, $0x0;
	s5 =	sld [smem:$0x3F9C]  }
0x2b: {  	s6 =	sld [smem:$0x3F9D]  }
0x2c: {  	s7 =	sld [smem:$0x3F9E]  }
0x2d: {  	s3 =	simm.s32 $0x108;
	s8 =	sld [smem:$0x3F9F]  }
0x2e: {  	s3 =	simm.s32 @!p0 $0x1082;
	s9 =	sld [smem:$0x3FA0]  }
0x2f: {  	lr =	sadd.s32 s0, s3;
	s0 =	sld [smem:$0x3F97]  }
0x30: {  	s3 =	sld [smem:$0x3F9A]  }
0x31: {  	[smem:$0x3FA3] =	sst s10  }
0x32: {  	s10 =	sld [smem:$0x3FA1];
	_ =	sdelay $0x3  }
0x33: {  	p0 =	seq.s32 s10, $0x1;
	s10 =	sld [smem:$0x3FA3];
	_ =	sdelay $0x3  }
0x34: {  	[smem:$0x3FA3] =	sst s10  }
0x35: {  	s10 =	sld [smem:$0x3FA2];
	_ =	sdelay $0x3  }
0x36: {  	p1 =	seq.s32 s10, $0x1;
	s10 =	sld [smem:$0x3FA3];
	_ =	sdelay $0x3  }
0x37: {  	[smem:$0x3FA3] =	sst s10  }
0x38: {  	s10 =	sld [smem:$0x3FA4]  }
0x39: {  	_ = 	snop;
	(pc) =	sbr.ind lr, $3  }
0x3a: {  	_ = 	snop  }
0x3b: {  	_ = 	snop  }
0x3c: {  	p2 =	seq.s32 s10, $0x1;
	s10 =	sld [smem:$0x3FA3]  }
0x3d: {  	_ =	shalt  }
0x3e: {  	_ =	shalt  }
0x3f: {  	_ =	shalt  }
0x40: {  	_ =	shalt  }
0x41: {  	_ =	shalt  }
0x42: {  	_ =	shalt  }
0x43: {  	_ =	shalt  }
0x44: {  	_ =	shalt  }
0x45: {  	_ =	shalt  }
0x46: {  	_ =	shalt  }
0x47: {  	_ =	shalt  }
0x48: {  	_ =	shalt  }
0x49: {  	_ =	shalt  }
0x4a: {  	_ =	shalt  }
0x4b: {  	_ =	shalt  }
0x4c: {  	_ =	shalt  }
0x4d: {  	_ =	shalt  }
0x4e: {  	_ =	shalt  }
0x4f: {  	_ =	shalt  }
0x50: {  	_ =	shalt  }
0x51: {  	_ =	shalt  }
0x52: {  	_ =	shalt  }
0x53: {  	_ =	shalt  }
0x54: {  	_ =	shalt  }
0x55: {  	_ =	shalt  }
0x56: {  	_ =	shalt  }
0x57: {  	_ =	shalt  }
0x58: {  	_ =	shalt  }
0x59: {  	_ =	shalt  }
0x5a: {  	_ =	shalt  }
0x5b: {  	_ =	shalt  }
0x5c: {  	_ =	shalt  }
0x5d: {  	_ =	shalt  }
0x5e: {  	_ =	shalt  }
0x5f: {  	_ =	shalt  }
0x60: {  	_ =	shalt  }
0x61: {  	_ =	shalt  }
0x62: {  	_ =	shalt  }
0x63: {  	_ =	shalt  }
0x64: {  	_ =	shalt  }
0x65: {  	_ =	shalt  }
0x66: {  	_ =	shalt  }
0x67: {  	_ =	shalt  }
0x68: {  	_ =	shalt  }
0x69: {  	_ =	shalt  }
0x6a: {  	_ =	shalt  }
0x6b: {  	_ =	shalt  }
0x6c: {  	_ =	shalt  }
0x6d: {  	_ =	shalt  }
0x6e: {  	_ =	shalt  }
0x6f: {  	_ =	shalt  }
0x70: {  	_ =	shalt  }
0x71: {  	_ =	shalt  }
0x72: {  	_ =	shalt  }
0x73: {  	_ =	shalt  }
0x74: {  	_ =	shalt  }
0x75: {  	_ =	shalt  }
0x76: {  	_ =	shalt  }
0x77: {  	_ =	shalt  }
0x78: {  	_ =	shalt  }
0x79: {  	_ =	shalt  }
0x7a: {  	_ =	shalt  }
0x7b: {  	_ =	shalt  }
0x7c: {  	_ =	shalt  }
0x7d: {  	_ =	shalt  }
0x7e: {  	_ =	shalt  }
0x7f: {  	_ =	shalt  }
0x80: {  	_ =	shalt  }
0x81: {  	_ =	shalt  }
0x82: {  	_ =	shalt  }
0x83: {  	_ =	shalt  }
0x84: {  	_ =	shalt  }
0x85: {  	_ =	shalt  }
0x86: {  	_ =	shalt  }
0x87: {  	_ =	shalt  }
.Lfunc_end0:
.L_simem_size_0:
called_computation.3_lowered:
.L_overlay_start_0:
0x88: {  	s2 =	sld [smem:$0x3FD9]  }
0x89: {  	s3 =	sld [smem:$0x3FFE];
	_ =	sdelay $0x1  }
0x8a: {  	s1 =	srdreg.scid  }
0x8b: {  	s0 =	sand.u32 $0x1, s1  }
0x8c: {  	s17 =	sshll.u32 s0, $0xA;
	s2 =	sadd.s32 s3, s2  }
0x8d: {  	s2 =	sadd.s32 s2, s17  }
0x8e: {  	[smem:$0x3FAF] =	sst s2  }
0x8f: {  	_ = 	snop  }
0x90: {  	s18 =	sld [smem:$0x3FC3];
	(tm) =	ssettm $0x1  }
0x91: {  	s19 =	sld [smem:$0x3FFB];
	_ =	sdelay $0x3  }
0x92: {  	_ =	strace s19  }
0x93: {  	s2 =	sld [smem:$0x3FFC];
	_ =	sdelay $0x3  }
0x94: {  	_ =	strace s2  }
0x95: {  	s2 =	sld [smem:$0x3FFD];
	_ =	sdelay $0x3  }
0x96: {  	_ =	strace s2  }
0x97: {  	_ =	strace $0x8FFFFFFF  }
0x98: {  	s20 =	sld [smem:$0x3FDB];
	_ =	sdelay $0x1  }
0x99: {  	s4 =	simm.s32 $_scs_section_size  }
0x9a: {  	s5 =	simm.s32 $_size__tile_overlayer_lowered;
	s6 =	simm.s32 $_tile_overlayer_lowered  }
0x9b: {  	s7 =	simm.s32 $0x1BFF;
	s21 =	sshll.u32 s6, $0x1;
	s4 =	sadd.s32 s4, s20  }
0x9c: {  	s22 =	simm.s32 $0x0;
	s5 =	sshll.u32 s5, $0x1;
	s6 =	sadd.s32 s21, s4  }
0x9d: {  	[timem:s22], [sflag:s7] =	dma.local [hbm:s6], s5  }
0x9e: {  	_ =	swait.ge [sflag:s7], s5  }
0x9f: {  	s5 =	ssub.s32 $0x0, s5;
	[sflag:s7] =	ssyncset.done $0x0  }
0xa0: {  	[sflag:s7] =	ssyncadd.s32 s5;
	_ =	sdelay $0x1  }
0xa1: {  	s23 =	simm.s32 $0x1B8B  }
0xa2: {  	_ =	swait.ge [sflag:s23], $0x1  }
0xa3: {  	[sflag:s23] =	ssyncset.done $0x0  }
0xa4: {  	[sflag:s23] =	ssyncadd.s32 $0xFFFFFFFF  }
0xa5: {  	s5 =	sld [smem:$0x0]  }
0xa6: {  	s6 =	sand.u32 $0xFFFFFFFE, s1  }
0xa7: {  	p0 =	sne.s32 s1, s6  }
0xa8: {  	s6 =	sshll.u32 @p0 s6, $0xE  }
0xa9: {  	s6 =	sadd.s32 @p0 $0x11B8D, s6;
	s7 =	sshll.u32 @p0 s5, $0x11  }
0xaa: {  	s6 =	sor.u32 @p0 s7, s6  }
0xab: {  	[sflag:s6] =	ssyncadd.remote.s32 @p0 $0x1;
	_ =	sdelay $0x1  }
0xac: {  	s6 =	simm.s32 @p0 $0x1B8D  }
0xad: {  	_ =	swait.eq @p0 [sflag:s6], $0x1  }
0xae: {  	[sflag:s6] =	ssyncadd.s32 @p0 $0xFFFFFFFF  }
0xaf: {  	s7 =	sshll.u32 @!p0 s1, $0xE  }
0xb0: {  	s7 =	sor.u32 @!p0 $0x4000, s7;
	s6 =	simm.s32 @!p0 $0x1B8D  }
0xb1: {  	s5 =	sshll.u32 @!p0 s5, $0x11;
	s7 =	sadd.s32 @!p0 $0x11B8D, s7;
	_ =	swait.eq @!p0 [sflag:s6], $0x1  }
0xb2: {  	s5 =	sor.u32 @!p0 s5, s7;
	[sflag:s6] =	ssyncadd.s32 @!p0 $0xFFFFFFFF  }
0xb3: {  	s25 =	simm.s32 $0x1B8E;
	s24 =	sld [smem:$0x3FFE];
	[sflag:s5] =	ssyncadd.remote.s32 @!p0 $0x1  }
0xb4: {  	s26 =	simm.s32 $execute0_lowered;
	[smem:$0x3FD2] =	sst s25  }
0xb5: {  	s6 =	sshll.u32 s26, $0x1;
	_ =	strace $0x80000052;
	[dreg:$0x1] =	wrdreg $0xFFFFFFFF  }
0xb6: {  	s28 =	simm.s32 $_size_execute0_lowered;
	s4 =	sadd.s32 s4, s6;
	[dreg:$0x0] =	wrdreg $0x0  }
0xb7: {  	s6 =	sshll.u32 s28, $0x1;
	[dreg:$0x2] =	wrdreg s4  }
0xb8: {  	[dreg:$0x3] =	wrdreg s6  }
0xb9: {  	[dreg:$0x4] =	wrdreg $0xC0  }
0xba: {  	_ =	task [dreg:s22], $0x5FFFF  }
0xbb: {  	[dreg:$0x1] =	wrdreg $0xFFFFFFFF  }
0xbc: {  	[dreg:$0x0] =	wrdreg $0x60  }
0xbd: {  	[dreg:$0x2] =	wrdreg s18  }
0xbe: {  	[dreg:$0x3] =	wrdreg s24  }
0xbf: {  	[dreg:$0x4] =	wrdreg $0xA  }
0xc0: {  	_ =	task.clear_ibuf [dreg:s22], $0x5FFFF;
	_ =	strace $0x90000052  }
0xc1: {  	s29 =	simm.s32 $0xA;
	_ =	strace $0x80000054  }
0xc2: {  	_ =	swait.ge [sflag:s29], $0x1  }
0xc3: {  	[sflag:s29] =	ssyncadd.s32 $0xFFFFFFFF  }
0xc4: {  	_ =	strace $0x90000054  }
0xc5: {  	_ =	sfence  }
0xc6: {  	s30 =	sld [smem:$0x0];
	_ =	sdelay $0x2  }
0xc7: {  	s31 =	sshll.u32 s1, $0xD;
	s1 =	sshrl.u32 s1, $0x2  }
0xc8: {  	s4 =	sand.u32 $0x4000, s31;
	s1 =	sadd.s32 s1, s30  }
0xc9: {  	s0 =	sor.u32 s4, s0;
	s1 =	sshll.u32 s1, $0x11  }
0xca: {  	s0 =	sor.u32 s1, s0  }
0xcb: {  	s0 =	sadd.s32 $0x8F2B, s0  }
0xcc: {  	[sflag:s0] =	ssyncadd.remote.s32 $0x1  }
0xcd: {  	_ =	sfence.sel $0xFFFF  }
0xce: {  	[dreg:$0x0] =	wrdreg $0xFFFFFFFF;
	(pc) =	sbr.abs _section_cstart, $3  }
0xcf: {  	[dreg:$0x1] =	wrdreg $0xFFFFFFFF  }
0xd0: {  	_ =	task.clear_ibuf [dreg:s22], $0x2FFFF;
	_ =	strace $0x9FFFFFFF  }
0xd1: {  	(tm) =	ssettm $0x7FFFFFFF  }
tec
execute0_lowered:
.L_overlay_start_1:
0x0: {  	(tag) =	ssettag $0x1  }
0x1: {  	s1 =	srdreg.scid  }
0x2: {  	s2 =	rddreg [dreg:$0x0];
	s0 =	stileid.u32  }
0x3: {  	s11 =	rddreg [dreg:$0x1];
	s5 =	simm.s32 $0x2;
	s1 =	sshll.u32 s1, $0x8  }
0x4: {  	s9 =	simm.s32 $0x3;
	s3 =	sshll.u32 s0, $0x9;
	s4 =	sand.u32 $0x100, s1  }
0x5: {  	s13 =	simm.s32 $0x0;
	s15 =	simm.s32 $0x0;
	s3 =	sor.u32 s3, s4  }
0x6: {  	s14 =	simm.s32 $0x0;
	s1 =	rddreg [dreg:$0x2];
	s4 =	sshrl.u32 s3, $0x3  }
0x7: {  	_ =	strace $0x80000053;
	s6 =	ssub.s32 $0x2000, s3;
	s8 =	sadd.s32 s4, s11  }
0x8: {  	s4 =	simm.s32 $0x1;
	s7 =	sand.u32 $0x1F00, s6;
	s10 =	sshrl.u32 s6, $0xD  }
.Ltmp0:
0x9: {  	s6 =	sadd.s32 $0x95A00, s11;
	[sflag:s4] =	ssyncpa.u1 $0x0;
	(pc) =	sbr.rel .LBB2_1-.Ltmp0, $4  }
0xa: {  	p0 =	sne.s32 s7, $0x0;
	s7 =	simm.s32 $0x1;
	s8 =	sadd.s32 $0x95600, s8  }
0xb: {  	[sflag:s5] =	ssyncpa.u1 $0x0;
	s7 =	simm.s32 @!p0 $0x0;
	p0 =	por $0x0, $0x0  }
0xc: {  	[sflag:s9] =	ssyncpa.u1 $0x0;
	s7 =	sadd.s32 s7, s10;
	s9 =	sadd.s32 $0x97A00, s11  }
0xd: {  	vm0 =	vmmov $0xffff;
	s10 =	sadd.s32 $0x99A00, s11;
	s11 =	sadd.s32 $0x9BA00, s11;
	s12 =	sadd.s32 $0x1, s7  }
.LBB2_4:
0xe: {  	_ =	sdelay $0x3  }
0xf: {  	[tilespmem:s21], [sflag:$0x1] =	stream.indirect_vreg.gather [hbm4b:s2+s13], $0x1, v0, vm0, $0x4038;
	[tilespmem:$0x4200] =	vst v63  }
0x10: {  	s18 =	sshll.u32 s15, $0x3  }
0x11: {  	s24 =	sand.u32 $0x78, s15;
	s18 =	sand.u32 $0x7FFFFC00, s18  }
0x12: {  	_ =	swait.ge [sflag:s4], $0x2000;
	s15 =	sor.u32 s24, s18  }
0x13: {  	[sflag:s4] =	ssyncset.done $0x0;
	s15 =	sshrl.u32 s15, $0x3  }
0x14: {  	[sflag:s4] =	ssyncadd.s32 $0xFFFFE000;
	s25 =	sadd.s32 s6, s15  }
0x15: {  	[hbm:s25] =	stream.linear.scatter [tilespmem:s17], [sflag:$0x3], $0x800, $0x38;
	[tilespmem:$0x4200] =	vst v63  }
0x16: {  	s26 =	sadd.s32 $0xA00, s16;
	s28 =	sadd.s32 s15, s9  }
0x17: {  	[hbm:s28] =	stream.linear.scatter [tilespmem:s26], [sflag:$0x3], $0x800, $0x38;
	[tilespmem:$0x4200] =	vst v63  }
0x18: {  	s29 =	sadd.s32 $0x1200, s16;
	s30 =	sadd.s32 s15, s10  }
0x19: {  	[hbm:s30] =	stream.linear.scatter [tilespmem:s29], [sflag:$0x3], $0x800, $0x38;
	[tilespmem:$0x4200] =	vst v63  }
0x1a: {  	s31 =	sadd.s32 $0x1A00, s16;
	s15 =	sadd.s32 s15, s11  }
0x1b: {  	[hbm:s15] =	stream.linear.scatter [tilespmem:s31], [sflag:$0x3], $0x800, $0x38;
	[tilespmem:$0x4200] =	vst v63  }
.LBB2_5:
0x1c: {  	p2 =	sne.s32 s14, s12  }
.Ltmp1:
0x1d: {  	p1 =	slt.u32 s14, $0x2;
	(pc) =	sbr.rel @!p2 .LBB2_6-.Ltmp1, $4  }
0x1e: {  	s15 =	simm.s32 @!p1 $0x3  }
0x1f: {  	_ =	swait.ge @!p1 [sflag:s15], $0x2000  }
0x20: {  	s16 =	sadd.s32 $0x1, s14;
	p0 =	por !p0, !p0;
	[sflag:s15] =	ssyncset.done @!p1 $0x0  }
0x21: {  	s14 =	smov.u32 s16;
	[sflag:s15] =	ssyncadd.s32 @!p1 $0xFFFFE000;
	s15 =	smov.u32 s3  }
.LBB2_1:
0x22: {  	p1 =	sge.u32 s14, s7  }
0x23: {  	s16 =	sxor.u32 @!p1 $0xFFFFFFFF, s14  }
0x24: {  	s16 =	sshll.u32 @!p1 s16, $0x8  }
0x25: {  	s31 =	sadd.s32 $0xFFFFFFFF, s14;
	s17 =	simm.s32 @!p1 $0x0;
	s16 =	sand.u32 @!p1 $0x100, s16  }
0x26: {  	[tilespmem:s16], [sflag:$0x2] =	stream.linear.gather @!p1 [hbm4b:s8+s17], $0x100, $0x38;
	[tilespmem:$0x4200] =	vst v63  }
0x27: {  	p1 =	sge.u32 s31, s7  }
.Ltmp2:
0x28: {  	_ = 	snop;
	(pc) =	sbr.rel @p1 .LBB2_5-.Ltmp2, $1  }
0x29: {  	_ =	sdelay $0x3  }
0x2a: {  	s16 =	simm.s32 $0x1;
	_ =	swait.ge [sflag:s5], $0x100  }
0x2b: {  	s16 =	simm.s32 @!p0 $0x0;
	[sflag:s5] =	ssyncset.done $0x0  }
0x2c: {  	s19 =	sshll.u32 s16, $0x8;
	[sflag:s5] =	ssyncadd.s32 $0xFFFFFF00  }
0x2d: {  	v0 =	vld.msk [tilespmem:s19+$0x0 ss:$0x1], $0xffff;
	_ =	sdelay $0x4  }
0x2e: {  	vm1 =	vgt.s32 v0, $0x0  }
0x2f: {  	v0 =	vnsel vm1, $0x0, v0  }
0x30: {  	v0 =	vmin.u32 v0, $0xF423F  }
0x31: {  	v1 =	vshll.u32 v0, $0x3  }
0x32: {  	v0 =	vand.u32 $0x7F, v0;
	v1 =	vand.u32 $0x7FFC00, v1  }
0x33: {  	s22 =	sshll.u32 s14, $0xD;
	v0 =	vor.u32 v0, v1  }
0x34: {  	s18 =	simm.s32 $0x0;
	s16 =	sand.u32 $0x2000, s22  }
0x35: {  	s20 =	sand.u32 $0x400, s18;
	s17 =	sor.u32 $0x200, s16  }
0x36: {  	s21 =	sand.u32 $0x70, s18;
	(ifvalue) =	ssetifvalue $0x7FFFFFFF;
	s20 =	sadd.s32 s20, s17;
	v1 =	vor.u32 $0x80, v0  }
0x37: {  	(ifvalue) =	ssetifvalue $0x7FFFFFFF;
	s20 =	sadd.s32 s21, s20  }
0x38: {  	[tilespmem:s20], [sflag:$0x1] =	stream.indirect_vreg.gather [hbm4b:s2+s13], $0x1, v0, vm0, $0x4038;
	[tilespmem:$0x4200] =	vst v63  }
0x39: {  	v2 =	vor.u32 $0x100, v0;
	(ifvalue) =	ssetifvalue $0x7FFFFFFF  }
0x3a: {  	s21 =	sadd.s32 $0x80, s20;
	(ifvalue) =	ssetifvalue $0x7FFFFFFF  }
0x3b: {  	[tilespmem:s21], [sflag:$0x1] =	stream.indirect_vreg.gather [hbm4b:s2+s13], $0x1, v1, vm0, $0x4038;
	[tilespmem:$0x4200] =	vst v63  }
0x3c: {  	v1 =	vor.u32 $0x180, v0;
	(ifvalue) =	ssetifvalue $0x7FFFFFFF  }
0x3d: {  	s23 =	sadd.s32 $0x100, s20;
	(ifvalue) =	ssetifvalue $0x7FFFFFFF  }
0x3e: {  	[tilespmem:s23], [sflag:$0x1] =	stream.indirect_vreg.gather [hbm4b:s2+s13], $0x1, v2, vm0, $0x4038;
	[tilespmem:$0x4200] =	vst v63  }
0x3f: {  	v2 =	vor.u32 $0x200, v0;
	(ifvalue) =	ssetifvalue $0x7FFFFFFF  }
0x40: {  	s24 =	sadd.s32 $0x180, s20;
	(ifvalue) =	ssetifvalue $0x7FFFFFFF  }
0x41: {  	[tilespmem:s24], [sflag:$0x1] =	stream.indirect_vreg.gather [hbm4b:s2+s13], $0x1, v1, vm0, $0x4038;
	[tilespmem:$0x4200] =	vst v63  }
0x42: {  	(ifvalue) =	ssetifvalue $0x7FFFFFFF;
	v1 =	vor.u32 $0x280, v0  }
0x43: {  	s25 =	sadd.s32 $0x200, s20;
	(ifvalue) =	ssetifvalue $0x7FFFFFFF  }
0x44: {  	[tilespmem:s25], [sflag:$0x1] =	stream.indirect_vreg.gather [hbm4b:s2+s13], $0x1, v2, vm0, $0x4038;
	[tilespmem:$0x4200] =	vst v63  }
0x45: {  	(ifvalue) =	ssetifvalue $0x7FFFFFFF;
	v2 =	vor.u32 $0x300, v0  }
0x46: {  	s26 =	sadd.s32 $0x280, s20;
	(ifvalue) =	ssetifvalue $0x7FFFFFFF  }
0x47: {  	[tilespmem:s26], [sflag:$0x1] =	stream.indirect_vreg.gather [hbm4b:s2+s13], $0x1, v1, vm0, $0x4038;
	[tilespmem:$0x4200] =	vst v63  }
0x48: {  	(ifvalue) =	ssetifvalue $0x7FFFFFFF;
	v1 =	vor.u32 $0x380, v0  }
0x49: {  	s18 =	sor.u32 s18, s18;
	s28 =	sadd.s32 $0x300, s20;
	(ifvalue) =	ssetifvalue $0x7FFFFFFF  }
0x4a: {  	[tilespmem:s28], [sflag:$0x1] =	stream.indirect_vreg.gather [hbm4b:s2+s13], $0x1, v2, vm0, $0x4038;
	[tilespmem:$0x4200] =	vst v63  }
0x4b: {  	s18 =	sor.u32 $0x380, s18;
	(ifvalue) =	ssetifvalue $0x7FFFFFFF;
	v2 =	vadd.s32 $0x7A1400, v0  }
0x4c: {  	s18 =	sadd.s32 s18, s17;
	(ifvalue) =	ssetifvalue $0x7FFFFFFF  }
0x4d: {  	[tilespmem:s18], [sflag:$0x1] =	stream.indirect_vreg.gather [hbm4b:s2+s13], $0x1, v1, vm0, $0x4038;
	[tilespmem:$0x4200] =	vst v63  }
0x4e: {  	(ifvalue) =	ssetifvalue $0x7FFFFFFF;
	v1 =	vadd.s32 $0x7A1480, v0  }
0x4f: {  	s29 =	sadd.s32 $0x800, s20;
	(ifvalue) =	ssetifvalue $0x7FFFFFFF  }
0x50: {  	[tilespmem:s29], [sflag:$0x1] =	stream.indirect_vreg.gather [hbm4b:s2+s13], $0x1, v2, vm0, $0x4038;
	[tilespmem:$0x4200] =	vst v63  }
0x51: {  	(ifvalue) =	ssetifvalue $0x7FFFFFFF;
	v2 =	vadd.s32 $0x7A1500, v0  }
0x52: {  	s30 =	sadd.s32 $0x880, s20;
	(ifvalue) =	ssetifvalue $0x7FFFFFFF  }
0x53: {  	[tilespmem:s30], [sflag:$0x1] =	stream.indirect_vreg.gather [hbm4b:s2+s13], $0x1, v1, vm0, $0x4038;
	[tilespmem:$0x4200] =	vst v63  }
0x54: {  	(ifvalue) =	ssetifvalue $0x7FFFFFFF;
	v1 =	vadd.s32 $0x7A1580, v0  }
0x55: {  	s31 =	sadd.s32 $0x900, s20;
	(ifvalue) =	ssetifvalue $0x7FFFFFFF  }
0x56: {  	[tilespmem:s31], [sflag:$0x1] =	stream.indirect_vreg.gather [hbm4b:s2+s13], $0x1, v2, vm0, $0x4038;
	[tilespmem:$0x4200] =	vst v63  }
0x57: {  	(ifvalue) =	ssetifvalue $0x7FFFFFFF;
	v2 =	vadd.s32 $0x7A1600, v0  }
0x58: {  	s21 =	sadd.s32 $0x980, s20;
	(ifvalue) =	ssetifvalue $0x7FFFFFFF  }
0x59: {  	[tilespmem:s21], [sflag:$0x1] =	stream.indirect_vreg.gather [hbm4b:s2+s13], $0x1, v1, vm0, $0x4038;
	[tilespmem:$0x4200] =	vst v63  }
0x5a: {  	(ifvalue) =	ssetifvalue $0x7FFFFFFF;
	v1 =	vadd.s32 $0x7A1680, v0  }
0x5b: {  	s22 =	sadd.s32 $0xA00, s20;
	(ifvalue) =	ssetifvalue $0x7FFFFFFF  }
0x5c: {  	[tilespmem:s22], [sflag:$0x1] =	stream.indirect_vreg.gather [hbm4b:s2+s13], $0x1, v2, vm0, $0x4038;
	[tilespmem:$0x4200] =	vst v63  }
0x5d: {  	(ifvalue) =	ssetifvalue $0x7FFFFFFF;
	v2 =	vadd.s32 $0x7A1700, v0  }
0x5e: {  	s23 =	sadd.s32 $0xA80, s20;
	(ifvalue) =	ssetifvalue $0x7FFFFFFF  }
0x5f: {  	[tilespmem:s23], [sflag:$0x1] =	stream.indirect_vreg.gather [hbm4b:s2+s13], $0x1, v1, vm0, $0x4038;
	[tilespmem:$0x4200] =	vst v63  }
0x60: {  	(ifvalue) =	ssetifvalue $0x7FFFFFFF;
	v1 =	vadd.s32 $0x7A1780, v0  }
0x61: {  	s24 =	sadd.s32 $0xB00, s20;
	(ifvalue) =	ssetifvalue $0x7FFFFFFF  }
0x62: {  	[tilespmem:s24], [sflag:$0x1] =	stream.indirect_vreg.gather [hbm4b:s2+s13], $0x1, v2, vm0, $0x4038;
	[tilespmem:$0x4200] =	vst v63  }
0x63: {  	(ifvalue) =	ssetifvalue $0x7FFFFFFF;
	v2 =	vadd.s32 $0xF42800, v0  }
0x64: {  	s25 =	sadd.s32 $0xB80, s20;
	(ifvalue) =	ssetifvalue $0x7FFFFFFF  }
0x65: {  	[tilespmem:s25], [sflag:$0x1] =	stream.indirect_vreg.gather [hbm4b:s2+s13], $0x1, v1, vm0, $0x4038;
	[tilespmem:$0x4200] =	vst v63  }
0x66: {  	(ifvalue) =	ssetifvalue $0x7FFFFFFF;
	v1 =	vadd.s32 $0xF42880, v0  }
0x67: {  	s26 =	sadd.s32 $0x1000, s20;
	(ifvalue) =	ssetifvalue $0x7FFFFFFF  }
0x68: {  	[tilespmem:s26], [sflag:$0x1] =	stream.indirect_vreg.gather [hbm4b:s2+s13], $0x1, v2, vm0, $0x4038;
	[tilespmem:$0x4200] =	vst v63  }
0x69: {  	(ifvalue) =	ssetifvalue $0x7FFFFFFF;
	v2 =	vadd.s32 $0xF42900, v0  }
0x6a: {  	s28 =	sadd.s32 $0x1080, s20;
	(ifvalue) =	ssetifvalue $0x7FFFFFFF  }
0x6b: {  	[tilespmem:s28], [sflag:$0x1] =	stream.indirect_vreg.gather [hbm4b:s2+s13], $0x1, v1, vm0, $0x4038;
	[tilespmem:$0x4200] =	vst v63  }
0x6c: {  	(ifvalue) =	ssetifvalue $0x7FFFFFFF;
	v1 =	vadd.s32 $0xF42980, v0  }
0x6d: {  	s29 =	sadd.s32 $0x1100, s20;
	(ifvalue) =	ssetifvalue $0x7FFFFFFF  }
0x6e: {  	[tilespmem:s29], [sflag:$0x1] =	stream.indirect_vreg.gather [hbm4b:s2+s13], $0x1, v2, vm0, $0x4038;
	[tilespmem:$0x4200] =	vst v63  }
0x6f: {  	(ifvalue) =	ssetifvalue $0x7FFFFFFF;
	v2 =	vadd.s32 $0xF42A00, v0  }
0x70: {  	s30 =	sadd.s32 $0x1180, s20;
	(ifvalue) =	ssetifvalue $0x7FFFFFFF  }
0x71: {  	[tilespmem:s30], [sflag:$0x1] =	stream.indirect_vreg.gather [hbm4b:s2+s13], $0x1, v1, vm0, $0x4038;
	[tilespmem:$0x4200] =	vst v63  }
0x72: {  	(ifvalue) =	ssetifvalue $0x7FFFFFFF;
	v1 =	vadd.s32 $0xF42A80, v0  }
0x73: {  	s31 =	sadd.s32 $0x1200, s20;
	(ifvalue) =	ssetifvalue $0x7FFFFFFF  }
0x74: {  	[tilespmem:s31], [sflag:$0x1] =	stream.indirect_vreg.gather [hbm4b:s2+s13], $0x1, v2, vm0, $0x4038;
	[tilespmem:$0x4200] =	vst v63  }
0x75: {  	(ifvalue) =	ssetifvalue $0x7FFFFFFF;
	v2 =	vadd.s32 $0xF42B00, v0  }
0x76: {  	s21 =	sadd.s32 $0x1280, s20;
	(ifvalue) =	ssetifvalue $0x7FFFFFFF  }
0x77: {  	[tilespmem:s21], [sflag:$0x1] =	stream.indirect_vreg.gather [hbm4b:s2+s13], $0x1, v1, vm0, $0x4038;
	[tilespmem:$0x4200] =	vst v63  }
0x78: {  	(ifvalue) =	ssetifvalue $0x7FFFFFFF;
	v1 =	vadd.s32 $0xF42B80, v0  }
0x79: {  	s22 =	sadd.s32 $0x1300, s20;
	(ifvalue) =	ssetifvalue $0x7FFFFFFF  }
0x7a: {  	[tilespmem:s22], [sflag:$0x1] =	stream.indirect_vreg.gather [hbm4b:s2+s13], $0x1, v2, vm0, $0x4038;
	[tilespmem:$0x4200] =	vst v63  }
0x7b: {  	(ifvalue) =	ssetifvalue $0x7FFFFFFF;
	v2 =	vadd.s32 $0x16E3C00, v0  }
0x7c: {  	s23 =	sadd.s32 $0x1380, s20;
	(ifvalue) =	ssetifvalue $0x7FFFFFFF  }
0x7d: {  	[tilespmem:s23], [sflag:$0x1] =	stream.indirect_vreg.gather [hbm4b:s2+s13], $0x1, v1, vm0, $0x4038;
	[tilespmem:$0x4200] =	vst v63  }
0x7e: {  	(ifvalue) =	ssetifvalue $0x7FFFFFFF;
	v1 =	vadd.s32 $0x16E3C80, v0  }
0x7f: {  	s24 =	sadd.s32 $0x1800, s20;
	(ifvalue) =	ssetifvalue $0x7FFFFFFF  }
0x80: {  	[tilespmem:s24], [sflag:$0x1] =	stream.indirect_vreg.gather [hbm4b:s2+s13], $0x1, v2, vm0, $0x4038;
	[tilespmem:$0x4200] =	vst v63  }
0x81: {  	(ifvalue) =	ssetifvalue $0x7FFFFFFF;
	v2 =	vadd.s32 $0x16E3D00, v0  }
0x82: {  	s25 =	sadd.s32 $0x1880, s20;
	(ifvalue) =	ssetifvalue $0x7FFFFFFF  }
0x83: {  	[tilespmem:s25], [sflag:$0x1] =	stream.indirect_vreg.gather [hbm4b:s2+s13], $0x1, v1, vm0, $0x4038;
	[tilespmem:$0x4200] =	vst v63  }
0x84: {  	(ifvalue) =	ssetifvalue $0x7FFFFFFF;
	v1 =	vadd.s32 $0x16E3D80, v0  }
0x85: {  	s26 =	sadd.s32 $0x1900, s20;
	(ifvalue) =	ssetifvalue $0x7FFFFFFF  }
0x86: {  	[tilespmem:s26], [sflag:$0x1] =	stream.indirect_vreg.gather [hbm4b:s2+s13], $0x1, v2, vm0, $0x4038;
	[tilespmem:$0x4200] =	vst v63  }
0x87: {  	(ifvalue) =	ssetifvalue $0x7FFFFFFF;
	v2 =	vadd.s32 $0x16E3E00, v0  }
0x88: {  	s28 =	sadd.s32 $0x1980, s20;
	(ifvalue) =	ssetifvalue $0x7FFFFFFF  }
0x89: {  	[tilespmem:s28], [sflag:$0x1] =	stream.indirect_vreg.gather [hbm4b:s2+s13], $0x1, v1, vm0, $0x4038;
	[tilespmem:$0x4200] =	vst v63  }
0x8a: {  	(ifvalue) =	ssetifvalue $0x7FFFFFFF;
	v1 =	vadd.s32 $0x16E3E80, v0  }
0x8b: {  	s29 =	sadd.s32 $0x1A00, s20;
	(ifvalue) =	ssetifvalue $0x7FFFFFFF  }
0x8c: {  	[tilespmem:s29], [sflag:$0x1] =	stream.indirect_vreg.gather [hbm4b:s2+s13], $0x1, v2, vm0, $0x4038;
	[tilespmem:$0x4200] =	vst v63  }
0x8d: {  	(ifvalue) =	ssetifvalue $0x7FFFFFFF;
	v2 =	vadd.s32 $0x16E3F00, v0  }
0x8e: {  	s30 =	sadd.s32 $0x1A80, s20;
	(ifvalue) =	ssetifvalue $0x7FFFFFFF  }
0x8f: {  	[tilespmem:s30], [sflag:$0x1] =	stream.indirect_vreg.gather [hbm4b:s2+s13], $0x1, v1, vm0, $0x4038;
	[tilespmem:$0x4200] =	vst v63  }
0x90: {  	v0 =	vadd.s32 $0x16E3F80, v0;
	(ifvalue) =	ssetifvalue $0x7FFFFFFF  }
0x91: {  	s31 =	sadd.s32 $0x1B00, s20;
	(ifvalue) =	ssetifvalue $0x7FFFFFFF  }
0x92: {  	[tilespmem:s31], [sflag:$0x1] =	stream.indirect_vreg.gather [hbm4b:s2+s13], $0x1, v2, vm0, $0x4038;
	[tilespmem:$0x4200] =	vst v63  }
0x93: {  	s19 =	sadd.s32 $0x10, s19;
	s18 =	simm.s32 $0x10;
	(ifvalue) =	ssetifvalue $0x7FFFFFFF  }
0x94: {  	s21 =	sadd.s32 $0x1B80, s20;
	s20 =	simm.s32 $0x80;
	(ifvalue) =	ssetifvalue $0x7FFFFFFF  }
.LBB2_3:
0x95: {  	[tilespmem:s21], [sflag:$0x1] =	stream.indirect_vreg.gather [hbm4b:s2+s13], $0x1, v0, vm0, $0x4038;
	[tilespmem:$0x4200] =	vst v63  }
0x96: {  	p1 =	sne.s32 s18, $0xF0;
	s22 =	smov.u32 s18;
	s18 =	sadd.s32 $0x10, s18;
	v0 =	vld.msk [tilespmem:s19+$0x0 ss:$0x1], $0xffff  }
0x97: {  	(ifvalue) =	ssetifvalue $0x7FFFFFFF;
	_ =	sdelay $0x4  }
0x98: {  	vm1 =	vgt.s32 v0, $0x0  }
0x99: {  	v0 =	vnsel vm1, $0x0, v0  }
0x9a: {  	v0 =	vmin.u32 v0, $0xF423F  }
0x9b: {  	v1 =	vshll.u32 v0, $0x3  }
0x9c: {  	v0 =	vand.u32 $0x7F, v0;
	v1 =	vand.u32 $0x7FFC00, v1  }
0x9d: {  	v0 =	vor.u32 v0, v1;
	_ =	sdelay $0x1  }
0x9e: {  	s21 =	sand.u32 $0x400, s20  }
0x9f: {  	s23 =	sand.u32 $0x70, s22;
	s21 =	sadd.s32 s21, s17;
	v1 =	vor.u32 $0x80, v0  }
0xa0: {  	s21 =	sadd.s32 s23, s21;
	(ifvalue) =	ssetifvalue $0x7FFFFFFF  }
0xa1: {  	[tilespmem:s21], [sflag:$0x1] =	stream.indirect_vreg.gather [hbm4b:s2+s13], $0x1, v0, vm0, $0x4038;
	[tilespmem:$0x4200] =	vst v63  }
0xa2: {  	v2 =	vor.u32 $0x100, v0;
	(ifvalue) =	ssetifvalue $0x7FFFFFFF  }
0xa3: {  	s23 =	sadd.s32 $0x80, s21;
	(ifvalue) =	ssetifvalue $0x7FFFFFFF  }
0xa4: {  	[tilespmem:s23], [sflag:$0x1] =	stream.indirect_vreg.gather [hbm4b:s2+s13], $0x1, v1, vm0, $0x4038;
	[tilespmem:$0x4200] =	vst v63  }
0xa5: {  	v1 =	vor.u32 $0x180, v0;
	(ifvalue) =	ssetifvalue $0x7FFFFFFF  }
0xa6: {  	s23 =	sadd.s32 $0x100, s21;
	(ifvalue) =	ssetifvalue $0x7FFFFFFF  }
0xa7: {  	[tilespmem:s23], [sflag:$0x1] =	stream.indirect_vreg.gather [hbm4b:s2+s13], $0x1, v2, vm0, $0x4038;
	[tilespmem:$0x4200] =	vst v63  }
0xa8: {  	v2 =	vor.u32 $0x200, v0;
	(ifvalue) =	ssetifvalue $0x7FFFFFFF  }
0xa9: {  	s23 =	sadd.s32 $0x180, s21;
	(ifvalue) =	ssetifvalue $0x7FFFFFFF  }
0xaa: {  	[tilespmem:s23], [sflag:$0x1] =	stream.indirect_vreg.gather [hbm4b:s2+s13], $0x1, v1, vm0, $0x4038;
	[tilespmem:$0x4200] =	vst v63  }
0xab: {  	v1 =	vor.u32 $0x280, v0;
	(ifvalue) =	ssetifvalue $0x7FFFFFFF  }
0xac: {  	s23 =	sadd.s32 $0x200, s21;
	(ifvalue) =	ssetifvalue $0x7FFFFFFF  }
0xad: {  	[tilespmem:s23], [sflag:$0x1] =	stream.indirect_vreg.gather [hbm4b:s2+s13], $0x1, v2, vm0, $0x4038;
	[tilespmem:$0x4200] =	vst v63  }
0xae: {  	v2 =	vor.u32 $0x300, v0;
	(ifvalue) =	ssetifvalue $0x7FFFFFFF  }
0xaf: {  	s23 =	sadd.s32 $0x280, s21;
	(ifvalue) =	ssetifvalue $0x7FFFFFFF  }
0xb0: {  	[tilespmem:s23], [sflag:$0x1] =	stream.indirect_vreg.gather [hbm4b:s2+s13], $0x1, v1, vm0, $0x4038;
	[tilespmem:$0x4200] =	vst v63  }
0xb1: {  	v1 =	vor.u32 $0x380, v0;
	(ifvalue) =	ssetifvalue $0x7FFFFFFF  }
0xb2: {  	s22 =	sor.u32 s20, s22;
	s23 =	sadd.s32 $0x300, s21;
	(ifvalue) =	ssetifvalue $0x7FFFFFFF  }
0xb3: {  	[tilespmem:s23], [sflag:$0x1] =	stream.indirect_vreg.gather [hbm4b:s2+s13], $0x1, v2, vm0, $0x4038;
	[tilespmem:$0x4200] =	vst v63  }
0xb4: {  	s22 =	sor.u32 $0x380, s22;
	v2 =	vadd.s32 $0x7A1400, v0;
	(ifvalue) =	ssetifvalue $0x7FFFFFFF  }
0xb5: {  	s22 =	sadd.s32 s22, s17;
	(ifvalue) =	ssetifvalue $0x7FFFFFFF  }
0xb6: {  	[tilespmem:s22], [sflag:$0x1] =	stream.indirect_vreg.gather [hbm4b:s2+s13], $0x1, v1, vm0, $0x4038;
	[tilespmem:$0x4200] =	vst v63  }
0xb7: {  	v1 =	vadd.s32 $0x7A1480, v0;
	(ifvalue) =	ssetifvalue $0x7FFFFFFF  }
0xb8: {  	s22 =	sadd.s32 $0x800, s21;
	(ifvalue) =	ssetifvalue $0x7FFFFFFF  }
0xb9: {  	[tilespmem:s22], [sflag:$0x1] =	stream.indirect_vreg.gather [hbm4b:s2+s13], $0x1, v2, vm0, $0x4038;
	[tilespmem:$0x4200] =	vst v63  }
0xba: {  	v2 =	vadd.s32 $0x7A1500, v0;
	(ifvalue) =	ssetifvalue $0x7FFFFFFF  }
0xbb: {  	s22 =	sadd.s32 $0x880, s21;
	(ifvalue) =	ssetifvalue $0x7FFFFFFF  }
0xbc: {  	[tilespmem:s22], [sflag:$0x1] =	stream.indirect_vreg.gather [hbm4b:s2+s13], $0x1, v1, vm0, $0x4038;
	[tilespmem:$0x4200] =	vst v63  }
0xbd: {  	v1 =	vadd.s32 $0x7A1580, v0;
	(ifvalue) =	ssetifvalue $0x7FFFFFFF  }
0xbe: {  	s22 =	sadd.s32 $0x900, s21;
	(ifvalue) =	ssetifvalue $0x7FFFFFFF  }
0xbf: {  	[tilespmem:s22], [sflag:$0x1] =	stream.indirect_vreg.gather [hbm4b:s2+s13], $0x1, v2, vm0, $0x4038;
	[tilespmem:$0x4200] =	vst v63  }
0xc0: {  	v2 =	vadd.s32 $0x7A1600, v0;
	(ifvalue) =	ssetifvalue $0x7FFFFFFF  }
0xc1: {  	s22 =	sadd.s32 $0x980, s21;
	(ifvalue) =	ssetifvalue $0x7FFFFFFF  }
0xc2: {  	[tilespmem:s22], [sflag:$0x1] =	stream.indirect_vreg.gather [hbm4b:s2+s13], $0x1, v1, vm0, $0x4038;
	[tilespmem:$0x4200] =	vst v63  }
0xc3: {  	v1 =	vadd.s32 $0x7A1680, v0;
	(ifvalue) =	ssetifvalue $0x7FFFFFFF  }
0xc4: {  	s22 =	sadd.s32 $0xA00, s21;
	(ifvalue) =	ssetifvalue $0x7FFFFFFF  }
0xc5: {  	[tilespmem:s22], [sflag:$0x1] =	stream.indirect_vreg.gather [hbm4b:s2+s13], $0x1, v2, vm0, $0x4038;
	[tilespmem:$0x4200] =	vst v63  }
0xc6: {  	v2 =	vadd.s32 $0x7A1700, v0;
	(ifvalue) =	ssetifvalue $0x7FFFFFFF  }
0xc7: {  	s22 =	sadd.s32 $0xA80, s21;
	(ifvalue) =	ssetifvalue $0x7FFFFFFF  }
0xc8: {  	[tilespmem:s22], [sflag:$0x1] =	stream.indirect_vreg.gather [hbm4b:s2+s13], $0x1, v1, vm0, $0x4038;
	[tilespmem:$0x4200] =	vst v63  }
0xc9: {  	v1 =	vadd.s32 $0x7A1780, v0;
	(ifvalue) =	ssetifvalue $0x7FFFFFFF  }
0xca: {  	s22 =	sadd.s32 $0xB00, s21;
	(ifvalue) =	ssetifvalue $0x7FFFFFFF  }
0xcb: {  	[tilespmem:s22], [sflag:$0x1] =	stream.indirect_vreg.gather [hbm4b:s2+s13], $0x1, v2, vm0, $0x4038;
	[tilespmem:$0x4200] =	vst v63  }
0xcc: {  	v2 =	vadd.s32 $0xF42800, v0;
	(ifvalue) =	ssetifvalue $0x7FFFFFFF  }
0xcd: {  	s22 =	sadd.s32 $0xB80, s21;
	(ifvalue) =	ssetifvalue $0x7FFFFFFF  }
0xce: {  	[tilespmem:s22], [sflag:$0x1] =	stream.indirect_vreg.gather [hbm4b:s2+s13], $0x1, v1, vm0, $0x4038;
	[tilespmem:$0x4200] =	vst v63  }
0xcf: {  	v1 =	vadd.s32 $0xF42880, v0;
	(ifvalue) =	ssetifvalue $0x7FFFFFFF  }
0xd0: {  	s22 =	sadd.s32 $0x1000, s21;
	(ifvalue) =	ssetifvalue $0x7FFFFFFF  }
0xd1: {  	[tilespmem:s22], [sflag:$0x1] =	stream.indirect_vreg.gather [hbm4b:s2+s13], $0x1, v2, vm0, $0x4038;
	[tilespmem:$0x4200] =	vst v63  }
0xd2: {  	v2 =	vadd.s32 $0xF42900, v0;
	(ifvalue) =	ssetifvalue $0x7FFFFFFF  }
0xd3: {  	s22 =	sadd.s32 $0x1080, s21;
	(ifvalue) =	ssetifvalue $0x7FFFFFFF  }
0xd4: {  	[tilespmem:s22], [sflag:$0x1] =	stream.indirect_vreg.gather [hbm4b:s2+s13], $0x1, v1, vm0, $0x4038;
	[tilespmem:$0x4200] =	vst v63  }
0xd5: {  	v1 =	vadd.s32 $0xF42980, v0;
	(ifvalue) =	ssetifvalue $0x7FFFFFFF  }
0xd6: {  	s22 =	sadd.s32 $0x1100, s21;
	(ifvalue) =	ssetifvalue $0x7FFFFFFF  }
0xd7: {  	[tilespmem:s22], [sflag:$0x1] =	stream.indirect_vreg.gather [hbm4b:s2+s13], $0x1, v2, vm0, $0x4038;
	[tilespmem:$0x4200] =	vst v63  }
0xd8: {  	v2 =	vadd.s32 $0xF42A00, v0;
	(ifvalue) =	ssetifvalue $0x7FFFFFFF  }
0xd9: {  	s22 =	sadd.s32 $0x1180, s21;
	(ifvalue) =	ssetifvalue $0x7FFFFFFF  }
0xda: {  	[tilespmem:s22], [sflag:$0x1] =	stream.indirect_vreg.gather [hbm4b:s2+s13], $0x1, v1, vm0, $0x4038;
	[tilespmem:$0x4200] =	vst v63  }
0xdb: {  	v1 =	vadd.s32 $0xF42A80, v0;
	(ifvalue) =	ssetifvalue $0x7FFFFFFF  }
0xdc: {  	s22 =	sadd.s32 $0x1200, s21;
	(ifvalue) =	ssetifvalue $0x7FFFFFFF  }
0xdd: {  	[tilespmem:s22], [sflag:$0x1] =	stream.indirect_vreg.gather [hbm4b:s2+s13], $0x1, v2, vm0, $0x4038;
	[tilespmem:$0x4200] =	vst v63  }
0xde: {  	v2 =	vadd.s32 $0xF42B00, v0;
	(ifvalue) =	ssetifvalue $0x7FFFFFFF  }
0xdf: {  	s22 =	sadd.s32 $0x1280, s21;
	(ifvalue) =	ssetifvalue $0x7FFFFFFF  }
0xe0: {  	[tilespmem:s22], [sflag:$0x1] =	stream.indirect_vreg.gather [hbm4b:s2+s13], $0x1, v1, vm0, $0x4038;
	[tilespmem:$0x4200] =	vst v63  }
0xe1: {  	v1 =	vadd.s32 $0xF42B80, v0;
	(ifvalue) =	ssetifvalue $0x7FFFFFFF  }
0xe2: {  	s22 =	sadd.s32 $0x1300, s21;
	(ifvalue) =	ssetifvalue $0x7FFFFFFF  }
0xe3: {  	[tilespmem:s22], [sflag:$0x1] =	stream.indirect_vreg.gather [hbm4b:s2+s13], $0x1, v2, vm0, $0x4038;
	[tilespmem:$0x4200] =	vst v63  }
0xe4: {  	v2 =	vadd.s32 $0x16E3C00, v0;
	(ifvalue) =	ssetifvalue $0x7FFFFFFF  }
0xe5: {  	s22 =	sadd.s32 $0x1380, s21;
	(ifvalue) =	ssetifvalue $0x7FFFFFFF  }
0xe6: {  	[tilespmem:s22], [sflag:$0x1] =	stream.indirect_vreg.gather [hbm4b:s2+s13], $0x1, v1, vm0, $0x4038;
	[tilespmem:$0x4200] =	vst v63  }
0xe7: {  	v1 =	vadd.s32 $0x16E3C80, v0;
	(ifvalue) =	ssetifvalue $0x7FFFFFFF  }
0xe8: {  	s22 =	sadd.s32 $0x1800, s21;
	(ifvalue) =	ssetifvalue $0x7FFFFFFF  }
0xe9: {  	[tilespmem:s22], [sflag:$0x1] =	stream.indirect_vreg.gather [hbm4b:s2+s13], $0x1, v2, vm0, $0x4038;
	[tilespmem:$0x4200] =	vst v63  }
0xea: {  	v2 =	vadd.s32 $0x16E3D00, v0;
	(ifvalue) =	ssetifvalue $0x7FFFFFFF  }
0xeb: {  	s22 =	sadd.s32 $0x1880, s21;
	(ifvalue) =	ssetifvalue $0x7FFFFFFF  }
0xec: {  	[tilespmem:s22], [sflag:$0x1] =	stream.indirect_vreg.gather [hbm4b:s2+s13], $0x1, v1, vm0, $0x4038;
	[tilespmem:$0x4200] =	vst v63  }
0xed: {  	v1 =	vadd.s32 $0x16E3D80, v0;
	(ifvalue) =	ssetifvalue $0x7FFFFFFF  }
0xee: {  	s22 =	sadd.s32 $0x1900, s21;
	(ifvalue) =	ssetifvalue $0x7FFFFFFF  }
0xef: {  	[tilespmem:s22], [sflag:$0x1] =	stream.indirect_vreg.gather [hbm4b:s2+s13], $0x1, v2, vm0, $0x4038;
	[tilespmem:$0x4200] =	vst v63  }
0xf0: {  	v2 =	vadd.s32 $0x16E3E00, v0;
	(ifvalue) =	ssetifvalue $0x7FFFFFFF  }
0xf1: {  	s22 =	sadd.s32 $0x1980, s21;
	(ifvalue) =	ssetifvalue $0x7FFFFFFF  }
0xf2: {  	[tilespmem:s22], [sflag:$0x1] =	stream.indirect_vreg.gather [hbm4b:s2+s13], $0x1, v1, vm0, $0x4038;
	[tilespmem:$0x4200] =	vst v63  }
0xf3: {  	v1 =	vadd.s32 $0x16E3E80, v0;
	(ifvalue) =	ssetifvalue $0x7FFFFFFF  }
0xf4: {  	s22 =	sadd.s32 $0x1A00, s21;
	(ifvalue) =	ssetifvalue $0x7FFFFFFF  }
0xf5: {  	[tilespmem:s22], [sflag:$0x1] =	stream.indirect_vreg.gather [hbm4b:s2+s13], $0x1, v2, vm0, $0x4038;
	[tilespmem:$0x4200] =	vst v63  }
0xf6: {  	v2 =	vadd.s32 $0x16E3F00, v0;
	(ifvalue) =	ssetifvalue $0x7FFFFFFF  }
0xf7: {  	s22 =	sadd.s32 $0x1A80, s21;
	(ifvalue) =	ssetifvalue $0x7FFFFFFF  }
0xf8: {  	[tilespmem:s22], [sflag:$0x1] =	stream.indirect_vreg.gather [hbm4b:s2+s13], $0x1, v1, vm0, $0x4038;
	[tilespmem:$0x4200] =	vst v63  }
.Ltmp3:
0xf9: {  	v0 =	vadd.s32 $0x16E3F80, v0;
	(ifvalue) =	ssetifvalue $0x7FFFFFFF;
	(pc) =	sbr.rel @p1 .LBB2_3-.Ltmp3, $4  }
0xfa: {  	s22 =	sadd.s32 $0x1B00, s21;
	(ifvalue) =	ssetifvalue $0x7FFFFFFF  }
0xfb: {  	[tilespmem:s22], [sflag:$0x1] =	stream.indirect_vreg.gather [hbm4b:s2+s13], $0x1, v2, vm0, $0x4038;
	[tilespmem:$0x4200] =	vst v63  }
0xfc: {  	s19 =	sadd.s32 $0x10, s19;
	(ifvalue) =	ssetifvalue $0x7FFFFFFF  }
0xfd: {  	s20 =	sadd.s32 $0x80, s20;
	s21 =	sadd.s32 $0x1B80, s21;
	(ifvalue) =	ssetifvalue $0x7FFFFFFF  }
.Ltmp4:
0xfe: {  	_ = 	snop;
	(pc) =	sbr.rel .LBB2_4-.Ltmp4, $1  }
0xff: {  	_ =	sdelay $0x3  }
.LBB2_6:
0x100: {  	_ =	sfence.sel $0x180000  }
0x101: {  	s2 =	simm.s32 $0x2;
	[bflag:$0x0] =	sbarrier.arrive $0xFFFF  }
0x102: {  	s30 =	simm.s32 $0x3;
	[sflag:s2] =	ssyncpa.u1 $0x1  }
0x103: {  	s31 =	simm.s32 $0x1;
	[sflag:s30] =	ssyncpa.u1 $0x1  }
0x104: {  	[sflag:s31] =	ssyncpa.u1 $0x1  }
0x105: {  	p0 =	sne.s32 s0, $0x0;
	_ =	strace $0x90000053  }
0x106: {  	s0 =	sadd.s32 @!p0 $0x100000, s1;
	[bflag:$0x2] =	sbarrier.arrive $0xFFFF  }
0x107: {  	[sflag:s0] =	ssyncadd.tile.s32 @!p0 $0x1;
	_ =	shalt  }
.Lfunc_end2:
_tile_overlayer_lowered:
.L_overlay_start_2:
0x108: {  	(tag) =	ssettag $0x2  }
0x109: {  	s0 =	rddreg [dreg:$0x0];
	s2 =	stileid.u32  }
0x10a: {  	s1 =	rddreg [dreg:$0x1];
	p0 =	sne.s32 s2, $0x0  }
0x10b: {  	s3 =	rddreg [dreg:$0x2];
	[bflag:$0x3] =	sbarrier.arrive $0xFFFF;
	s2 =	simm.s32 @!p0 $0x1C01  }
0x10c: {  	[timem:s3], [sflag:s2] =	dma.local @!p0 [hbm:s0], s1  }
0x10d: {  	s0 =	simm.s32 @!p0 $0x1  }
0x10e: {  	_ =	swait.ge @!p0 [sflag:s0], s1  }
0x10f: {  	s1 =	ssub.s32 @!p0 $0x0, s1;
	[sflag:s0] =	ssyncset.done @!p0 $0x0  }
0x110: {  	[sflag:s0] =	ssyncadd.s32 @!p0 s1  }
0x111: {  	[bflag:$0x3] =	sbarrier.arrive $0xFFFF  }
0x112: {  	_ =	shalt  }

// kernel: gather_offload_async_start
scs
__scs_entry_jumppad:
0x0: {  	(pc) =	sbr.rel $0x88, $3  }
0x1: {  	(tag) =	ssettag $0x0;
	lr =	simm.s32 $0x1  }
0x2: {  	[smem:$0x3F88] =	sst lr;
	_ =	strace $0xD0000000  }
0x3: {  	_ = 	snop  }
0x4: {  	_ = 	snop  }
0x5: {  	_ = 	snop  }
0x6: {  	_ = 	snop  }
0x7: {  	_ = 	snop  }
__scs_overlays_trampoline_lowered:
0x8: {  	[smem:$0x3F97] =	sst s0  }
0x9: {  	[smem:$0x3F98] =	sst s1  }
0xa: {  	[smem:$0x3F99] =	sst s2  }
0xb: {  	[smem:$0x3F9A] =	sst s3  }
0xc: {  	[smem:$0x3F9B] =	sst s4  }
0xd: {  	[smem:$0x3F9C] =	sst s5  }
0xe: {  	[smem:$0x3F9D] =	sst s6  }
0xf: {  	[smem:$0x3F9E] =	sst s7  }
0x10: {  	[smem:$0x3F9F] =	sst s8  }
0x11: {  	[smem:$0x3FA0] =	sst s9;
	s0 =	simm.s32 @!p0 $0x0  }
0x12: {  	s1 =	sld [smem:$0x3F86];
	s0 =	simm.s32 @p0 $0x1  }
0x13: {  	[smem:$0x3FA1] =	sst s0;
	s0 =	simm.s32 @!p1 $0x0  }
0x14: {  	s2 =	sld [smem:$0x3F85];
	s0 =	simm.s32 @p1 $0x1  }
0x15: {  	[smem:$0x3FA2] =	sst s0;
	s0 =	simm.s32 @!p2 $0x0  }
0x16: {  	s3 =	sld [smem:$0x3FDB];
	s0 =	simm.s32 @p2 $0x1  }
0x17: {  	s4 =	simm.s32 $0x1BF5;
	[smem:$0x3FA4] =	sst s0  }
0x18: {  	s0 =	sld [smem:$0x3F87];
	_ =	swait.ge [sflag:s4], $0x0  }
0x19: {  	s7 =	sld [smem:$0x3F88]  }
0x1a: {  	s8 =	sadd.s32 $0xFFFFE003, lr  }
0x1b: {  	s9 =	sadd.s32 $0xFFFFFEF7, lr;
	s5 =	simm.s32 $0xFFFFFFFF;
	p2 =	slt.u32 s8, $0xFFFFF086  }
0x1c: {  	p1 =	slt.u32 s9, $0xF7A;
	s5 =	simm.s32 @!p2 $0x0  }
0x1d: {  	s5 =	simm.s32 @p1 $0x1;
	p0 =	seq.s32 s7, s2  }
0x1e: {  	s7 =	smul.u32 @!p0 $0xF7A, s2;
	p2 =	seq.s32 @!p0 s5, $0x0  }
0x1f: {  	s9 =	smul.u32 $0xF7A, s1;
	s8 =	simm.s32 @!p0 $0x1BF5;
	p2 =	por !p2, p0  }
0x20: {  	[sflag:s8] =	ssyncset.s32 @!p0 $0xFFFFF086;
	s6 =	sadd.s32 @!p0 s3, s7;
	s7 =	simm.s32 @!p0 $0x108  }
0x21: {  	s3 =	sadd.s32 s3, s9;
	s6 =	sadd.s32 @!p0 $0x88, s6;
	s7 =	simm.s32 @p2 $0x1082  }
0x22: {  	[simem:s7], [sflag:s8] =	dma.local @!p0 [hbm:s6], $0xF7A  }
0x23: {  	s9 =	sor.u32 $0xD0000000, s2;
	s6 =	simm.s32 $0x108;
	_ =	swait.ge @!p0 [sflag:s8], $0x0  }
0x24: {  	s3 =	sadd.s32 $0x88, s3;
	s6 =	simm.s32 @!p1 $0x1082;
	[sflag:s4] =	ssyncset.s32 $0xFFFFF086  }
0x25: {  	[simem:s6], [sflag:s4] =	dma.local [hbm:s3], $0xF7A  }
0x26: {  	[smem:$0x3F88] =	sst s1;
	(tag) =	ssettag s2;
	_ =	strace s9  }
0x27: {  	s1 =	sld [smem:$0x3F98]  }
0x28: {  	s2 =	sld [smem:$0x3F99]  }
0x29: {  	s4 =	sld [smem:$0x3F9B]  }
0x2a: {  	p0 =	seq.s32 s5, $0x0;
	s5 =	sld [smem:$0x3F9C]  }
0x2b: {  	s6 =	sld [smem:$0x3F9D]  }
0x2c: {  	s7 =	sld [smem:$0x3F9E]  }
0x2d: {  	s3 =	simm.s32 $0x108;
	s8 =	sld [smem:$0x3F9F]  }
0x2e: {  	s3 =	simm.s32 @!p0 $0x1082;
	s9 =	sld [smem:$0x3FA0]  }
0x2f: {  	lr =	sadd.s32 s0, s3;
	s0 =	sld [smem:$0x3F97]  }
0x30: {  	s3 =	sld [smem:$0x3F9A]  }
0x31: {  	[smem:$0x3FA3] =	sst s10  }
0x32: {  	s10 =	sld [smem:$0x3FA1];
	_ =	sdelay $0x3  }
0x33: {  	p0 =	seq.s32 s10, $0x1;
	s10 =	sld [smem:$0x3FA3];
	_ =	sdelay $0x3  }
0x34: {  	[smem:$0x3FA3] =	sst s10  }
0x35: {  	s10 =	sld [smem:$0x3FA2];
	_ =	sdelay $0x3  }
0x36: {  	p1 =	seq.s32 s10, $0x1;
	s10 =	sld [smem:$0x3FA3];
	_ =	sdelay $0x3  }
0x37: {  	[smem:$0x3FA3] =	sst s10  }
0x38: {  	s10 =	sld [smem:$0x3FA4]  }
0x39: {  	_ = 	snop;
	(pc) =	sbr.ind lr, $3  }
0x3a: {  	_ = 	snop  }
0x3b: {  	_ = 	snop  }
0x3c: {  	p2 =	seq.s32 s10, $0x1;
	s10 =	sld [smem:$0x3FA3]  }
0x3d: {  	_ =	shalt  }
0x3e: {  	_ =	shalt  }
0x3f: {  	_ =	shalt  }
0x40: {  	_ =	shalt  }
0x41: {  	_ =	shalt  }
0x42: {  	_ =	shalt  }
0x43: {  	_ =	shalt  }
0x44: {  	_ =	shalt  }
0x45: {  	_ =	shalt  }
0x46: {  	_ =	shalt  }
0x47: {  	_ =	shalt  }
0x48: {  	_ =	shalt  }
0x49: {  	_ =	shalt  }
0x4a: {  	_ =	shalt  }
0x4b: {  	_ =	shalt  }
0x4c: {  	_ =	shalt  }
0x4d: {  	_ =	shalt  }
0x4e: {  	_ =	shalt  }
0x4f: {  	_ =	shalt  }
0x50: {  	_ =	shalt  }
0x51: {  	_ =	shalt  }
0x52: {  	_ =	shalt  }
0x53: {  	_ =	shalt  }
0x54: {  	_ =	shalt  }
0x55: {  	_ =	shalt  }
0x56: {  	_ =	shalt  }
0x57: {  	_ =	shalt  }
0x58: {  	_ =	shalt  }
0x59: {  	_ =	shalt  }
0x5a: {  	_ =	shalt  }
0x5b: {  	_ =	shalt  }
0x5c: {  	_ =	shalt  }
0x5d: {  	_ =	shalt  }
0x5e: {  	_ =	shalt  }
0x5f: {  	_ =	shalt  }
0x60: {  	_ =	shalt  }
0x61: {  	_ =	shalt  }
0x62: {  	_ =	shalt  }
0x63: {  	_ =	shalt  }
0x64: {  	_ =	shalt  }
0x65: {  	_ =	shalt  }
0x66: {  	_ =	shalt  }
0x67: {  	_ =	shalt  }
0x68: {  	_ =	shalt  }
0x69: {  	_ =	shalt  }
0x6a: {  	_ =	shalt  }
0x6b: {  	_ =	shalt  }
0x6c: {  	_ =	shalt  }
0x6d: {  	_ =	shalt  }
0x6e: {  	_ =	shalt  }
0x6f: {  	_ =	shalt  }
0x70: {  	_ =	shalt  }
0x71: {  	_ =	shalt  }
0x72: {  	_ =	shalt  }
0x73: {  	_ =	shalt  }
0x74: {  	_ =	shalt  }
0x75: {  	_ =	shalt  }
0x76: {  	_ =	shalt  }
0x77: {  	_ =	shalt  }
0x78: {  	_ =	shalt  }
0x79: {  	_ =	shalt  }
0x7a: {  	_ =	shalt  }
0x7b: {  	_ =	shalt  }
0x7c: {  	_ =	shalt  }
0x7d: {  	_ =	shalt  }
0x7e: {  	_ =	shalt  }
0x7f: {  	_ =	shalt  }
0x80: {  	_ =	shalt  }
0x81: {  	_ =	shalt  }
0x82: {  	_ =	shalt  }
0x83: {  	_ =	shalt  }
0x84: {  	_ =	shalt  }
0x85: {  	_ =	shalt  }
0x86: {  	_ =	shalt  }
0x87: {  	_ =	shalt  }
.Lfunc_end0:
.L_simem_size_0:
called_computation_lowered:
.L_overlay_start_0:
0x88: {  	s2 =	sld [smem:$0x3FD9]  }
0x89: {  	s3 =	sld [smem:$0x3FFE];
	_ =	sdelay $0x1  }
0x8a: {  	s1 =	srdreg.scid  }
0x8b: {  	s0 =	sand.u32 $0x1, s1  }
0x8c: {  	s17 =	sshll.u32 s0, $0xA;
	s2 =	sadd.s32 s3, s2  }
0x8d: {  	s2 =	sadd.s32 s2, s17  }
0x8e: {  	[smem:$0x3FAF] =	sst s2  }
0x8f: {  	_ = 	snop  }
0x90: {  	s2 =	sld [smem:$0x3FC4];
	(tm) =	ssettm $0x1  }
0x91: {  	s18 =	sld [smem:$0x3FFB];
	_ =	sdelay $0x3  }
0x92: {  	_ =	strace s18  }
0x93: {  	s3 =	sld [smem:$0x3FFC];
	_ =	sdelay $0x3  }
0x94: {  	_ =	strace s3  }
0x95: {  	s3 =	sld [smem:$0x3FFD];
	_ =	sdelay $0x3  }
0x96: {  	_ =	strace s3  }
0x97: {  	_ =	strace $0x8FFFFFFF  }
0x98: {  	s19 =	sld [smem:$0x3FDB];
	_ =	sdelay $0x1  }
0x99: {  	s4 =	simm.s32 $_scs_section_size  }
0x9a: {  	s5 =	simm.s32 $_size__tile_overlayer_lowered;
	s6 =	simm.s32 $_tile_overlayer_lowered  }
0x9b: {  	s22 =	simm.s32 $0x1BFF;
	s21 =	sshll.u32 s6, $0x1;
	s3 =	sadd.s32 s4, s19  }
0x9c: {  	s7 =	simm.s32 $0x0;
	s20 =	sshll.u32 s5, $0x1;
	s5 =	sadd.s32 s21, s3  }
0x9d: {  	[timem:s7], [sflag:s22] =	dma.local [hbm:s5], s20  }
0x9e: {  	_ =	swait.ge [sflag:s22], s20  }
0x9f: {  	s4 =	ssub.s32 $0x0, s20;
	[sflag:s22] =	ssyncset.done $0x0  }
0xa0: {  	[sflag:s22] =	ssyncadd.s32 s4;
	_ =	sdelay $0x1  }
0xa1: {  	s23 =	simm.s32 $0x1B8B  }
0xa2: {  	_ =	swait.ge [sflag:s23], $0x1  }
0xa3: {  	[sflag:s23] =	ssyncset.done $0x0  }
0xa4: {  	s25 =	simm.s32 $0x1B8E;
	s24 =	sld [smem:$0x3FFE];
	[sflag:s23] =	ssyncadd.s32 $0xFFFFFFFF  }
0xa5: {  	s26 =	simm.s32 $execute0_lowered;
	[smem:$0x3FD2] =	sst s25  }
0xa6: {  	s5 =	sshll.u32 s26, $0x1;
	_ =	strace $0x80000049;
	[dreg:$0x1] =	wrdreg $0xFFFFFFFF  }
0xa7: {  	s28 =	simm.s32 $_size_execute0_lowered;
	s3 =	sadd.s32 s3, s5;
	[dreg:$0x0] =	wrdreg $0x0  }
0xa8: {  	s5 =	sshll.u32 s28, $0x1;
	[dreg:$0x2] =	wrdreg s3  }
0xa9: {  	[dreg:$0x3] =	wrdreg s5  }
0xaa: {  	[dreg:$0x4] =	wrdreg $0xC0  }
0xab: {  	_ =	task [dreg:s7], $0x5FFFF  }
0xac: {  	[dreg:$0x1] =	wrdreg $0xFFFFFFFF  }
0xad: {  	[dreg:$0x0] =	wrdreg $0x60  }
0xae: {  	[dreg:$0x2] =	wrdreg s2  }
0xaf: {  	[dreg:$0x3] =	wrdreg s24  }
0xb0: {  	[dreg:$0x4] =	wrdreg $0x9  }
0xb1: {  	_ =	task.clear_ibuf [dreg:s7], $0x5FFFF;
	_ =	strace $0x90000049  }
0xb2: {  	s29 =	simm.s32 $0x9;
	_ =	strace $0x8000004B  }
0xb3: {  	_ =	swait.ge [sflag:s29], $0x1  }
0xb4: {  	[sflag:s29] =	ssyncadd.s32 $0xFFFFFFFF  }
0xb5: {  	_ =	strace $0x9000004B  }
0xb6: {  	_ =	sfence  }
0xb7: {  	s30 =	sld [smem:$0x0];
	_ =	sdelay $0x2  }
0xb8: {  	s31 =	sshll.u32 s1, $0xD;
	s1 =	sshrl.u32 s1, $0x2  }
0xb9: {  	s3 =	sand.u32 $0x4000, s31;
	s1 =	sadd.s32 s1, s30  }
0xba: {  	s0 =	sor.u32 s3, s0;
	s1 =	sshll.u32 s1, $0x11  }
0xbb: {  	s0 =	sor.u32 s1, s0  }
0xbc: {  	s0 =	sadd.s32 $0x8F2B, s0  }
0xbd: {  	[sflag:s0] =	ssyncadd.remote.s32 $0x1  }
0xbe: {  	_ =	sfence.sel $0xFFFF  }
0xbf: {  	[dreg:$0x0] =	wrdreg $0xFFFFFFFF;
	(pc) =	sbr.abs _section_cstart, $3  }
0xc0: {  	[dreg:$0x1] =	wrdreg $0xFFFFFFFF  }
0xc1: {  	_ =	task.clear_ibuf [dreg:s7], $0x2FFFF;
	_ =	strace $0x9FFFFFFF  }
0xc2: {  	(tm) =	ssettm $0x7FFFFFFF  }
0xc3: {  	_ =	shalt  }
tec
execute0_lowered:
.L_overlay_start_1:
0x0: {  	(tag) =	ssettag $0x1  }
0x1: {  	s1 =	srdreg.scid  }
0x2: {  	s2 =	rddreg [dreg:$0x0];
	s0 =	stileid.u32  }
0x3: {  	s11 =	rddreg [dreg:$0x1];
	s5 =	simm.s32 $0x2;
	s1 =	sshll.u32 s1, $0x8  }
0x4: {  	s9 =	simm.s32 $0x3;
	s3 =	sshll.u32 s0, $0x9;
	s4 =	sand.u32 $0x100, s1  }
0x5: {  	s13 =	simm.s32 $0x0;
	s15 =	simm.s32 $0x0;
	s3 =	sor.u32 s3, s4  }
0x6: {  	s14 =	simm.s32 $0x0;
	s1 =	rddreg [dreg:$0x2];
	s4 =	sshrl.u32 s3, $0x3  }
0x7: {  	_ =	strace $0x8000004A;
	s6 =	ssub.s32 $0x2000, s3;
	s8 =	sadd.s32 s4, s11  }
0x8: {  	s4 =	simm.s32 $0x1;
	s7 =	sand.u32 $0x1F00, s6;
	s10 =	sshrl.u32 s6, $0xD  }
.Ltmp0:
0x9: {  	s6 =	sadd.s32 $0x85600, s11;
	[sflag:s4] =	ssyncpa.u1 $0x0;
	(pc) =	sbr.rel .LBB2_1-.Ltmp0, $4  }
0xa: {  	p0 =	sne.s32 s7, $0x0;
	s7 =	simm.s32 $0x1;
	s8 =	sadd.s32 $0x84E00, s8  }
0xb: {  	[sflag:s5] =	ssyncpa.u1 $0x0;
	s7 =	simm.s32 @!p0 $0x0;
	p0 =	por $0x0, $0x0  }
0xc: {  	[sflag:s9] =	ssyncpa.u1 $0x0;
	s7 =	sadd.s32 s7, s10;
	s9 =	sadd.s32 $0x87600, s11  }
0xd: {  	vm0 =	vmmov $0xffff;
	s10 =	sadd.s32 $0x89600, s11;
	s11 =	sadd.s32 $0x8B600, s11;
	s12 =	sadd.s32 $0x1, s7  }
.LBB2_4:
0xe: {  	_ =	sdelay $0x3  }
0xf: {  	[tilespmem:s21], [sflag:$0x1] =	stream.indirect_vreg.gather [hbm4b:s2+s13], $0x1, v0, vm0, $0x4038;
	[tilespmem:$0x4200] =	vst v63  }
0x10: {  	s18 =	sshll.u32 s15, $0x3  }
0x11: {  	s24 =	sand.u32 $0x78, s15;
	s18 =	sand.u32 $0x7FFFFC00, s18  }
0x12: {  	_ =	swait.ge [sflag:s4], $0x2000;
	s15 =	sor.u32 s24, s18  }
0x13: {  	[sflag:s4] =	ssyncset.done $0x0;
	s15 =	sshrl.u32 s15, $0x3  }
0x14: {  	[sflag:s4] =	ssyncadd.s32 $0xFFFFE000;
	s25 =	sadd.s32 s6, s15  }
0x15: {  	[hbm:s25] =	stream.linear.scatter [tilespmem:s17], [sflag:$0x3], $0x800, $0x38;
	[tilespmem:$0x4200] =	vst v63  }
0x16: {  	s26 =	sadd.s32 $0xA00, s16;
	s28 =	sadd.s32 s15, s9  }
0x17: {  	[hbm:s28] =	stream.linear.scatter [tilespmem:s26], [sflag:$0x3], $0x800, $0x38;
	[tilespmem:$0x4200] =	vst v63  }
0x18: {  	s29 =	sadd.s32 $0x1200, s16;
	s30 =	sadd.s32 s15, s10  }
0x19: {  	[hbm:s30] =	stream.linear.scatter [tilespmem:s29], [sflag:$0x3], $0x800, $0x38;
	[tilespmem:$0x4200] =	vst v63  }
0x1a: {  	s31 =	sadd.s32 $0x1A00, s16;
	s15 =	sadd.s32 s15, s11  }
0x1b: {  	[hbm:s15] =	stream.linear.scatter [tilespmem:s31], [sflag:$0x3], $0x800, $0x38;
	[tilespmem:$0x4200] =	vst v63  }
.LBB2_5:
0x1c: {  	p2 =	sne.s32 s14, s12  }
.Ltmp1:
0x1d: {  	p1 =	slt.u32 s14, $0x2;
	(pc) =	sbr.rel @!p2 .LBB2_6-.Ltmp1, $4  }
0x1e: {  	s15 =	simm.s32 @!p1 $0x3  }
0x1f: {  	_ =	swait.ge @!p1 [sflag:s15], $0x2000  }
0x20: {  	s16 =	sadd.s32 $0x1, s14;
	p0 =	por !p0, !p0;
	[sflag:s15] =	ssyncset.done @!p1 $0x0  }
0x21: {  	s14 =	smov.u32 s16;
	[sflag:s15] =	ssyncadd.s32 @!p1 $0xFFFFE000;
	s15 =	smov.u32 s3  }
.LBB2_1:
0x22: {  	p1 =	sge.u32 s14, s7  }
0x23: {  	s16 =	sxor.u32 @!p1 $0xFFFFFFFF, s14  }
0x24: {  	s16 =	sshll.u32 @!p1 s16, $0x8  }
0x25: {  	s31 =	sadd.s32 $0xFFFFFFFF, s14;
	s17 =	simm.s32 @!p1 $0x0;
	s16 =	sand.u32 @!p1 $0x100, s16  }
0x26: {  	[tilespmem:s16], [sflag:$0x2] =	stream.linear.gather @!p1 [hbm4b:s8+s17], $0x100, $0x38;
	[tilespmem:$0x4200] =	vst v63  }
0x27: {  	p1 =	sge.u32 s31, s7  }
.Ltmp2:
0x28: {  	_ = 	snop;
	(pc) =	sbr.rel @p1 .LBB2_5-.Ltmp2, $1  }
0x29: {  	_ =	sdelay $0x3  }
0x2a: {  	s16 =	simm.s32 $0x1;
	_ =	swait.ge [sflag:s5], $0x100  }
0x2b: {  	s16 =	simm.s32 @!p0 $0x0;
	[sflag:s5] =	ssyncset.done $0x0  }
0x2c: {  	s19 =	sshll.u32 s16, $0x8;
	[sflag:s5] =	ssyncadd.s32 $0xFFFFFF00  }
0x2d: {  	v0 =	vld.msk [tilespmem:s19+$0x0 ss:$0x1], $0xffff;
	_ =	sdelay $0x4  }
0x2e: {  	vm1 =	vgt.s32 v0, $0x0  }
0x2f: {  	v0 =	vnsel vm1, $0x0, v0  }
0x30: {  	v0 =	vmin.u32 v0, $0xF423F  }
0x31: {  	v1 =	vshll.u32 v0, $0x3  }
0x32: {  	v0 =	vand.u32 $0x7F, v0;
	v1 =	vand.u32 $0x7FFC00, v1  }
0x33: {  	s22 =	sshll.u32 s14, $0xD;
	v0 =	vor.u32 v0, v1  }
0x34: {  	s18 =	simm.s32 $0x0;
	s16 =	sand.u32 $0x2000, s22  }
0x35: {  	s20 =	sand.u32 $0x400, s18;
	s17 =	sor.u32 $0x200, s16  }
0x36: {  	s21 =	sand.u32 $0x70, s18;
	(ifvalue) =	ssetifvalue $0x7FFFFFFF;
	s20 =	sadd.s32 s20, s17;
	v1 =	vor.u32 $0x80, v0  }
0x37: {  	(ifvalue) =	ssetifvalue $0x7FFFFFFF;
	s20 =	sadd.s32 s21, s20  }
0x38: {  	[tilespmem:s20], [sflag:$0x1] =	stream.indirect_vreg.gather [hbm4b:s2+s13], $0x1, v0, vm0, $0x4038;
	[tilespmem:$0x4200] =	vst v63  }
0x39: {  	v2 =	vor.u32 $0x100, v0;
	(ifvalue) =	ssetifvalue $0x7FFFFFFF  }
0x3a: {  	s21 =	sadd.s32 $0x80, s20;
	(ifvalue) =	ssetifvalue $0x7FFFFFFF  }
0x3b: {  	[tilespmem:s21], [sflag:$0x1] =	stream.indirect_vreg.gather [hbm4b:s2+s13], $0x1, v1, vm0, $0x4038;
	[tilespmem:$0x4200] =	vst v63  }
0x3c: {  	v1 =	vor.u32 $0x180, v0;
	(ifvalue) =	ssetifvalue $0x7FFFFFFF  }
0x3d: {  	s23 =	sadd.s32 $0x100, s20;
	(ifvalue) =	ssetifvalue $0x7FFFFFFF  }
0x3e: {  	[tilespmem:s23], [sflag:$0x1] =	stream.indirect_vreg.gather [hbm4b:s2+s13], $0x1, v2, vm0, $0x4038;
	[tilespmem:$0x4200] =	vst v63  }
0x3f: {  	v2 =	vor.u32 $0x200, v0;
	(ifvalue) =	ssetifvalue $0x7FFFFFFF  }
0x40: {  	s24 =	sadd.s32 $0x180, s20;
	(ifvalue) =	ssetifvalue $0x7FFFFFFF  }
0x41: {  	[tilespmem:s24], [sflag:$0x1] =	stream.indirect_vreg.gather [hbm4b:s2+s13], $0x1, v1, vm0, $0x4038;
	[tilespmem:$0x4200] =	vst v63  }
0x42: {  	(ifvalue) =	ssetifvalue $0x7FFFFFFF;
	v1 =	vor.u32 $0x280, v0  }
0x43: {  	s25 =	sadd.s32 $0x200, s20;
	(ifvalue) =	ssetifvalue $0x7FFFFFFF  }
0x44: {  	[tilespmem:s25], [sflag:$0x1] =	stream.indirect_vreg.gather [hbm4b:s2+s13], $0x1, v2, vm0, $0x4038;
	[tilespmem:$0x4200] =	vst v63  }
0x45: {  	(ifvalue) =	ssetifvalue $0x7FFFFFFF;
	v2 =	vor.u32 $0x300, v0  }
0x46: {  	s26 =	sadd.s32 $0x280, s20;
	(ifvalue) =	ssetifvalue $0x7FFFFFFF  }
0x47: {  	[tilespmem:s26], [sflag:$0x1] =	stream.indirect_vreg.gather [hbm4b:s2+s13], $0x1, v1, vm0, $0x4038;
	[tilespmem:$0x4200] =	vst v63  }
0x48: {  	(ifvalue) =	ssetifvalue $0x7FFFFFFF;
	v1 =	vor.u32 $0x380, v0  }
0x49: {  	s18 =	sor.u32 s18, s18;
	s28 =	sadd.s32 $0x300, s20;
	(ifvalue) =	ssetifvalue $0x7FFFFFFF  }
0x4a: {  	[tilespmem:s28], [sflag:$0x1] =	stream.indirect_vreg.gather [hbm4b:s2+s13], $0x1, v2, vm0, $0x4038;
	[tilespmem:$0x4200] =	vst v63  }
0x4b: {  	s18 =	sor.u32 $0x380, s18;
	(ifvalue) =	ssetifvalue $0x7FFFFFFF;
	v2 =	vadd.s32 $0x7A1400, v0  }
0x4c: {  	s18 =	sadd.s32 s18, s17;
	(ifvalue) =	ssetifvalue $0x7FFFFFFF  }
0x4d: {  	[tilespmem:s18], [sflag:$0x1] =	stream.indirect_vreg.gather [hbm4b:s2+s13], $0x1, v1, vm0, $0x4038;
	[tilespmem:$0x4200] =	vst v63  }
0x4e: {  	(ifvalue) =	ssetifvalue $0x7FFFFFFF;
	v1 =	vadd.s32 $0x7A1480, v0  }
0x4f: {  	s29 =	sadd.s32 $0x800, s20;
	(ifvalue) =	ssetifvalue $0x7FFFFFFF  }
0x50: {  	[tilespmem:s29], [sflag:$0x1] =	stream.indirect_vreg.gather [hbm4b:s2+s13], $0x1, v2, vm0, $0x4038;
	[tilespmem:$0x4200] =	vst v63  }
0x51: {  	(ifvalue) =	ssetifvalue $0x7FFFFFFF;
	v2 =	vadd.s32 $0x7A1500, v0  }
0x52: {  	s30 =	sadd.s32 $0x880, s20;
	(ifvalue) =	ssetifvalue $0x7FFFFFFF  }
0x53: {  	[tilespmem:s30], [sflag:$0x1] =	stream.indirect_vreg.gather [hbm4b:s2+s13], $0x1, v1, vm0, $0x4038;
	[tilespmem:$0x4200] =	vst v63  }
0x54: {  	(ifvalue) =	ssetifvalue $0x7FFFFFFF;
	v1 =	vadd.s32 $0x7A1580, v0  }
0x55: {  	s31 =	sadd.s32 $0x900, s20;
	(ifvalue) =	ssetifvalue $0x7FFFFFFF  }
0x56: {  	[tilespmem:s31], [sflag:$0x1] =	stream.indirect_vreg.gather [hbm4b:s2+s13], $0x1, v2, vm0, $0x4038;
	[tilespmem:$0x4200] =	vst v63  }
0x57: {  	(ifvalue) =	ssetifvalue $0x7FFFFFFF;
	v2 =	vadd.s32 $0x7A1600, v0  }
0x58: {  	s21 =	sadd.s32 $0x980, s20;
	(ifvalue) =	ssetifvalue $0x7FFFFFFF  }
0x59: {  	[tilespmem:s21], [sflag:$0x1] =	stream.indirect_vreg.gather [hbm4b:s2+s13], $0x1, v1, vm0, $0x4038;
	[tilespmem:$0x4200] =	vst v63  }
0x5a: {  	(ifvalue) =	ssetifvalue $0x7FFFFFFF;
	v1 =	vadd.s32 $0x7A1680, v0  }
0x5b: {  	s22 =	sadd.s32 $0xA00, s20;
	(ifvalue) =	ssetifvalue $0x7FFFFFFF  }
0x5c: {  	[tilespmem:s22], [sflag:$0x1] =	stream.indirect_vreg.gather [hbm4b:s2+s13], $0x1, v2, vm0, $0x4038;
	[tilespmem:$0x4200] =	vst v63  }
0x5d: {  	(ifvalue) =	ssetifvalue $0x7FFFFFFF;
	v2 =	vadd.s32 $0x7A1700, v0  }
0x5e: {  	s23 =	sadd.s32 $0xA80, s20;
	(ifvalue) =	ssetifvalue $0x7FFFFFFF  }
0x5f: {  	[tilespmem:s23], [sflag:$0x1] =	stream.indirect_vreg.gather [hbm4b:s2+s13], $0x1, v1, vm0, $0x4038;
	[tilespmem:$0x4200] =	vst v63  }
0x60: {  	(ifvalue) =	ssetifvalue $0x7FFFFFFF;
	v1 =	vadd.s32 $0x7A1780, v0  }
0x61: {  	s24 =	sadd.s32 $0xB00, s20;
	(ifvalue) =	ssetifvalue $0x7FFFFFFF  }
0x62: {  	[tilespmem:s24], [sflag:$0x1] =	stream.indirect_vreg.gather [hbm4b:s2+s13], $0x1, v2, vm0, $0x4038;
	[tilespmem:$0x4200] =	vst v63  }
0x63: {  	(ifvalue) =	ssetifvalue $0x7FFFFFFF;
	v2 =	vadd.s32 $0xF42800, v0  }
0x64: {  	s25 =	sadd.s32 $0xB80, s20;
	(ifvalue) =	ssetifvalue $0x7FFFFFFF  }
0x65: {  	[tilespmem:s25], [sflag:$0x1] =	stream.indirect_vreg.gather [hbm4b:s2+s13], $0x1, v1, vm0, $0x4038;
	[tilespmem:$0x4200] =	vst v63  }
0x66: {  	(ifvalue) =	ssetifvalue $0x7FFFFFFF;
	v1 =	vadd.s32 $0xF42880, v0  }
0x67: {  	s26 =	sadd.s32 $0x1000, s20;
	(ifvalue) =	ssetifvalue $0x7FFFFFFF  }
0x68: {  	[tilespmem:s26], [sflag:$0x1] =	stream.indirect_vreg.gather [hbm4b:s2+s13], $0x1, v2, vm0, $0x4038;
	[tilespmem:$0x4200] =	vst v63  }
0x69: {  	(ifvalue) =	ssetifvalue $0x7FFFFFFF;
	v2 =	vadd.s32 $0xF42900, v0  }
0x6a: {  	s28 =	sadd.s32 $0x1080, s20;
	(ifvalue) =	ssetifvalue $0x7FFFFFFF  }
0x6b: {  	[tilespmem:s28], [sflag:$0x1] =	stream.indirect_vreg.gather [hbm4b:s2+s13], $0x1, v1, vm0, $0x4038;
	[tilespmem:$0x4200] =	vst v63  }
0x6c: {  	(ifvalue) =	ssetifvalue $0x7FFFFFFF;
	v1 =	vadd.s32 $0xF42980, v0  }
0x6d: {  	s29 =	sadd.s32 $0x1100, s20;
	(ifvalue) =	ssetifvalue $0x7FFFFFFF  }
0x6e: {  	[tilespmem:s29], [sflag:$0x1] =	stream.indirect_vreg.gather [hbm4b:s2+s13], $0x1, v2, vm0, $0x4038;
	[tilespmem:$0x4200] =	vst v63  }
0x6f: {  	(ifvalue) =	ssetifvalue $0x7FFFFFFF;
	v2 =	vadd.s32 $0xF42A00, v0  }
0x70: {  	s30 =	sadd.s32 $0x1180, s20;
	(ifvalue) =	ssetifvalue $0x7FFFFFFF  }
0x71: {  	[tilespmem:s30], [sflag:$0x1] =	stream.indirect_vreg.gather [hbm4b:s2+s13], $0x1, v1, vm0, $0x4038;
	[tilespmem:$0x4200] =	vst v63  }
0x72: {  	(ifvalue) =	ssetifvalue $0x7FFFFFFF;
	v1 =	vadd.s32 $0xF42A80, v0  }
0x73: {  	s31 =	sadd.s32 $0x1200, s20;
	(ifvalue) =	ssetifvalue $0x7FFFFFFF  }
0x74: {  	[tilespmem:s31], [sflag:$0x1] =	stream.indirect_vreg.gather [hbm4b:s2+s13], $0x1, v2, vm0, $0x4038;
	[tilespmem:$0x4200] =	vst v63  }
0x75: {  	(ifvalue) =	ssetifvalue $0x7FFFFFFF;
	v2 =	vadd.s32 $0xF42B00, v0  }
0x76: {  	s21 =	sadd.s32 $0x1280, s20;
	(ifvalue) =	ssetifvalue $0x7FFFFFFF  }
0x77: {  	[tilespmem:s21], [sflag:$0x1] =	stream.indirect_vreg.gather [hbm4b:s2+s13], $0x1, v1, vm0, $0x4038;
	[tilespmem:$0x4200] =	vst v63  }
0x78: {  	(ifvalue) =	ssetifvalue $0x7FFFFFFF;
	v1 =	vadd.s32 $0xF42B80, v0  }
0x79: {  	s22 =	sadd.s32 $0x1300, s20;
	(ifvalue) =	ssetifvalue $0x7FFFFFFF  }
0x7a: {  	[tilespmem:s22], [sflag:$0x1] =	stream.indirect_vreg.gather [hbm4b:s2+s13], $0x1, v2, vm0, $0x4038;
	[tilespmem:$0x4200] =	vst v63  }
0x7b: {  	(ifvalue) =	ssetifvalue $0x7FFFFFFF;
	v2 =	vadd.s32 $0x16E3C00, v0  }
0x7c: {  	s23 =	sadd.s32 $0x1380, s20;
	(ifvalue) =	ssetifvalue $0x7FFFFFFF  }
0x7d: {  	[tilespmem:s23], [sflag:$0x1] =	stream.indirect_vreg.gather [hbm4b:s2+s13], $0x1, v1, vm0, $0x4038;
	[tilespmem:$0x4200] =	vst v63  }
0x7e: {  	(ifvalue) =	ssetifvalue $0x7FFFFFFF;
	v1 =	vadd.s32 $0x16E3C80, v0  }
0x7f: {  	s24 =	sadd.s32 $0x1800, s20;
	(ifvalue) =	ssetifvalue $0x7FFFFFFF  }
0x80: {  	[tilespmem:s24], [sflag:$0x1] =	stream.indirect_vreg.gather [hbm4b:s2+s13], $0x1, v2, vm0, $0x4038;
	[tilespmem:$0x4200] =	vst v63  }
0x81: {  	(ifvalue) =	ssetifvalue $0x7FFFFFFF;
	v2 =	vadd.s32 $0x16E3D00, v0  }
0x82: {  	s25 =	sadd.s32 $0x1880, s20;
	(ifvalue) =	ssetifvalue $0x7FFFFFFF  }
0x83: {  	[tilespmem:s25], [sflag:$0x1] =	stream.indirect_vreg.gather [hbm4b:s2+s13], $0x1, v1, vm0, $0x4038;
	[tilespmem:$0x4200] =	vst v63  }
0x84: {  	(ifvalue) =	ssetifvalue $0x7FFFFFFF;
	v1 =	vadd.s32 $0x16E3D80, v0  }
0x85: {  	s26 =	sadd.s32 $0x1900, s20;
	(ifvalue) =	ssetifvalue $0x7FFFFFFF  }
0x86: {  	[tilespmem:s26], [sflag:$0x1] =	stream.indirect_vreg.gather [hbm4b:s2+s13], $0x1, v2, vm0, $0x4038;
	[tilespmem:$0x4200] =	vst v63  }
0x87: {  	(ifvalue) =	ssetifvalue $0x7FFFFFFF;
	v2 =	vadd.s32 $0x16E3E00, v0  }
0x88: {  	s28 =	sadd.s32 $0x1980, s20;
	(ifvalue) =	ssetifvalue $0x7FFFFFFF  }
0x89: {  	[tilespmem:s28], [sflag:$0x1] =	stream.indirect_vreg.gather [hbm4b:s2+s13], $0x1, v1, vm0, $0x4038;
	[tilespmem:$0x4200] =	vst v63  }
0x8a: {  	(ifvalue) =	ssetifvalue $0x7FFFFFFF;
	v1 =	vadd.s32 $0x16E3E80, v0  }
0x8b: {  	s29 =	sadd.s32 $0x1A00, s20;
	(ifvalue) =	ssetifvalue $0x7FFFFFFF  }
0x8c: {  	[tilespmem:s29], [sflag:$0x1] =	stream.indirect_vreg.gather [hbm4b:s2+s13], $0x1, v2, vm0, $0x4038;
	[tilespmem:$0x4200] =	vst v63  }
0x8d: {  	(ifvalue) =	ssetifvalue $0x7FFFFFFF;
	v2 =	vadd.s32 $0x16E3F00, v0  }
0x8e: {  	s30 =	sadd.s32 $0x1A80, s20;
	(ifvalue) =	ssetifvalue $0x7FFFFFFF  }
0x8f: {  	[tilespmem:s30], [sflag:$0x1] =	stream.indirect_vreg.gather [hbm4b:s2+s13], $0x1, v1, vm0, $0x4038;
	[tilespmem:$0x4200] =	vst v63  }
0x90: {  	v0 =	vadd.s32 $0x16E3F80, v0;
	(ifvalue) =	ssetifvalue $0x7FFFFFFF  }
0x91: {  	s31 =	sadd.s32 $0x1B00, s20;
	(ifvalue) =	ssetifvalue $0x7FFFFFFF  }
0x92: {  	[tilespmem:s31], [sflag:$0x1] =	stream.indirect_vreg.gather [hbm4b:s2+s13], $0x1, v2, vm0, $0x4038;
	[tilespmem:$0x4200] =	vst v63  }
0x93: {  	s19 =	sadd.s32 $0x10, s19;
	s18 =	simm.s32 $0x10;
	(ifvalue) =	ssetifvalue $0x7FFFFFFF  }
0x94: {  	s21 =	sadd.s32 $0x1B80, s20;
	s20 =	simm.s32 $0x80;
	(ifvalue) =	ssetifvalue $0x7FFFFFFF  }
.LBB2_3:
0x95: {  	[tilespmem:s21], [sflag:$0x1] =	stream.indirect_vreg.gather [hbm4b:s2+s13], $0x1, v0, vm0, $0x4038;
	[tilespmem:$0x4200] =	vst v63  }
0x96: {  	p1 =	sne.s32 s18, $0xF0;
	s22 =	smov.u32 s18;
	s18 =	sadd.s32 $0x10, s18;
	v0 =	vld.msk [tilespmem:s19+$0x0 ss:$0x1], $0xffff  }
0x97: {  	(ifvalue) =	ssetifvalue $0x7FFFFFFF;
	_ =	sdelay $0x4  }
0x98: {  	vm1 =	vgt.s32 v0, $0x0  }
0x99: {  	v0 =	vnsel vm1, $0x0, v0  }
0x9a: {  	v0 =	vmin.u32 v0, $0xF423F  }
0x9b: {  	v1 =	vshll.u32 v0, $0x3  }
0x9c: {  	v0 =	vand.u32 $0x7F, v0;
	v1 =	vand.u32 $0x7FFC00, v1  }
0x9d: {  	v0 =	vor.u32 v0, v1;
	_ =	sdelay $0x1  }
0x9e: {  	s21 =	sand.u32 $0x400, s20  }
0x9f: {  	s23 =	sand.u32 $0x70, s22;
	s21 =	sadd.s32 s21, s17;
	v1 =	vor.u32 $0x80, v0  }
0xa0: {  	s21 =	sadd.s32 s23, s21;
	(ifvalue) =	ssetifvalue $0x7FFFFFFF  }
0xa1: {  	[tilespmem:s21], [sflag:$0x1] =	stream.indirect_vreg.gather [hbm4b:s2+s13], $0x1, v0, vm0, $0x4038;
	[tilespmem:$0x4200] =	vst v63  }
0xa2: {  	v2 =	vor.u32 $0x100, v0;
	(ifvalue) =	ssetifvalue $0x7FFFFFFF  }
0xa3: {  	s23 =	sadd.s32 $0x80, s21;
	(ifvalue) =	ssetifvalue $0x7FFFFFFF  }
0xa4: {  	[tilespmem:s23], [sflag:$0x1] =	stream.indirect_vreg.gather [hbm4b:s2+s13], $0x1, v1, vm0, $0x4038;
	[tilespmem:$0x4200] =	vst v63  }
0xa5: {  	v1 =	vor.u32 $0x180, v0;
	(ifvalue) =	ssetifvalue $0x7FFFFFFF  }
0xa6: {  	s23 =	sadd.s32 $0x100, s21;
	(ifvalue) =	ssetifvalue $0x7FFFFFFF  }
0xa7: {  	[tilespmem:s23], [sflag:$0x1] =	stream.indirect_vreg.gather [hbm4b:s2+s13], $0x1, v2, vm0, $0x4038;
	[tilespmem:$0x4200] =	vst v63  }
0xa8: {  	v2 =	vor.u32 $0x200, v0;
	(ifvalue) =	ssetifvalue $0x7FFFFFFF  }
0xa9: {  	s23 =	sadd.s32 $0x180, s21;
	(ifvalue) =	ssetifvalue $0x7FFFFFFF  }
0xaa: {  	[tilespmem:s23], [sflag:$0x1] =	stream.indirect_vreg.gather [hbm4b:s2+s13], $0x1, v1, vm0, $0x4038;
	[tilespmem:$0x4200] =	vst v63  }
0xab: {  	v1 =	vor.u32 $0x280, v0;
	(ifvalue) =	ssetifvalue $0x7FFFFFFF  }
0xac: {  	s23 =	sadd.s32 $0x200, s21;
	(ifvalue) =	ssetifvalue $0x7FFFFFFF  }
0xad: {  	[tilespmem:s23], [sflag:$0x1] =	stream.indirect_vreg.gather [hbm4b:s2+s13], $0x1, v2, vm0, $0x4038;
	[tilespmem:$0x4200] =	vst v63  }
0xae: {  	v2 =	vor.u32 $0x300, v0;
	(ifvalue) =	ssetifvalue $0x7FFFFFFF  }
0xaf: {  	s23 =	sadd.s32 $0x280, s21;
	(ifvalue) =	ssetifvalue $0x7FFFFFFF  }
0xb0: {  	[tilespmem:s23], [sflag:$0x1] =	stream.indirect_vreg.gather [hbm4b:s2+s13], $0x1, v1, vm0, $0x4038;
	[tilespmem:$0x4200] =	vst v63  }
0xb1: {  	v1 =	vor.u32 $0x380, v0;
	(ifvalue) =	ssetifvalue $0x7FFFFFFF  }
0xb2: {  	s22 =	sor.u32 s20, s22;
	s23 =	sadd.s32 $0x300, s21;
	(ifvalue) =	ssetifvalue $0x7FFFFFFF  }
0xb3: {  	[tilespmem:s23], [sflag:$0x1] =	stream.indirect_vreg.gather [hbm4b:s2+s13], $0x1, v2, vm0, $0x4038;
	[tilespmem:$0x4200] =	vst v63  }
0xb4: {  	s22 =	sor.u32 $0x380, s22;
	v2 =	vadd.s32 $0x7A1400, v0;
	(ifvalue) =	ssetifvalue $0x7FFFFFFF  }
0xb5: {  	s22 =	sadd.s32 s22, s17;
	(ifvalue) =	ssetifvalue $0x7FFFFFFF  }
0xb6: {  	[tilespmem:s22], [sflag:$0x1] =	stream.indirect_vreg.gather [hbm4b:s2+s13], $0x1, v1, vm0, $0x4038;
	[tilespmem:$0x4200] =	vst v63  }
0xb7: {  	v1 =	vadd.s32 $0x7A1480, v0;
	(ifvalue) =	ssetifvalue $0x7FFFFFFF  }
0xb8: {  	s22 =	sadd.s32 $0x800, s21;
	(ifvalue) =	ssetifvalue $0x7FFFFFFF  }
0xb9: {  	[tilespmem:s22], [sflag:$0x1] =	stream.indirect_vreg.gather [hbm4b:s2+s13], $0x1, v2, vm0, $0x4038;
	[tilespmem:$0x4200] =	vst v63  }
0xba: {  	v2 =	vadd.s32 $0x7A1500, v0;
	(ifvalue) =	ssetifvalue $0x7FFFFFFF  }
0xbb: {  	s22 =	sadd.s32 $0x880, s21;
	(ifvalue) =	ssetifvalue $0x7FFFFFFF  }
0xbc: {  	[tilespmem:s22], [sflag:$0x1] =	stream.indirect_vreg.gather [hbm4b:s2+s13], $0x1, v1, vm0, $0x4038;
	[tilespmem:$0x4200] =	vst v63  }
0xbd: {  	v1 =	vadd.s32 $0x7A1580, v0;
	(ifvalue) =	ssetifvalue $0x7FFFFFFF  }
0xbe: {  	s22 =	sadd.s32 $0x900, s21;
	(ifvalue) =	ssetifvalue $0x7FFFFFFF  }
0xbf: {  	[tilespmem:s22], [sflag:$0x1] =	stream.indirect_vreg.gather [hbm4b:s2+s13], $0x1, v2, vm0, $0x4038;
	[tilespmem:$0x4200] =	vst v63  }
0xc0: {  	v2 =	vadd.s32 $0x7A1600, v0;
	(ifvalue) =	ssetifvalue $0x7FFFFFFF  }
0xc1: {  	s22 =	sadd.s32 $0x980, s21;
	(ifvalue) =	ssetifvalue $0x7FFFFFFF  }
0xc2: {  	[tilespmem:s22], [sflag:$0x1] =	stream.indirect_vreg.gather [hbm4b:s2+s13], $0x1, v1, vm0, $0x4038;
	[tilespmem:$0x4200] =	vst v63  }
0xc3: {  	v1 =	vadd.s32 $0x7A1680, v0;
	(ifvalue) =	ssetifvalue $0x7FFFFFFF  }
0xc4: {  	s22 =	sadd.s32 $0xA00, s21;
	(ifvalue) =	ssetifvalue $0x7FFFFFFF  }
0xc5: {  	[tilespmem:s22], [sflag:$0x1] =	stream.indirect_vreg.gather [hbm4b:s2+s13], $0x1, v2, vm0, $0x4038;
	[tilespmem:$0x4200] =	vst v63  }
0xc6: {  	v2 =	vadd.s32 $0x7A1700, v0;
	(ifvalue) =	ssetifvalue $0x7FFFFFFF  }
0xc7: {  	s22 =	sadd.s32 $0xA80, s21;
	(ifvalue) =	ssetifvalue $0x7FFFFFFF  }
0xc8: {  	[tilespmem:s22], [sflag:$0x1] =	stream.indirect_vreg.gather [hbm4b:s2+s13], $0x1, v1, vm0, $0x4038;
	[tilespmem:$0x4200] =	vst v63  }
0xc9: {  	v1 =	vadd.s32 $0x7A1780, v0;
	(ifvalue) =	ssetifvalue $0x7FFFFFFF  }
0xca: {  	s22 =	sadd.s32 $0xB00, s21;
	(ifvalue) =	ssetifvalue $0x7FFFFFFF  }
0xcb: {  	[tilespmem:s22], [sflag:$0x1] =	stream.indirect_vreg.gather [hbm4b:s2+s13], $0x1, v2, vm0, $0x4038;
	[tilespmem:$0x4200] =	vst v63  }
0xcc: {  	v2 =	vadd.s32 $0xF42800, v0;
	(ifvalue) =	ssetifvalue $0x7FFFFFFF  }
0xcd: {  	s22 =	sadd.s32 $0xB80, s21;
	(ifvalue) =	ssetifvalue $0x7FFFFFFF  }
0xce: {  	[tilespmem:s22], [sflag:$0x1] =	stream.indirect_vreg.gather [hbm4b:s2+s13], $0x1, v1, vm0, $0x4038;
	[tilespmem:$0x4200] =	vst v63  }
0xcf: {  	v1 =	vadd.s32 $0xF42880, v0;
	(ifvalue) =	ssetifvalue $0x7FFFFFFF  }
0xd0: {  	s22 =	sadd.s32 $0x1000, s21;
	(ifvalue) =	ssetifvalue $0x7FFFFFFF  }
0xd1: {  	[tilespmem:s22], [sflag:$0x1] =	stream.indirect_vreg.gather [hbm4b:s2+s13], $0x1, v2, vm0, $0x4038;
	[tilespmem:$0x4200] =	vst v63  }
0xd2: {  	v2 =	vadd.s32 $0xF42900, v0;
	(ifvalue) =	ssetifvalue $0x7FFFFFFF  }
0xd3: {  	s22 =	sadd.s32 $0x1080, s21;
	(ifvalue) =	ssetifvalue $0x7FFFFFFF  }
0xd4: {  	[tilespmem:s22], [sflag:$0x1] =	stream.indirect_vreg.gather [hbm4b:s2+s13], $0x1, v1, vm0, $0x4038;
	[tilespmem:$0x4200] =	vst v63  }
0xd5: {  	v1 =	vadd.s32 $0xF42980, v0;
	(ifvalue) =	ssetifvalue $0x7FFFFFFF  }
0xd6: {  	s22 =	sadd.s32 $0x1100, s21;
	(ifvalue) =	ssetifvalue $0x7FFFFFFF  }
0xd7: {  	[tilespmem:s22], [sflag:$0x1] =	stream.indirect_vreg.gather [hbm4b:s2+s13], $0x1, v2, vm0, $0x4038;
	[tilespmem:$0x4200] =	vst v63  }
0xd8: {  	v2 =	vadd.s32 $0xF42A00, v0;
	(ifvalue) =	ssetifvalue $0x7FFFFFFF  }
0xd9: {  	s22 =	sadd.s32 $0x1180, s21;
	(ifvalue) =	ssetifvalue $0x7FFFFFFF  }
0xda: {  	[tilespmem:s22], [sflag:$0x1] =	stream.indirect_vreg.gather [hbm4b:s2+s13], $0x1, v1, vm0, $0x4038;
	[tilespmem:$0x4200] =	vst v63  }
0xdb: {  	v1 =	vadd.s32 $0xF42A80, v0;
	(ifvalue) =	ssetifvalue $0x7FFFFFFF  }
0xdc: {  	s22 =	sadd.s32 $0x1200, s21;
	(ifvalue) =	ssetifvalue $0x7FFFFFFF  }
0xdd: {  	[tilespmem:s22], [sflag:$0x1] =	stream.indirect_vreg.gather [hbm4b:s2+s13], $0x1, v2, vm0, $0x4038;
	[tilespmem:$0x4200] =	vst v63  }
0xde: {  	v2 =	vadd.s32 $0xF42B00, v0;
	(ifvalue) =	ssetifvalue $0x7FFFFFFF  }
0xdf: {  	s22 =	sadd.s32 $0x1280, s21;
	(ifvalue) =	ssetifvalue $0x7FFFFFFF  }
0xe0: {  	[tilespmem:s22], [sflag:$0x1] =	stream.indirect_vreg.gather [hbm4b:s2+s13], $0x1, v1, vm0, $0x4038;
	[tilespmem:$0x4200] =	vst v63  }
0xe1: {  	v1 =	vadd.s32 $0xF42B80, v0;
	(ifvalue) =	ssetifvalue $0x7FFFFFFF  }
0xe2: {  	s22 =	sadd.s32 $0x1300, s21;
	(ifvalue) =	ssetifvalue $0x7FFFFFFF  }
0xe3: {  	[tilespmem:s22], [sflag:$0x1] =	stream.indirect_vreg.gather [hbm4b:s2+s13], $0x1, v2, vm0, $0x4038;
	[tilespmem:$0x4200] =	vst v63  }
0xe4: {  	v2 =	vadd.s32 $0x16E3C00, v0;
	(ifvalue) =	ssetifvalue $0x7FFFFFFF  }
0xe5: {  	s22 =	sadd.s32 $0x1380, s21;
	(ifvalue) =	ssetifvalue $0x7FFFFFFF  }
0xe6: {  	[tilespmem:s22], [sflag:$0x1] =	stream.indirect_vreg.gather [hbm4b:s2+s13], $0x1, v1, vm0, $0x4038;
	[tilespmem:$0x4200] =	vst v63  }
0xe7: {  	v1 =	vadd.s32 $0x16E3C80, v0;
	(ifvalue) =	ssetifvalue $0x7FFFFFFF  }
0xe8: {  	s22 =	sadd.s32 $0x1800, s21;
	(ifvalue) =	ssetifvalue $0x7FFFFFFF  }
0xe9: {  	[tilespmem:s22], [sflag:$0x1] =	stream.indirect_vreg.gather [hbm4b:s2+s13], $0x1, v2, vm0, $0x4038;
	[tilespmem:$0x4200] =	vst v63  }
0xea: {  	v2 =	vadd.s32 $0x16E3D00, v0;
	(ifvalue) =	ssetifvalue $0x7FFFFFFF  }
0xeb: {  	s22 =	sadd.s32 $0x1880, s21;
	(ifvalue) =	ssetifvalue $0x7FFFFFFF  }
0xec: {  	[tilespmem:s22], [sflag:$0x1] =	stream.indirect_vreg.gather [hbm4b:s2+s13], $0x1, v1, vm0, $0x4038;
	[tilespmem:$0x4200] =	vst v63  }
0xed: {  	v1 =	vadd.s32 $0x16E3D80, v0;
	(ifvalue) =	ssetifvalue $0x7FFFFFFF  }
0xee: {  	s22 =	sadd.s32 $0x1900, s21;
	(ifvalue) =	ssetifvalue $0x7FFFFFFF  }
0xef: {  	[tilespmem:s22], [sflag:$0x1] =	stream.indirect_vreg.gather [hbm4b:s2+s13], $0x1, v2, vm0, $0x4038;
	[tilespmem:$0x4200] =	vst v63  }
0xf0: {  	v2 =	vadd.s32 $0x16E3E00, v0;
	(ifvalue) =	ssetifvalue $0x7FFFFFFF  }
0xf1: {  	s22 =	sadd.s32 $0x1980, s21;
	(ifvalue) =	ssetifvalue $0x7FFFFFFF  }
0xf2: {  	[tilespmem:s22], [sflag:$0x1] =	stream.indirect_vreg.gather [hbm4b:s2+s13], $0x1, v1, vm0, $0x4038;
	[tilespmem:$0x4200] =	vst v63  }
0xf3: {  	v1 =	vadd.s32 $0x16E3E80, v0;
	(ifvalue) =	ssetifvalue $0x7FFFFFFF  }
0xf4: {  	s22 =	sadd.s32 $0x1A00, s21;
	(ifvalue) =	ssetifvalue $0x7FFFFFFF  }
0xf5: {  	[tilespmem:s22], [sflag:$0x1] =	stream.indirect_vreg.gather [hbm4b:s2+s13], $0x1, v2, vm0, $0x4038;
	[tilespmem:$0x4200] =	vst v63  }
0xf6: {  	v2 =	vadd.s32 $0x16E3F00, v0;
	(ifvalue) =	ssetifvalue $0x7FFFFFFF  }
0xf7: {  	s22 =	sadd.s32 $0x1A80, s21;
	(ifvalue) =	ssetifvalue $0x7FFFFFFF  }
0xf8: {  	[tilespmem:s22], [sflag:$0x1] =	stream.indirect_vreg.gather [hbm4b:s2+s13], $0x1, v1, vm0, $0x4038;
	[tilespmem:$0x4200] =	vst v63  }
.Ltmp3:
0xf9: {  	v0 =	vadd.s32 $0x16E3F80, v0;
	(ifvalue) =	ssetifvalue $0x7FFFFFFF;
	(pc) =	sbr.rel @p1 .LBB2_3-.Ltmp3, $4  }
0xfa: {  	s22 =	sadd.s32 $0x1B00, s21;
	(ifvalue) =	ssetifvalue $0x7FFFFFFF  }
0xfb: {  	[tilespmem:s22], [sflag:$0x1] =	stream.indirect_vreg.gather [hbm4b:s2+s13], $0x1, v2, vm0, $0x4038;
	[tilespmem:$0x4200] =	vst v63  }
0xfc: {  	s19 =	sadd.s32 $0x10, s19;
	(ifvalue) =	ssetifvalue $0x7FFFFFFF  }
0xfd: {  	s20 =	sadd.s32 $0x80, s20;
	s21 =	sadd.s32 $0x1B80, s21;
	(ifvalue) =	ssetifvalue $0x7FFFFFFF  }
.Ltmp4:
0xfe: {  	_ = 	snop;
	(pc) =	sbr.rel .LBB2_4-.Ltmp4, $1  }
0xff: {  	_ =	sdelay $0x3  }
.LBB2_6:
0x100: {  	_ =	sfence.sel $0x180000  }
0x101: {  	s2 =	simm.s32 $0x2;
	[bflag:$0x0] =	sbarrier.arrive $0xFFFF  }
0x102: {  	s30 =	simm.s32 $0x3;
	[sflag:s2] =	ssyncpa.u1 $0x1  }
0x103: {  	s31 =	simm.s32 $0x1;
	[sflag:s30] =	ssyncpa.u1 $0x1  }
0x104: {  	[sflag:s31] =	ssyncpa.u1 $0x1  }
0x105: {  	p0 =	sne.s32 s0, $0x0;
	_ =	strace $0x9000004A  }
0x106: {  	s0 =	sadd.s32 @!p0 $0x100000, s1;
	[bflag:$0x2] =	sbarrier.arrive $0xFFFF  }
0x107: {  	[sflag:s0] =	ssyncadd.tile.s32 @!p0 $0x1;
	_ =	shalt  }
.Lfunc_end2:
_tile_overlayer_lowered:
.L_overlay_start_2:
0x108: {  	(tag) =	ssettag $0x2  }
0x109: {  	s0 =	rddreg [dreg:$0x0];
	s2 =	stileid.u32  }
0x10a: {  	s1 =	rddreg [dreg:$0x1];
	p0 =	sne.s32 s2, $0x0  }
0x10b: {  	s3 =	rddreg [dreg:$0x2];
	[bflag:$0x3] =	sbarrier.arrive $0xFFFF;
	s2 =	simm.s32 @!p0 $0x1C01  }
0x10c: {  	[timem:s3], [sflag:s2] =	dma.local @!p0 [hbm:s0], s1  }
0x10d: {  	s0 =	simm.s32 @!p0 $0x1  }
0x10e: {  	_ =	swait.ge @!p0 [sflag:s0], s1  }
0x10f: {  	s1 =	ssub.s32 @!p0 $0x0, s1;
	[sflag:s0] =	ssyncset.done @!p0 $0x0  }
0x110: {  	[sflag:s0] =	ssyncadd.s32 @!p0 s1  }
0x111: {  	[bflag:$0x3] =	sbarrier.arrive $0xFFFF  }
0x112: {  	_ =	shalt  }

// kernel: kernel.5.cloned.1.call-start
scs
__scs_entry_jumppad:
0x0: {  	(pc) =	sbr.rel $0x88, $3  }
0x1: {  	(tag) =	ssettag $0x0;
	lr =	simm.s32 $0x1  }
0x2: {  	[smem:$0x3F88] =	sst lr;
	_ =	strace $0xD0000000  }
0x3: {  	_ = 	snop  }
0x4: {  	_ = 	snop  }
0x5: {  	_ = 	snop  }
0x6: {  	_ = 	snop  }
0x7: {  	_ = 	snop  }
__scs_overlays_trampoline_lowered:
0x8: {  	[smem:$0x3F97] =	sst s0  }
0x9: {  	[smem:$0x3F98] =	sst s1  }
0xa: {  	[smem:$0x3F99] =	sst s2  }
0xb: {  	[smem:$0x3F9A] =	sst s3  }
0xc: {  	[smem:$0x3F9B] =	sst s4  }
0xd: {  	[smem:$0x3F9C] =	sst s5  }
0xe: {  	[smem:$0x3F9D] =	sst s6  }
0xf: {  	[smem:$0x3F9E] =	sst s7  }
0x10: {  	[smem:$0x3F9F] =	sst s8  }
0x11: {  	[smem:$0x3FA0] =	sst s9;
	s0 =	simm.s32 @!p0 $0x0  }
0x12: {  	s1 =	sld [smem:$0x3F86];
	s0 =	simm.s32 @p0 $0x1  }
0x13: {  	[smem:$0x3FA1] =	sst s0;
	s0 =	simm.s32 @!p1 $0x0  }
0x14: {  	s2 =	sld [smem:$0x3F85];
	s0 =	simm.s32 @p1 $0x1  }
0x15: {  	[smem:$0x3FA2] =	sst s0;
	s0 =	simm.s32 @!p2 $0x0  }
0x16: {  	s3 =	sld [smem:$0x3FDB];
	s0 =	simm.s32 @p2 $0x1  }
0x17: {  	s4 =	simm.s32 $0x1BF5;
	[smem:$0x3FA4] =	sst s0  }
0x18: {  	s0 =	sld [smem:$0x3F87];
	_ =	swait.ge [sflag:s4], $0x0  }
0x19: {  	s7 =	sld [smem:$0x3F88]  }
0x1a: {  	s8 =	sadd.s32 $0xFFFFE003, lr  }
0x1b: {  	s9 =	sadd.s32 $0xFFFFFEF7, lr;
	s5 =	simm.s32 $0xFFFFFFFF;
	p2 =	slt.u32 s8, $0xFFFFF086  }
0x1c: {  	p1 =	slt.u32 s9, $0xF7A;
	s5 =	simm.s32 @!p2 $0x0  }
0x1d: {  	s5 =	simm.s32 @p1 $0x1;
	p0 =	seq.s32 s7, s2  }
0x1e: {  	s7 =	smul.u32 @!p0 $0xF7A, s2;
	p2 =	seq.s32 @!p0 s5, $0x0  }
0x1f: {  	s9 =	smul.u32 $0xF7A, s1;
	s8 =	simm.s32 @!p0 $0x1BF5;
	p2 =	por !p2, p0  }
0x20: {  	[sflag:s8] =	ssyncset.s32 @!p0 $0xFFFFF086;
	s6 =	sadd.s32 @!p0 s3, s7;
	s7 =	simm.s32 @!p0 $0x108  }
0x21: {  	s3 =	sadd.s32 s3, s9;
	s6 =	sadd.s32 @!p0 $0x88, s6;
	s7 =	simm.s32 @p2 $0x1082  }
0x22: {  	[simem:s7], [sflag:s8] =	dma.local @!p0 [hbm:s6], $0xF7A  }
0x23: {  	s9 =	sor.u32 $0xD0000000, s2;
	s6 =	simm.s32 $0x108;
	_ =	swait.ge @!p0 [sflag:s8], $0x0  }
0x24: {  	s3 =	sadd.s32 $0x88, s3;
	s6 =	simm.s32 @!p1 $0x1082;
	[sflag:s4] =	ssyncset.s32 $0xFFFFF086  }
0x25: {  	[simem:s6], [sflag:s4] =	dma.local [hbm:s3], $0xF7A  }
0x26: {  	[smem:$0x3F88] =	sst s1;
	(tag) =	ssettag s2;
	_ =	strace s9  }
0x27: {  	s1 =	sld [smem:$0x3F98]  }
0x28: {  	s2 =	sld [smem:$0x3F99]  }
0x29: {  	s4 =	sld [smem:$0x3F9B]  }
0x2a: {  	p0 =	seq.s32 s5, $0x0;
	s5 =	sld [smem:$0x3F9C]  }
0x2b: {  	s6 =	sld [smem:$0x3F9D]  }
0x2c: {  	s7 =	sld [smem:$0x3F9E]  }
0x2d: {  	s3 =	simm.s32 $0x108;
	s8 =	sld [smem:$0x3F9F]  }
0x2e: {  	s3 =	simm.s32 @!p0 $0x1082;
	s9 =	sld [smem:$0x3FA0]  }
0x2f: {  	lr =	sadd.s32 s0, s3;
	s0 =	sld [smem:$0x3F97]  }
0x30: {  	s3 =	sld [smem:$0x3F9A]  }
0x31: {  	[smem:$0x3FA3] =	sst s10  }
0x32: {  	s10 =	sld [smem:$0x3FA1];
	_ =	sdelay $0x3  }
0x33: {  	p0 =	seq.s32 s10, $0x1;
	s10 =	sld [smem:$0x3FA3];
	_ =	sdelay $0x3  }
0x34: {  	[smem:$0x3FA3] =	sst s10  }
0x35: {  	s10 =	sld [smem:$0x3FA2];
	_ =	sdelay $0x3  }
0x36: {  	p1 =	seq.s32 s10, $0x1;
	s10 =	sld [smem:$0x3FA3];
	_ =	sdelay $0x3  }
0x37: {  	[smem:$0x3FA3] =	sst s10  }
0x38: {  	s10 =	sld [smem:$0x3FA4]  }
0x39: {  	_ = 	snop;
	(pc) =	sbr.ind lr, $3  }
0x3a: {  	_ = 	snop  }
0x3b: {  	_ = 	snop  }
0x3c: {  	p2 =	seq.s32 s10, $0x1;
	s10 =	sld [smem:$0x3FA3]  }
0x3d: {  	_ =	shalt  }
0x3e: {  	_ =	shalt  }
0x3f: {  	_ =	shalt  }
0x40: {  	_ =	shalt  }
0x41: {  	_ =	shalt  }
0x42: {  	_ =	shalt  }
0x43: {  	_ =	shalt  }
0x44: {  	_ =	shalt  }
0x45: {  	_ =	shalt  }
0x46: {  	_ =	shalt  }
0x47: {  	_ =	shalt  }
0x48: {  	_ =	shalt  }
0x49: {  	_ =	shalt  }
0x4a: {  	_ =	shalt  }
0x4b: {  	_ =	shalt  }
0x4c: {  	_ =	shalt  }
0x4d: {  	_ =	shalt  }
0x4e: {  	_ =	shalt  }
0x4f: {  	_ =	shalt  }
0x50: {  	_ =	shalt  }
0x51: {  	_ =	shalt  }
0x52: {  	_ =	shalt  }
0x53: {  	_ =	shalt  }
0x54: {  	_ =	shalt  }
0x55: {  	_ =	shalt  }
0x56: {  	_ =	shalt  }
0x57: {  	_ =	shalt  }
0x58: {  	_ =	shalt  }
0x59: {  	_ =	shalt  }
0x5a: {  	_ =	shalt  }
0x5b: {  	_ =	shalt  }
0x5c: {  	_ =	shalt  }
0x5d: {  	_ =	shalt  }
0x5e: {  	_ =	shalt  }
0x5f: {  	_ =	shalt  }
0x60: {  	_ =	shalt  }
0x61: {  	_ =	shalt  }
0x62: {  	_ =	shalt  }
0x63: {  	_ =	shalt  }
0x64: {  	_ =	shalt  }
0x65: {  	_ =	shalt  }
0x66: {  	_ =	shalt  }
0x67: {  	_ =	shalt  }
0x68: {  	_ =	shalt  }
0x69: {  	_ =	shalt  }
0x6a: {  	_ =	shalt  }
0x6b: {  	_ =	shalt  }
0x6c: {  	_ =	shalt  }
0x6d: {  	_ =	shalt  }
0x6e: {  	_ =	shalt  }
0x6f: {  	_ =	shalt  }
0x70: {  	_ =	shalt  }
0x71: {  	_ =	shalt  }
0x72: {  	_ =	shalt  }
0x73: {  	_ =	shalt  }
0x74: {  	_ =	shalt  }
0x75: {  	_ =	shalt  }
0x76: {  	_ =	shalt  }
0x77: {  	_ =	shalt  }
0x78: {  	_ =	shalt  }
0x79: {  	_ =	shalt  }
0x7a: {  	_ =	shalt  }
0x7b: {  	_ =	shalt  }
0x7c: {  	_ =	shalt  }
0x7d: {  	_ =	shalt  }
0x7e: {  	_ =	shalt  }
0x7f: {  	_ =	shalt  }
0x80: {  	_ =	shalt  }
0x81: {  	_ =	shalt  }
0x82: {  	_ =	shalt  }
0x83: {  	_ =	shalt  }
0x84: {  	_ =	shalt  }
0x85: {  	_ =	shalt  }
0x86: {  	_ =	shalt  }
0x87: {  	_ =	shalt  }
.Lfunc_end0:
.L_simem_size_0:
called_computation.4_lowered:
.L_overlay_start_0:
0x88: {  	s2 =	sld [smem:$0x3FD9]  }
0x89: {  	s3 =	sld [smem:$0x3FFE];
	_ =	sdelay $0x1  }
0x8a: {  	s1 =	srdreg.scid  }
0x8b: {  	s0 =	sand.u32 $0x1, s1  }
0x8c: {  	s17 =	sshll.u32 s0, $0xA;
	s2 =	sadd.s32 s3, s2  }
0x8d: {  	s2 =	sadd.s32 s2, s17  }
0x8e: {  	[smem:$0x3FAF] =	sst s2  }
0x8f: {  	_ = 	snop  }
0x90: {  	s2 =	sld [smem:$0x3FC8]  }
0x91: {  	s18 =	sld [smem:$0x3FC5];
	(tm) =	ssettm $0x1  }
0x92: {  	s4 =	sld [smem:$0x3FFB];
	_ =	sdelay $0x3  }
0x93: {  	_ =	strace s4  }
0x94: {  	s4 =	sld [smem:$0x3FFC];
	_ =	sdelay $0x3  }
0x95: {  	_ =	strace s4  }
0x96: {  	s4 =	sld [smem:$0x3FFD];
	_ =	sdelay $0x3  }
0x97: {  	_ =	strace s4  }
0x98: {  	_ =	strace $0x8FFFFFFF  }
0x99: {  	s19 =	sld [smem:$0x3FDB];
	_ =	sdelay $0x1  }
0x9a: {  	s5 =	simm.s32 $_scs_section_size  }
0x9b: {  	s6 =	simm.s32 $_size__tile_overlayer_lowered;
	s7 =	simm.s32 $_tile_overlayer_lowered  }
0x9c: {  	s22 =	simm.s32 $0x1BFF;
	s21 =	sshll.u32 s7, $0x1;
	s4 =	sadd.s32 s5, s19  }
0x9d: {  	s8 =	simm.s32 $0x0;
	s20 =	sshll.u32 s6, $0x1;
	s6 =	sadd.s32 s21, s4  }
0x9e: {  	[timem:s8], [sflag:s22] =	dma.local [hbm:s6], s20  }
0x9f: {  	_ =	swait.ge [sflag:s22], s20  }
0xa0: {  	s5 =	ssub.s32 $0x0, s20;
	[sflag:s22] =	ssyncset.done $0x0  }
0xa1: {  	[sflag:s22] =	ssyncadd.s32 s5;
	_ =	sdelay $0x1  }
0xa2: {  	s23 =	simm.s32 $0x1B8B  }
0xa3: {  	_ =	swait.ge [sflag:s23], $0x1  }
0xa4: {  	[sflag:s23] =	ssyncset.done $0x0  }
0xa5: {  	s25 =	simm.s32 $0x1B8E;
	s24 =	sld [smem:$0x3FFE];
	[sflag:s23] =	ssyncadd.s32 $0xFFFFFFFF  }
0xa6: {  	s26 =	simm.s32 $execute0_lowered;
	[smem:$0x3FD2] =	sst s25  }
0xa7: {  	s6 =	sshll.u32 s26, $0x1;
	_ =	strace $0x80000046;
	[dreg:$0x1] =	wrdreg $0xFFFFFFFF  }
0xa8: {  	s28 =	simm.s32 $_size_execute0_lowered;
	s4 =	sadd.s32 s4, s6;
	[dreg:$0x0] =	wrdreg $0x0  }
0xa9: {  	s6 =	sshll.u32 s28, $0x1;
	[dreg:$0x2] =	wrdreg s4  }
0xaa: {  	[dreg:$0x3] =	wrdreg s6  }
0xab: {  	[dreg:$0x4] =	wrdreg $0xC0  }
0xac: {  	_ =	task [dreg:s8], $0x5FFFF  }
0xad: {  	[dreg:$0x1] =	wrdreg $0xFFFFFFFF  }
0xae: {  	[dreg:$0x0] =	wrdreg $0x60  }
0xaf: {  	[dreg:$0x2] =	wrdreg s2  }
0xb0: {  	[dreg:$0x3] =	wrdreg s18  }
0xb1: {  	[dreg:$0x4] =	wrdreg s24  }
0xb2: {  	[dreg:$0x5] =	wrdreg $0x9  }
0xb3: {  	_ =	task.clear_ibuf [dreg:s8], $0x6FFFF;
	_ =	strace $0x90000046  }
0xb4: {  	s29 =	simm.s32 $0x9;
	_ =	strace $0x80000048  }
0xb5: {  	_ =	swait.ge [sflag:s29], $0x1  }
0xb6: {  	[sflag:s29] =	ssyncadd.s32 $0xFFFFFFFF  }
0xb7: {  	_ =	strace $0x90000048  }
0xb8: {  	_ =	sfence  }
0xb9: {  	s30 =	sld [smem:$0x0];
	_ =	sdelay $0x2  }
0xba: {  	s31 =	sshll.u32 s1, $0xD;
	s1 =	sshrl.u32 s1, $0x2  }
0xbb: {  	s3 =	sand.u32 $0x4000, s31;
	s1 =	sadd.s32 s1, s30  }
0xbc: {  	s0 =	sor.u32 s3, s0;
	s1 =	sshll.u32 s1, $0x11  }
0xbd: {  	s0 =	sor.u32 s1, s0  }
0xbe: {  	s0 =	sadd.s32 $0x8F2B, s0  }
0xbf: {  	[sflag:s0] =	ssyncadd.remote.s32 $0x1  }
0xc0: {  	_ =	sfence.sel $0xFFFF  }
0xc1: {  	[dreg:$0x0] =	wrdreg $0xFFFFFFFF;
	(pc) =	sbr.abs _section_cstart, $3  }
0xc2: {  	[dreg:$0x1] =	wrdreg $0xFFFFFFFF  }
0xc3: {  	_ =	task.clear_ibuf [dreg:s8], $0x2FFFF;
	_ =	strace $0x9FFFFFFF  }
0xc4: {  	(tm) =	ssettm $0x7FFFFFFF  }
0xc5: {  	_ =	shalt  }
tec
execute0_lowered:
.L_overlay_start_1:
0x0: {  	(tag) =	ssettag $0x1  }
0x1: {  	s0 =	rddreg [dreg:$0x0]  }
0x2: {  	s1 =	srdreg.scid;
	s2 =	rddreg [dreg:$0x1]  }
0x3: {  	s3 =	stileid.u32;
	s4 =	rddreg [dreg:$0x2]  }
0x4: {  	s13 =	simm.s32 $0x3;
	s14 =	simm.s32 $0x2;
	s15 =	simm.s32 $0x4  }
0x5: {  	s17 =	simm.s32 $0xA00;
	s18 =	simm.s32 $0x1200;
	s19 =	simm.s32 $0x1A00  }
0x6: {  	s20 =	simm.s32 $0x2200;
	s21 =	simm.s32 $0x2A00;
	s28 =	simm.s32 $0x5200  }
0x7: {  	s29 =	simm.s32 $0x5A00;
	s30 =	simm.s32 $0x6200;
	s31 =	simm.s32 $0x6A00  }
0x8: {  	s12 =	simm.s32 $0x8200;
	s7 =	simm.s32 $0x8A00;
	s8 =	simm.s32 $0x9200  }
0x9: {  	s9 =	simm.s32 $0x9A00;
	s10 =	simm.s32 $0xA200;
	s1 =	sand.u32 $0x1, s1  }
0xa: {  	s5 =	sshll.u32 s3, $0xA;
	s3 =	simm.s32 $0x0;
	s6 =	sshll.u32 s1, $0x9  }
0xb: {  	s11 =	simm.s32 $0xAA00;
	[smem:$0x7FF] =	sst s3;
	s5 =	sor.u32 s6, s5  }
0xc: {  	s1 =	ssub.s32 $0x2, s1;
	s6 =	sshll.u32 s5, $0x5;
	s5 =	sshrl.u32 s5, $0x3  }
0xd: {  	_ =	strace $0x80000047;
	s4 =	sadd.s32 s6, s4;
	s0 =	sadd.s32 s0, s5  }
0xe: {  	s24 =	sshrl.u32 s1, $0x1;
	[dreg:$0x4] =	wrdreg s0;
	s22 =	sadd.s32 $0x4E00, s4  }
0xf: {  	s1 =	ssub.s32 s1, s24;
	s23 =	sadd.s32 $0x5E00, s4;
	[dreg:$0x5] =	wrdreg s22  }
0x10: {  	s24 =	simm.s32 $0x3A00;
	s25 =	sadd.s32 $0x6E00, s4;
	[dreg:$0x6] =	wrdreg s23  }
0x11: {  	v2 =	vlaneseq.u32;
	s5 =	simm.s32 $0x1;
	s26 =	sadd.s32 $0x7E00, s4;
	[dreg:$0x7] =	wrdreg s25  }
0x12: {  	vm0 =	vmmov $0xffff;
	v1 =	vshrl.u32 v2, $0x3;
	s4 =	smax.u32 s1, $0x1;
	s1 =	simm.s32 $0x7200;
	[dreg:$0x8] =	wrdreg s26  }
0x13: {  	v0 =	vand.u32 $0x7, v2;
	v2 =	vor.u32 $0x8, v2;
	v1 =	vmul.u32 $0x8, v1;
	s23 =	simm.s32 $0x3200;
	s25 =	simm.s32 $0x4200;
	s26 =	simm.s32 $0x4A00  }
.LBB2_1:
0x14: {  	s16 =	rddreg [dreg:$0x4];
	s0 =	simm.s32 $0x5  }
0x15: {  	[tilespmem:s3], [sflag:$0x5] =	stream.linear.gather [hbm4b:s16+s3], $0x200, $0x38;
	[tilespmem:$0x10200] =	vst v63  }
0x16: {  	_ =	swait.ge [sflag:s0], $0x200  }
0x17: {  	[sflag:s0] =	ssyncset.done $0x0  }
0x18: {  	[sflag:s0] =	ssyncadd.s32 $0xFFFFFE00  }
0x19: {  	v3 =	vld [tilespmem:$0x0];
	_ =	sdelay $0x4  }
0x1a: {  	v4 =	vshll.u32 v3, $0x1  }
0x1b: {  	v3 =	vand.u32 $0x7, v3;
	v4 =	vand.u32 $0xFFFFFFF0, v4  }
0x1c: {  	v3 =	vor.u32 v3, v4  }
0x1d: {  	v4 =	vperm.xlane v3, v0;
	_ =	sdelay $0x1  }
0x1e: {  	v3 =	vperm.xlane v3, v2;
	v4 =	vadd.s32 v1, v4;
	_ =	sdelay $0x1  }
0x1f: {  	v3 =	vadd.s32 v1, v3;
	_ =	sdelay $0x1  }
0x20: {  	s16 =	simm.s32 $0x200  }
0x21: {  	[tilespmem:s16], [sflag:$0x1] =	stream.indirect_vreg.gather [hbm4b:s2+s3], $0x80, v4, vm0, $0xb8;
	[tilespmem:$0x10200] =	vst v63  }
0x22: {  	_ = 	snop  }
0x23: {  	[tilespmem:s17], [sflag:$0x1] =	stream.indirect_vreg.gather [hbm4b:s2+s3], $0x80, v3, vm0, $0xb8;
	[tilespmem:$0x10200] =	vst v63  }
0x24: {  	v3 =	vld [tilespmem:$0x10];
	_ =	sdelay $0x4  }
0x25: {  	v33 =	vshll.u32 v3, $0x1  }
0x26: {  	v3 =	vand.u32 $0x7, v3;
	v4 =	vand.u32 $0xFFFFFFF0, v33  }
0x27: {  	v3 =	vor.u32 v3, v4  }
0x28: {  	v4 =	vperm.xlane v3, v0;
	_ =	sdelay $0x1  }
0x29: {  	v3 =	vperm.xlane v3, v2;
	v4 =	vadd.s32 v1, v4;
	_ =	sdelay $0x1  }
0x2a: {  	v3 =	vadd.s32 v1, v3;
	_ =	sdelay $0x2  }
0x2b: {  	[tilespmem:s18], [sflag:$0x1] =	stream.indirect_vreg.gather [hbm4b:s2+s3], $0x80, v4, vm0, $0xb8;
	[tilespmem:$0x10200] =	vst v63  }
0x2c: {  	_ = 	snop  }
0x2d: {  	[tilespmem:s19], [sflag:$0x1] =	stream.indirect_vreg.gather [hbm4b:s2+s3], $0x80, v3, vm0, $0xb8;
	[tilespmem:$0x10200] =	vst v63  }
0x2e: {  	v3 =	vld [tilespmem:$0x20];
	_ =	sdelay $0x4  }
0x2f: {  	v34 =	vshll.u32 v3, $0x1  }
0x30: {  	v3 =	vand.u32 $0x7, v3;
	v4 =	vand.u32 $0xFFFFFFF0, v34  }
0x31: {  	v3 =	vor.u32 v3, v4  }
0x32: {  	v4 =	vperm.xlane v3, v0;
	_ =	sdelay $0x1  }
0x33: {  	v3 =	vperm.xlane v3, v2;
	v4 =	vadd.s32 v1, v4;
	_ =	sdelay $0x1  }
0x34: {  	v3 =	vadd.s32 v1, v3;
	_ =	sdelay $0x2  }
0x35: {  	[tilespmem:s20], [sflag:$0x1] =	stream.indirect_vreg.gather [hbm4b:s2+s3], $0x80, v4, vm0, $0xb8;
	[tilespmem:$0x10200] =	vst v63  }
0x36: {  	_ = 	snop  }
0x37: {  	[tilespmem:s21], [sflag:$0x1] =	stream.indirect_vreg.gather [hbm4b:s2+s3], $0x80, v3, vm0, $0xb8;
	[tilespmem:$0x10200] =	vst v63  }
0x38: {  	v3 =	vld [tilespmem:$0x30];
	_ =	sdelay $0x4  }
0x39: {  	v35 =	vshll.u32 v3, $0x1  }
0x3a: {  	v3 =	vand.u32 $0x7, v3;
	v4 =	vand.u32 $0xFFFFFFF0, v35  }
0x3b: {  	v3 =	vor.u32 v3, v4  }
0x3c: {  	v4 =	vperm.xlane v3, v0;
	_ =	sdelay $0x1  }
0x3d: {  	v3 =	vperm.xlane v3, v2;
	v4 =	vadd.s32 v1, v4;
	_ =	sdelay $0x1  }
0x3e: {  	v3 =	vadd.s32 v1, v3;
	_ =	sdelay $0x2  }
0x3f: {  	[tilespmem:s23], [sflag:$0x1] =	stream.indirect_vreg.gather [hbm4b:s2+s3], $0x80, v4, vm0, $0xb8;
	[tilespmem:$0x10200] =	vst v63  }
0x40: {  	_ = 	snop  }
0x41: {  	[tilespmem:s24], [sflag:$0x1] =	stream.indirect_vreg.gather [hbm4b:s2+s3], $0x80, v3, vm0, $0xb8;
	[tilespmem:$0x10200] =	vst v63  }
0x42: {  	v3 =	vld [tilespmem:$0x40];
	_ =	sdelay $0x4  }
0x43: {  	v36 =	vshll.u32 v3, $0x1  }
0x44: {  	v3 =	vand.u32 $0x7, v3;
	v4 =	vand.u32 $0xFFFFFFF0, v36  }
0x45: {  	v3 =	vor.u32 v3, v4  }
0x46: {  	v4 =	vperm.xlane v3, v0;
	_ =	sdelay $0x1  }
0x47: {  	v3 =	vperm.xlane v3, v2;
	v4 =	vadd.s32 v1, v4;
	_ =	sdelay $0x1  }
0x48: {  	v3 =	vadd.s32 v1, v3;
	_ =	sdelay $0x2  }
0x49: {  	[tilespmem:s25], [sflag:$0x1] =	stream.indirect_vreg.gather [hbm4b:s2+s3], $0x80, v4, vm0, $0xb8;
	[tilespmem:$0x10200] =	vst v63  }
0x4a: {  	_ = 	snop  }
0x4b: {  	[tilespmem:s26], [sflag:$0x1] =	stream.indirect_vreg.gather [hbm4b:s2+s3], $0x80, v3, vm0, $0xb8;
	[tilespmem:$0x10200] =	vst v63  }
0x4c: {  	v3 =	vld [tilespmem:$0x50];
	_ =	sdelay $0x4  }
0x4d: {  	v37 =	vshll.u32 v3, $0x1  }
0x4e: {  	v3 =	vand.u32 $0x7, v3;
	v4 =	vand.u32 $0xFFFFFFF0, v37  }
0x4f: {  	v3 =	vor.u32 v3, v4  }
0x50: {  	v4 =	vperm.xlane v3, v0;
	_ =	sdelay $0x1  }
0x51: {  	v3 =	vperm.xlane v3, v2;
	v4 =	vadd.s32 v1, v4;
	_ =	sdelay $0x1  }
0x52: {  	v3 =	vadd.s32 v1, v3;
	_ =	sdelay $0x2  }
0x53: {  	[tilespmem:s28], [sflag:$0x1] =	stream.indirect_vreg.gather [hbm4b:s2+s3], $0x80, v4, vm0, $0xb8;
	[tilespmem:$0x10200] =	vst v63  }
0x54: {  	_ = 	snop  }
0x55: {  	[tilespmem:s29], [sflag:$0x1] =	stream.indirect_vreg.gather [hbm4b:s2+s3], $0x80, v3, vm0, $0xb8;
	[tilespmem:$0x10200] =	vst v63  }
0x56: {  	v3 =	vld [tilespmem:$0x60];
	_ =	sdelay $0x4  }
0x57: {  	v38 =	vshll.u32 v3, $0x1  }
0x58: {  	v3 =	vand.u32 $0x7, v3;
	v4 =	vand.u32 $0xFFFFFFF0, v38  }
0x59: {  	v3 =	vor.u32 v3, v4  }
0x5a: {  	v4 =	vperm.xlane v3, v0;
	_ =	sdelay $0x1  }
0x5b: {  	v3 =	vperm.xlane v3, v2;
	v4 =	vadd.s32 v1, v4;
	_ =	sdelay $0x1  }
0x5c: {  	v3 =	vadd.s32 v1, v3;
	_ =	sdelay $0x2  }
0x5d: {  	[tilespmem:s30], [sflag:$0x1] =	stream.indirect_vreg.gather [hbm4b:s2+s3], $0x80, v4, vm0, $0xb8;
	[tilespmem:$0x10200] =	vst v63  }
0x5e: {  	_ = 	snop  }
0x5f: {  	[tilespmem:s31], [sflag:$0x1] =	stream.indirect_vreg.gather [hbm4b:s2+s3], $0x80, v3, vm0, $0xb8;
	[tilespmem:$0x10200] =	vst v63  }
0x60: {  	v3 =	vld [tilespmem:$0x70];
	_ =	sdelay $0x4  }
0x61: {  	v39 =	vshll.u32 v3, $0x1  }
0x62: {  	v3 =	vand.u32 $0x7, v3;
	v4 =	vand.u32 $0xFFFFFFF0, v39  }
0x63: {  	v3 =	vor.u32 v3, v4  }
0x64: {  	v4 =	vperm.xlane v3, v0;
	_ =	sdelay $0x1  }
0x65: {  	v3 =	vperm.xlane v3, v2;
	v4 =	vadd.s32 v1, v4;
	_ =	sdelay $0x1  }
0x66: {  	v3 =	vadd.s32 v1, v3;
	_ =	sdelay $0x2  }
0x67: {  	[tilespmem:s1], [sflag:$0x1] =	stream.indirect_vreg.gather [hbm4b:s2+s3], $0x80, v4, vm0, $0xb8;
	[tilespmem:$0x10200] =	vst v63  }
0x68: {  	s0 =	simm.s32 $0x7A00  }
0x69: {  	[tilespmem:s0], [sflag:$0x1] =	stream.indirect_vreg.gather [hbm4b:s2+s3], $0x80, v3, vm0, $0xb8;
	[tilespmem:$0x10200] =	vst v63  }
0x6a: {  	v3 =	vld [tilespmem:$0x80];
	_ =	sdelay $0x4  }
0x6b: {  	v40 =	vshll.u32 v3, $0x1  }
0x6c: {  	v3 =	vand.u32 $0x7, v3;
	v4 =	vand.u32 $0xFFFFFFF0, v40  }
0x6d: {  	v3 =	vor.u32 v3, v4  }
0x6e: {  	v4 =	vperm.xlane v3, v0;
	_ =	sdelay $0x1  }
0x6f: {  	v3 =	vperm.xlane v3, v2;
	v4 =	vadd.s32 v1, v4;
	_ =	sdelay $0x1  }
0x70: {  	v3 =	vadd.s32 v1, v3;
	_ =	sdelay $0x2  }
0x71: {  	[tilespmem:s12], [sflag:$0x2] =	stream.indirect_vreg.gather [hbm4b:s2+s3], $0x80, v4, vm0, $0xb8;
	[tilespmem:$0x10200] =	vst v63  }
0x72: {  	_ = 	snop  }
0x73: {  	[tilespmem:s7], [sflag:$0x2] =	stream.indirect_vreg.gather [hbm4b:s2+s3], $0x80, v3, vm0, $0xb8;
	[tilespmem:$0x10200] =	vst v63  }
0x74: {  	v3 =	vld [tilespmem:$0x90];
	_ =	sdelay $0x4  }
0x75: {  	v41 =	vshll.u32 v3, $0x1  }
0x76: {  	v3 =	vand.u32 $0x7, v3;
	v4 =	vand.u32 $0xFFFFFFF0, v41  }
0x77: {  	v3 =	vor.u32 v3, v4  }
0x78: {  	v4 =	vperm.xlane v3, v0;
	_ =	sdelay $0x1  }
0x79: {  	v3 =	vperm.xlane v3, v2;
	v4 =	vadd.s32 v1, v4;
	_ =	sdelay $0x1  }
0x7a: {  	v3 =	vadd.s32 v1, v3;
	_ =	sdelay $0x2  }
0x7b: {  	[tilespmem:s8], [sflag:$0x2] =	stream.indirect_vreg.gather [hbm4b:s2+s3], $0x80, v4, vm0, $0xb8;
	[tilespmem:$0x10200] =	vst v63  }
0x7c: {  	_ = 	snop  }
0x7d: {  	[tilespmem:s9], [sflag:$0x2] =	stream.indirect_vreg.gather [hbm4b:s2+s3], $0x80, v3, vm0, $0xb8;
	[tilespmem:$0x10200] =	vst v63  }
0x7e: {  	v3 =	vld [tilespmem:$0xA0];
	_ =	sdelay $0x4  }
0x7f: {  	v42 =	vshll.u32 v3, $0x1  }
0x80: {  	v3 =	vand.u32 $0x7, v3;
	v4 =	vand.u32 $0xFFFFFFF0, v42  }
0x81: {  	v3 =	vor.u32 v3, v4  }
0x82: {  	v4 =	vperm.xlane v3, v0;
	_ =	sdelay $0x1  }
0x83: {  	v3 =	vperm.xlane v3, v2;
	v4 =	vadd.s32 v1, v4;
	_ =	sdelay $0x1  }
0x84: {  	v3 =	vadd.s32 v1, v3;
	_ =	sdelay $0x2  }
0x85: {  	[tilespmem:s10], [sflag:$0x2] =	stream.indirect_vreg.gather [hbm4b:s2+s3], $0x80, v4, vm0, $0xb8;
	[tilespmem:$0x10200] =	vst v63  }
0x86: {  	_ = 	snop  }
0x87: {  	[tilespmem:s11], [sflag:$0x2] =	stream.indirect_vreg.gather [hbm4b:s2+s3], $0x80, v3, vm0, $0xb8;
	[tilespmem:$0x10200] =	vst v63  }
0x88: {  	v3 =	vld [tilespmem:$0xB0];
	_ =	sdelay $0x4  }
0x89: {  	v43 =	vshll.u32 v3, $0x1  }
0x8a: {  	v3 =	vand.u32 $0x7, v3;
	v4 =	vand.u32 $0xFFFFFFF0, v43  }
0x8b: {  	v3 =	vor.u32 v3, v4  }
0x8c: {  	v4 =	vperm.xlane v3, v0;
	_ =	sdelay $0x1  }
0x8d: {  	v3 =	vperm.xlane v3, v2;
	v4 =	vadd.s32 v1, v4;
	_ =	sdelay $0x1  }
0x8e: {  	v3 =	vadd.s32 v1, v3;
	_ =	sdelay $0x1  }
0x8f: {  	s6 =	simm.s32 $0xB200  }
0x90: {  	[tilespmem:s6], [sflag:$0x2] =	stream.indirect_vreg.gather [hbm4b:s2+s3], $0x80, v4, vm0, $0xb8;
	[tilespmem:$0x10200] =	vst v63  }
0x91: {  	s6 =	simm.s32 $0xBA00  }
0x92: {  	[tilespmem:s6], [sflag:$0x2] =	stream.indirect_vreg.gather [hbm4b:s2+s3], $0x80, v3, vm0, $0xb8;
	[tilespmem:$0x10200] =	vst v63  }
0x93: {  	v3 =	vld [tilespmem:$0xC0];
	_ =	sdelay $0x4  }
0x94: {  	v44 =	vshll.u32 v3, $0x1  }
0x95: {  	v3 =	vand.u32 $0x7, v3;
	v4 =	vand.u32 $0xFFFFFFF0, v44  }
0x96: {  	v3 =	vor.u32 v3, v4  }
0x97: {  	v4 =	vperm.xlane v3, v0;
	_ =	sdelay $0x1  }
0x98: {  	v3 =	vperm.xlane v3, v2;
	v4 =	vadd.s32 v1, v4;
	_ =	sdelay $0x1  }
0x99: {  	v3 =	vadd.s32 v1, v3;
	_ =	sdelay $0x1  }
0x9a: {  	s22 =	simm.s32 $0xC200  }
0x9b: {  	[tilespmem:s22], [sflag:$0x2] =	stream.indirect_vreg.gather [hbm4b:s2+s3], $0x80, v4, vm0, $0xb8;
	[tilespmem:$0x10200] =	vst v63  }
0x9c: {  	s22 =	simm.s32 $0xCA00  }
0x9d: {  	[tilespmem:s22], [sflag:$0x2] =	stream.indirect_vreg.gather [hbm4b:s2+s3], $0x80, v3, vm0, $0xb8;
	[tilespmem:$0x10200] =	vst v63  }
0x9e: {  	v3 =	vld [tilespmem:$0xD0];
	_ =	sdelay $0x4  }
0x9f: {  	v45 =	vshll.u32 v3, $0x1  }
0xa0: {  	v3 =	vand.u32 $0x7, v3;
	v4 =	vand.u32 $0xFFFFFFF0, v45  }
0xa1: {  	v3 =	vor.u32 v3, v4  }
0xa2: {  	v4 =	vperm.xlane v3, v0;
	_ =	sdelay $0x1  }
0xa3: {  	v3 =	vperm.xlane v3, v2;
	v4 =	vadd.s32 v1, v4;
	_ =	sdelay $0x1  }
0xa4: {  	v3 =	vadd.s32 v1, v3;
	_ =	sdelay $0x1  }
0xa5: {  	s22 =	simm.s32 $0xD200  }
0xa6: {  	[tilespmem:s22], [sflag:$0x2] =	stream.indirect_vreg.gather [hbm4b:s2+s3], $0x80, v4, vm0, $0xb8;
	[tilespmem:$0x10200] =	vst v63  }
0xa7: {  	s22 =	simm.s32 $0xDA00  }
0xa8: {  	[tilespmem:s22], [sflag:$0x2] =	stream.indirect_vreg.gather [hbm4b:s2+s3], $0x80, v3, vm0, $0xb8;
	[tilespmem:$0x10200] =	vst v63  }
0xa9: {  	v3 =	vld [tilespmem:$0xE0];
	_ =	sdelay $0x4  }
0xaa: {  	v46 =	vshll.u32 v3, $0x1  }
0xab: {  	v3 =	vand.u32 $0x7, v3;
	v4 =	vand.u32 $0xFFFFFFF0, v46  }
0xac: {  	v3 =	vor.u32 v3, v4  }
0xad: {  	v4 =	vperm.xlane v3, v0;
	_ =	sdelay $0x1  }
0xae: {  	v3 =	vperm.xlane v3, v2;
	v4 =	vadd.s32 v1, v4;
	_ =	sdelay $0x1  }
0xaf: {  	v3 =	vadd.s32 v1, v3;
	_ =	sdelay $0x1  }
0xb0: {  	s22 =	simm.s32 $0xE200  }
0xb1: {  	[tilespmem:s22], [sflag:$0x2] =	stream.indirect_vreg.gather [hbm4b:s2+s3], $0x80, v4, vm0, $0xb8;
	[tilespmem:$0x10200] =	vst v63  }
0xb2: {  	s22 =	simm.s32 $0xEA00  }
0xb3: {  	[tilespmem:s22], [sflag:$0x2] =	stream.indirect_vreg.gather [hbm4b:s2+s3], $0x80, v3, vm0, $0xb8;
	[tilespmem:$0x10200] =	vst v63  }
0xb4: {  	v3 =	vld [tilespmem:$0xF0];
	_ =	sdelay $0x4  }
0xb5: {  	v47 =	vshll.u32 v3, $0x1  }
0xb6: {  	v3 =	vand.u32 $0x7, v3;
	v4 =	vand.u32 $0xFFFFFFF0, v47  }
0xb7: {  	v3 =	vor.u32 v3, v4  }
0xb8: {  	v4 =	vperm.xlane v3, v0;
	_ =	sdelay $0x1  }
0xb9: {  	v3 =	vperm.xlane v3, v2;
	v4 =	vadd.s32 v1, v4;
	_ =	sdelay $0x1  }
0xba: {  	v3 =	vadd.s32 v1, v3;
	_ =	sdelay $0x1  }
0xbb: {  	s22 =	simm.s32 $0xF200  }
0xbc: {  	[tilespmem:s22], [sflag:$0x2] =	stream.indirect_vreg.gather [hbm4b:s2+s3], $0x80, v4, vm0, $0xb8;
	[tilespmem:$0x10200] =	vst v63  }
0xbd: {  	s22 =	simm.s32 $0xFA00  }
0xbe: {  	[tilespmem:s22], [sflag:$0x2] =	stream.indirect_vreg.gather [hbm4b:s2+s3], $0x80, v3, vm0, $0xb8;
	[tilespmem:$0x10200] =	vst v63  }
0xbf: {  	_ =	swait.ge [sflag:s5], $0x8000  }
0xc0: {  	[sflag:s5] =	ssyncset.done $0x0  }
0xc1: {  	s22 =	simm.s32 $0x200;
	s16 =	rddreg [dreg:$0x5];
	[sflag:s5] =	ssyncadd.s32 $0xFFFF8000  }
0xc2: {  	[hbm4b:s16+s3] =	stream.linear.scatter [tilespmem:s22], [sflag:$0x3], $0x8000, $0x38;
	[tilespmem:$0x10200] =	vst v63  }
0xc3: {  	_ =	swait.ge [sflag:s13], $0x8000  }
0xc4: {  	[sflag:s13] =	ssyncset.done $0x0  }
0xc5: {  	[sflag:s13] =	ssyncadd.s32 $0xFFFF8000  }
0xc6: {  	v3 =	vld [tilespmem:$0x100];
	_ =	sdelay $0x4  }
0xc7: {  	v48 =	vshll.u32 v3, $0x1  }
0xc8: {  	v3 =	vand.u32 $0x7, v3;
	v4 =	vand.u32 $0xFFFFFFF0, v48  }
0xc9: {  	v3 =	vor.u32 v3, v4  }
0xca: {  	v4 =	vperm.xlane v3, v0;
	_ =	sdelay $0x1  }
0xcb: {  	v3 =	vperm.xlane v3, v2;
	v4 =	vadd.s32 v1, v4;
	_ =	sdelay $0x1  }
0xcc: {  	v3 =	vadd.s32 v1, v3;
	_ =	sdelay $0x2  }
0xcd: {  	[tilespmem:s22], [sflag:$0x1] =	stream.indirect_vreg.gather [hbm4b:s2+s3], $0x80, v4, vm0, $0xb8;
	[tilespmem:$0x10200] =	vst v63  }
0xce: {  	_ = 	snop  }
0xcf: {  	[tilespmem:s17], [sflag:$0x1] =	stream.indirect_vreg.gather [hbm4b:s2+s3], $0x80, v3, vm0, $0xb8;
	[tilespmem:$0x10200] =	vst v63  }
0xd0: {  	v3 =	vld [tilespmem:$0x110];
	_ =	sdelay $0x4  }
0xd1: {  	v49 =	vshll.u32 v3, $0x1  }
0xd2: {  	v3 =	vand.u32 $0x7, v3;
	v4 =	vand.u32 $0xFFFFFFF0, v49  }
0xd3: {  	v3 =	vor.u32 v3, v4  }
0xd4: {  	v4 =	vperm.xlane v3, v0;
	_ =	sdelay $0x1  }
0xd5: {  	v3 =	vperm.xlane v3, v2;
	v4 =	vadd.s32 v1, v4;
	_ =	sdelay $0x1  }
0xd6: {  	v3 =	vadd.s32 v1, v3;
	_ =	sdelay $0x2  }
0xd7: {  	[tilespmem:s18], [sflag:$0x1] =	stream.indirect_vreg.gather [hbm4b:s2+s3], $0x80, v4, vm0, $0xb8;
	[tilespmem:$0x10200] =	vst v63  }
0xd8: {  	_ = 	snop  }
0xd9: {  	[tilespmem:s19], [sflag:$0x1] =	stream.indirect_vreg.gather [hbm4b:s2+s3], $0x80, v3, vm0, $0xb8;
	[tilespmem:$0x10200] =	vst v63  }
0xda: {  	v3 =	vld [tilespmem:$0x120];
	_ =	sdelay $0x4  }
0xdb: {  	v50 =	vshll.u32 v3, $0x1  }
0xdc: {  	v3 =	vand.u32 $0x7, v3;
	v4 =	vand.u32 $0xFFFFFFF0, v50  }
0xdd: {  	v3 =	vor.u32 v3, v4  }
0xde: {  	v4 =	vperm.xlane v3, v0;
	_ =	sdelay $0x1  }
0xdf: {  	v3 =	vperm.xlane v3, v2;
	v4 =	vadd.s32 v1, v4;
	_ =	sdelay $0x1  }
0xe0: {  	v3 =	vadd.s32 v1, v3;
	_ =	sdelay $0x2  }
0xe1: {  	[tilespmem:s20], [sflag:$0x1] =	stream.indirect_vreg.gather [hbm4b:s2+s3], $0x80, v4, vm0, $0xb8;
	[tilespmem:$0x10200] =	vst v63  }
0xe2: {  	_ = 	snop  }
0xe3: {  	[tilespmem:s21], [sflag:$0x1] =	stream.indirect_vreg.gather [hbm4b:s2+s3], $0x80, v3, vm0, $0xb8;
	[tilespmem:$0x10200] =	vst v63  }
0xe4: {  	v3 =	vld [tilespmem:$0x130];
	_ =	sdelay $0x4  }
0xe5: {  	v51 =	vshll.u32 v3, $0x1  }
0xe6: {  	v3 =	vand.u32 $0x7, v3;
	v4 =	vand.u32 $0xFFFFFFF0, v51  }
0xe7: {  	v3 =	vor.u32 v3, v4  }
0xe8: {  	v4 =	vperm.xlane v3, v0;
	_ =	sdelay $0x1  }
0xe9: {  	v3 =	vperm.xlane v3, v2;
	v4 =	vadd.s32 v1, v4;
	_ =	sdelay $0x1  }
0xea: {  	v3 =	vadd.s32 v1, v3;
	_ =	sdelay $0x2  }
0xeb: {  	[tilespmem:s23], [sflag:$0x1] =	stream.indirect_vreg.gather [hbm4b:s2+s3], $0x80, v4, vm0, $0xb8;
	[tilespmem:$0x10200] =	vst v63  }
0xec: {  	_ = 	snop  }
0xed: {  	[tilespmem:s24], [sflag:$0x1] =	stream.indirect_vreg.gather [hbm4b:s2+s3], $0x80, v3, vm0, $0xb8;
	[tilespmem:$0x10200] =	vst v63  }
0xee: {  	v3 =	vld [tilespmem:$0x140];
	_ =	sdelay $0x4  }
0xef: {  	v52 =	vshll.u32 v3, $0x1  }
0xf0: {  	v3 =	vand.u32 $0x7, v3;
	v4 =	vand.u32 $0xFFFFFFF0, v52  }
0xf1: {  	v3 =	vor.u32 v3, v4  }
0xf2: {  	v4 =	vperm.xlane v3, v0;
	_ =	sdelay $0x1  }
0xf3: {  	v3 =	vperm.xlane v3, v2;
	v4 =	vadd.s32 v1, v4;
	_ =	sdelay $0x1  }
0xf4: {  	v3 =	vadd.s32 v1, v3;
	_ =	sdelay $0x2  }
0xf5: {  	[tilespmem:s25], [sflag:$0x1] =	stream.indirect_vreg.gather [hbm4b:s2+s3], $0x80, v4, vm0, $0xb8;
	[tilespmem:$0x10200] =	vst v63  }
0xf6: {  	_ = 	snop  }
0xf7: {  	[tilespmem:s26], [sflag:$0x1] =	stream.indirect_vreg.gather [hbm4b:s2+s3], $0x80, v3, vm0, $0xb8;
	[tilespmem:$0x10200] =	vst v63  }
0xf8: {  	v3 =	vld [tilespmem:$0x150];
	_ =	sdelay $0x4  }
0xf9: {  	v53 =	vshll.u32 v3, $0x1  }
0xfa: {  	v3 =	vand.u32 $0x7, v3;
	v4 =	vand.u32 $0xFFFFFFF0, v53  }
0xfb: {  	v3 =	vor.u32 v3, v4  }
0xfc: {  	v4 =	vperm.xlane v3, v0;
	_ =	sdelay $0x1  }
0xfd: {  	v3 =	vperm.xlane v3, v2;
	v4 =	vadd.s32 v1, v4;
	_ =	sdelay $0x1  }
0xfe: {  	v3 =	vadd.s32 v1, v3;
	_ =	sdelay $0x2  }
0xff: {  	[tilespmem:s28], [sflag:$0x1] =	stream.indirect_vreg.gather [hbm4b:s2+s3], $0x80, v4, vm0, $0xb8;
	[tilespmem:$0x10200] =	vst v63  }
0x100: {  	_ = 	snop  }
0x101: {  	[tilespmem:s29], [sflag:$0x1] =	stream.indirect_vreg.gather [hbm4b:s2+s3], $0x80, v3, vm0, $0xb8;
	[tilespmem:$0x10200] =	vst v63  }
0x102: {  	v3 =	vld [tilespmem:$0x160];
	_ =	sdelay $0x4  }
0x103: {  	v54 =	vshll.u32 v3, $0x1  }
0x104: {  	v3 =	vand.u32 $0x7, v3;
	v4 =	vand.u32 $0xFFFFFFF0, v54  }
0x105: {  	v3 =	vor.u32 v3, v4  }
0x106: {  	v4 =	vperm.xlane v3, v0;
	_ =	sdelay $0x1  }
0x107: {  	v3 =	vperm.xlane v3, v2;
	v4 =	vadd.s32 v1, v4;
	_ =	sdelay $0x1  }
0x108: {  	v3 =	vadd.s32 v1, v3;
	_ =	sdelay $0x2  }
0x109: {  	[tilespmem:s30], [sflag:$0x1] =	stream.indirect_vreg.gather [hbm4b:s2+s3], $0x80, v4, vm0, $0xb8;
	[tilespmem:$0x10200] =	vst v63  }
0x10a: {  	_ = 	snop  }
0x10b: {  	[tilespmem:s31], [sflag:$0x1] =	stream.indirect_vreg.gather [hbm4b:s2+s3], $0x80, v3, vm0, $0xb8;
	[tilespmem:$0x10200] =	vst v63  }
0x10c: {  	v3 =	vld [tilespmem:$0x170];
	_ =	sdelay $0x4  }
0x10d: {  	v55 =	vshll.u32 v3, $0x1  }
0x10e: {  	v3 =	vand.u32 $0x7, v3;
	v4 =	vand.u32 $0xFFFFFFF0, v55  }
0x10f: {  	v3 =	vor.u32 v3, v4  }
0x110: {  	v4 =	vperm.xlane v3, v0;
	_ =	sdelay $0x1  }
0x111: {  	v3 =	vperm.xlane v3, v2;
	v4 =	vadd.s32 v1, v4;
	_ =	sdelay $0x1  }
0x112: {  	v3 =	vadd.s32 v1, v3;
	_ =	sdelay $0x2  }
0x113: {  	[tilespmem:s1], [sflag:$0x1] =	stream.indirect_vreg.gather [hbm4b:s2+s3], $0x80, v4, vm0, $0xb8;
	[tilespmem:$0x10200] =	vst v63  }
0x114: {  	_ = 	snop  }
0x115: {  	[tilespmem:s0], [sflag:$0x1] =	stream.indirect_vreg.gather [hbm4b:s2+s3], $0x80, v3, vm0, $0xb8;
	[tilespmem:$0x10200] =	vst v63  }
0x116: {  	_ =	swait.ge [sflag:s14], $0x8000  }
0x117: {  	[sflag:s14] =	ssyncset.done $0x0  }
0x118: {  	s0 =	rddreg [dreg:$0x6];
	[sflag:s14] =	ssyncadd.s32 $0xFFFF8000  }
0x119: {  	[hbm4b:s0+s3] =	stream.linear.scatter [tilespmem:s12], [sflag:$0x4], $0x8000, $0x38;
	[tilespmem:$0x10200] =	vst v63  }
0x11a: {  	_ =	swait.ge [sflag:s15], $0x8000  }
0x11b: {  	[sflag:s15] =	ssyncset.done $0x0  }
0x11c: {  	[sflag:s15] =	ssyncadd.s32 $0xFFFF8000  }
0x11d: {  	v3 =	vld [tilespmem:$0x180];
	_ =	sdelay $0x4  }
0x11e: {  	v56 =	vshll.u32 v3, $0x1  }
0x11f: {  	v3 =	vand.u32 $0x7, v3;
	v4 =	vand.u32 $0xFFFFFFF0, v56  }
0x120: {  	v3 =	vor.u32 v3, v4  }
0x121: {  	v4 =	vperm.xlane v3, v0;
	_ =	sdelay $0x1  }
0x122: {  	v3 =	vperm.xlane v3, v2;
	v4 =	vadd.s32 v1, v4;
	_ =	sdelay $0x1  }
0x123: {  	v3 =	vadd.s32 v1, v3;
	_ =	sdelay $0x2  }
0x124: {  	[tilespmem:s12], [sflag:$0x2] =	stream.indirect_vreg.gather [hbm4b:s2+s3], $0x80, v4, vm0, $0xb8;
	[tilespmem:$0x10200] =	vst v63  }
0x125: {  	_ = 	snop  }
0x126: {  	[tilespmem:s7], [sflag:$0x2] =	stream.indirect_vreg.gather [hbm4b:s2+s3], $0x80, v3, vm0, $0xb8;
	[tilespmem:$0x10200] =	vst v63  }
0x127: {  	v3 =	vld [tilespmem:$0x190];
	_ =	sdelay $0x4  }
0x128: {  	v57 =	vshll.u32 v3, $0x1  }
0x129: {  	v3 =	vand.u32 $0x7, v3;
	v4 =	vand.u32 $0xFFFFFFF0, v57  }
0x12a: {  	v3 =	vor.u32 v3, v4  }
0x12b: {  	v4 =	vperm.xlane v3, v0;
	_ =	sdelay $0x1  }
0x12c: {  	v3 =	vperm.xlane v3, v2;
	v4 =	vadd.s32 v1, v4;
	_ =	sdelay $0x1  }
0x12d: {  	v3 =	vadd.s32 v1, v3;
	_ =	sdelay $0x2  }
0x12e: {  	[tilespmem:s8], [sflag:$0x2] =	stream.indirect_vreg.gather [hbm4b:s2+s3], $0x80, v4, vm0, $0xb8;
	[tilespmem:$0x10200] =	vst v63  }
0x12f: {  	_ = 	snop  }
0x130: {  	[tilespmem:s9], [sflag:$0x2] =	stream.indirect_vreg.gather [hbm4b:s2+s3], $0x80, v3, vm0, $0xb8;
	[tilespmem:$0x10200] =	vst v63  }
0x131: {  	v3 =	vld [tilespmem:$0x1A0];
	_ =	sdelay $0x4  }
0x132: {  	v58 =	vshll.u32 v3, $0x1  }
0x133: {  	v3 =	vand.u32 $0x7, v3;
	v4 =	vand.u32 $0xFFFFFFF0, v58  }
0x134: {  	v3 =	vor.u32 v3, v4  }
0x135: {  	v4 =	vperm.xlane v3, v0;
	_ =	sdelay $0x1  }
0x136: {  	v3 =	vperm.xlane v3, v2;
	v4 =	vadd.s32 v1, v4;
	_ =	sdelay $0x1  }
0x137: {  	v3 =	vadd.s32 v1, v3;
	_ =	sdelay $0x2  }
0x138: {  	[tilespmem:s10], [sflag:$0x2] =	stream.indirect_vreg.gather [hbm4b:s2+s3], $0x80, v4, vm0, $0xb8;
	[tilespmem:$0x10200] =	vst v63  }
0x139: {  	_ = 	snop  }
0x13a: {  	[tilespmem:s11], [sflag:$0x2] =	stream.indirect_vreg.gather [hbm4b:s2+s3], $0x80, v3, vm0, $0xb8;
	[tilespmem:$0x10200] =	vst v63  }
0x13b: {  	v3 =	vld [tilespmem:$0x1B0];
	_ =	sdelay $0x4  }
0x13c: {  	v59 =	vshll.u32 v3, $0x1  }
0x13d: {  	v3 =	vand.u32 $0x7, v3;
	v4 =	vand.u32 $0xFFFFFFF0, v59  }
0x13e: {  	v3 =	vor.u32 v3, v4  }
0x13f: {  	v4 =	vperm.xlane v3, v0;
	_ =	sdelay $0x1  }
0x140: {  	v3 =	vperm.xlane v3, v2;
	v4 =	vadd.s32 v1, v4;
	_ =	sdelay $0x1  }
0x141: {  	v3 =	vadd.s32 v1, v3;
	_ =	sdelay $0x1  }
0x142: {  	s16 =	simm.s32 $0xB200  }
0x143: {  	[tilespmem:s16], [sflag:$0x2] =	stream.indirect_vreg.gather [hbm4b:s2+s3], $0x80, v4, vm0, $0xb8;
	[tilespmem:$0x10200] =	vst v63  }
0x144: {  	_ = 	snop  }
0x145: {  	[tilespmem:s6], [sflag:$0x2] =	stream.indirect_vreg.gather [hbm4b:s2+s3], $0x80, v3, vm0, $0xb8;
	[tilespmem:$0x10200] =	vst v63  }
0x146: {  	v3 =	vld [tilespmem:$0x1C0];
	_ =	sdelay $0x4  }
0x147: {  	v60 =	vshll.u32 v3, $0x1  }
0x148: {  	v3 =	vand.u32 $0x7, v3;
	v4 =	vand.u32 $0xFFFFFFF0, v60  }
0x149: {  	v3 =	vor.u32 v3, v4  }
0x14a: {  	v4 =	vperm.xlane v3, v0;
	_ =	sdelay $0x1  }
0x14b: {  	v3 =	vperm.xlane v3, v2;
	v4 =	vadd.s32 v1, v4;
	_ =	sdelay $0x1  }
0x14c: {  	v3 =	vadd.s32 v1, v3;
	_ =	sdelay $0x1  }
0x14d: {  	s6 =	simm.s32 $0xC200  }
0x14e: {  	[tilespmem:s6], [sflag:$0x2] =	stream.indirect_vreg.gather [hbm4b:s2+s3], $0x80, v4, vm0, $0xb8;
	[tilespmem:$0x10200] =	vst v63  }
0x14f: {  	s16 =	simm.s32 $0xCA00  }
0x150: {  	[tilespmem:s16], [sflag:$0x2] =	stream.indirect_vreg.gather [hbm4b:s2+s3], $0x80, v3, vm0, $0xb8;
	[tilespmem:$0x10200] =	vst v63  }
0x151: {  	v3 =	vld [tilespmem:$0x1D0];
	_ =	sdelay $0x4  }
0x152: {  	v61 =	vshll.u32 v3, $0x1  }
0x153: {  	v3 =	vand.u32 $0x7, v3;
	v4 =	vand.u32 $0xFFFFFFF0, v61  }
0x154: {  	v3 =	vor.u32 v3, v4  }
0x155: {  	v4 =	vperm.xlane v3, v0;
	_ =	sdelay $0x1  }
0x156: {  	v3 =	vperm.xlane v3, v2;
	v4 =	vadd.s32 v1, v4;
	_ =	sdelay $0x1  }
0x157: {  	v3 =	vadd.s32 v1, v3;
	_ =	sdelay $0x1  }
0x158: {  	s6 =	simm.s32 $0xD200  }
0x159: {  	[tilespmem:s6], [sflag:$0x2] =	stream.indirect_vreg.gather [hbm4b:s2+s3], $0x80, v4, vm0, $0xb8;
	[tilespmem:$0x10200] =	vst v63  }
0x15a: {  	s16 =	simm.s32 $0xDA00  }
0x15b: {  	[tilespmem:s16], [sflag:$0x2] =	stream.indirect_vreg.gather [hbm4b:s2+s3], $0x80, v3, vm0, $0xb8;
	[tilespmem:$0x10200] =	vst v63  }
0x15c: {  	v3 =	vld [tilespmem:$0x1E0];
	_ =	sdelay $0x4  }
0x15d: {  	v62 =	vshll.u32 v3, $0x1  }
0x15e: {  	v3 =	vand.u32 $0x7, v3;
	v4 =	vand.u32 $0xFFFFFFF0, v62  }
0x15f: {  	v3 =	vor.u32 v3, v4  }
0x160: {  	v4 =	vperm.xlane v3, v0;
	_ =	sdelay $0x1  }
0x161: {  	v3 =	vperm.xlane v3, v2;
	v4 =	vadd.s32 v1, v4;
	_ =	sdelay $0x1  }
0x162: {  	v3 =	vadd.s32 v1, v3;
	_ =	sdelay $0x1  }
0x163: {  	s6 =	simm.s32 $0xE200  }
0x164: {  	[tilespmem:s6], [sflag:$0x2] =	stream.indirect_vreg.gather [hbm4b:s2+s3], $0x80, v4, vm0, $0xb8;
	[tilespmem:$0x10200] =	vst v63  }
0x165: {  	s16 =	simm.s32 $0xEA00  }
0x166: {  	[tilespmem:s16], [sflag:$0x2] =	stream.indirect_vreg.gather [hbm4b:s2+s3], $0x80, v3, vm0, $0xb8;
	[tilespmem:$0x10200] =	vst v63  }
0x167: {  	v3 =	vld [tilespmem:$0x1F0];
	_ =	sdelay $0x4  }
0x168: {  	v63 =	vshll.u32 v3, $0x1  }
0x169: {  	v3 =	vand.u32 $0x7, v3;
	v4 =	vand.u32 $0xFFFFFFF0, v63  }
0x16a: {  	v3 =	vor.u32 v3, v4  }
0x16b: {  	v4 =	vperm.xlane v3, v0;
	_ =	sdelay $0x1  }
0x16c: {  	v3 =	vperm.xlane v3, v2;
	v4 =	vadd.s32 v1, v4;
	_ =	sdelay $0x1  }
0x16d: {  	v3 =	vadd.s32 v1, v3;
	_ =	sdelay $0x1  }
0x16e: {  	s6 =	simm.s32 $0xF200  }
0x16f: {  	[tilespmem:s6], [sflag:$0x2] =	stream.indirect_vreg.gather [hbm4b:s2+s3], $0x80, v4, vm0, $0xb8;
	[tilespmem:$0x10200] =	vst v63  }
0x170: {  	s16 =	simm.s32 $0xFA00  }
0x171: {  	[tilespmem:s16], [sflag:$0x2] =	stream.indirect_vreg.gather [hbm4b:s2+s3], $0x80, v3, vm0, $0xb8;
	[tilespmem:$0x10200] =	vst v63  }
0x172: {  	_ =	swait.ge [sflag:s5], $0x8000  }
0x173: {  	[sflag:s5] =	ssyncset.done $0x0  }
0x174: {  	s22 =	simm.s32 $0x200;
	s6 =	rddreg [dreg:$0x7];
	[sflag:s5] =	ssyncadd.s32 $0xFFFF8000  }
0x175: {  	[hbm4b:s6+s3] =	stream.linear.scatter [tilespmem:s22], [sflag:$0x3], $0x8000, $0x38;
	[tilespmem:$0x10200] =	vst v63  }
0x176: {  	_ =	swait.ge [sflag:s14], $0x8000  }
0x177: {  	[sflag:s14] =	ssyncset.done $0x0  }
0x178: {  	s22 =	rddreg [dreg:$0x8];
	[sflag:s14] =	ssyncadd.s32 $0xFFFF8000  }
0x179: {  	[hbm4b:s22+s3] =	stream.linear.scatter [tilespmem:s12], [sflag:$0x4], $0x8000, $0x38;
	[tilespmem:$0x10200] =	vst v63  }
0x17a: {  	p0 =	sne.s32 s4, $0x1;
	_ =	swait.ge [sflag:s13], $0x8000  }
.Ltmp0:
0x17b: {  	[sflag:s13] =	ssyncset.done $0x0;
	(pc) =	sbr.rel @p0 .LBB2_1-.Ltmp0, $4  }
0x17c: {  	[sflag:s13] =	ssyncadd.s32 $0xFFFF8000  }
0x17d: {  	_ =	swait.ge [sflag:s15], $0x8000  }
0x17e: {  	[sflag:s15] =	ssyncset.done $0x0  }
0x17f: {  	s4 =	sadd.s32 $0xFFFFFFFF, s4;
	[sflag:s15] =	ssyncadd.s32 $0xFFFF8000  }
0x180: {  	_ =	sfence.sel $0x180000  }
0x181: {  	[bflag:$0x0] =	sbarrier.arrive $0xFFFF  }
0x182: {  	_ =	strace $0x90000047  }
0x183: {  	s0 =	stileid.u32;
	[bflag:$0x2] =	sbarrier.arrive $0xFFFF  }
0x184: {  	p0 =	sne.s32 s0, $0x0;
	s0 =	rddreg [dreg:$0x3]  }
0x185: {  	s0 =	sadd.s32 @!p0 $0x100000, s0  }
0x186: {  	[sflag:s0] =	ssyncadd.tile.s32 @!p0 $0x1;
	_ =	shalt  }
.Lfunc_end2:
_tile_overlayer_lowered:
.L_overlay_start_2:
0x187: {  	(tag) =	ssettag $0x2  }
0x188: {  	s0 =	rddreg [dreg:$0x0];
	s2 =	stileid.u32  }
0x189: {  	s1 =	rddreg [dreg:$0x1];
	p0 =	sne.s32 s2, $0x0  }
0x18a: {  	s3 =	rddreg [dreg:$0x2];
	[bflag:$0x3] =	sbarrier.arrive $0xFFFF;
	s2 =	simm.s32 @!p0 $0x1C05  }
0x18b: {  	[timem:s3], [sflag:s2] =	dma.local @!p0 [hbm:s0], s1  }
0x18c: {  	s0 =	simm.s32 @!p0 $0x5  }
0x18d: {  	_ =	swait.ge @!p0 [sflag:s0], s1  }
0x18e: {  	s1 =	ssub.s32 @!p0 $0x0, s1;
	[sflag:s0] =	ssyncset.done @!p0 $0x0  }
0x18f: {  	[sflag:s0] =	ssyncadd.s32 @!p0 s1  }
0x190: {  	[bflag:$0x3] =	sbarrier.arrive $0xFFFF  }
0x191: {  	_ =	shalt  }

</sc_bundles>
